<compile_context>
chip_gen: v7x
topology: tpu7x:2x2x1
jax: 0.10.2.dev20260603
libtpu: 0.0.44.dev20260713+nightly
codegen_flags: <defaults>
</compile_context>

<pallas_src>
import functools

import jax
import jax.numpy as jnp
from jax import lax
from jax.experimental import pallas as pl
from jax.experimental.pallas import tpu as pltpu
from jax.experimental.pallas import tpu_sc as plsc

N = 10000
E = 320000
D = 128
NC = 2
NS = 16
NW = NC * NS
EPW = 10240
EPAD = EPW * NW
CHUNK = 128
NCHUNK = EPW // CHUNK
NBUF = 2
NG = NCHUNK // NBUF
HCH = 80
HNCH = EPW // HCH
HNB = 4
HNG = HNCH // HNB
NPAD = 10240
RPT = NPAD // NS

_sc_mesh = plsc.VectorSubcoreMesh(core_axis_name="c", subcore_axis_name="s")



DNB = 4


@functools.partial(
    pl.kernel,
    out_type=jax.ShapeDtypeStruct((NC, NPAD, D), jnp.float32),
    mesh=_sc_mesh,
    scratch_types=[
        pltpu.VMEM((NCHUNK, CHUNK), jnp.int32),
        pltpu.VMEM((CHUNK, D), jnp.float32),
        pltpu.VMEM_SHARED((NPAD, D), jnp.float32),
    ] + [pltpu.SemaphoreType.DMA] * DNB,
)
def _deg_kernel(col_hbm, ones_hbm, zeros_hbm, out_hbm, idx_c, ones_v, tab,
                *sems):
    c = lax.axis_index("c")
    s = lax.axis_index("s")
    wid = c * NS + s
    pltpu.sync_copy(zeros_hbm, tab.at[pl.ds(s * RPT, RPT)])
    pltpu.sync_copy(col_hbm.at[wid], idx_c)
    pltpu.sync_copy(ones_hbm, ones_v)
    plsc.subcore_barrier()

    def body(g, carry):
        for b in range(DNB):
            i = g * DNB + b

            @pl.when(g > 0)
            def _():
                pltpu.make_async_copy(
                    ones_v, tab.at[idx_c.at[0]], sems[b]).wait()

            pltpu.async_copy(ones_v, tab.at[idx_c.at[i]], sems[b], add=True)
        return carry

    lax.fori_loop(0, NCHUNK // DNB, body, 0)
    for b in range(DNB):
        pltpu.make_async_copy(ones_v, tab.at[idx_c.at[0]], sems[b]).wait()
    plsc.subcore_barrier()
    pltpu.sync_copy(tab.at[pl.ds(s * RPT, RPT)],
                    out_hbm.at[c, pl.ds(s * RPT, RPT)])



@functools.partial(
    pl.kernel,
    out_type=jax.ShapeDtypeStruct((NC, NPAD, D), jnp.float32),
    mesh=_sc_mesh,
    scratch_types=[pltpu.VMEM((HCH,), jnp.int32)] * HNB
      + [pltpu.VMEM((1, HCH), jnp.int32)] * HNB
      + [pltpu.VMEM((HCH, D), jnp.float32)] * HNB + [
        pltpu.VMEM_SHARED((NPAD, D), jnp.float32),
    ] + [pltpu.SemaphoreType.DMA] * (4 * HNB),
)
def _hop_kernel(u_hbm, row_hbm, col_hbm, zeros_hbm, out_hbm, *bufs):
    idxb = bufs[:HNB]
    dstb = bufs[HNB:2 * HNB]
    rows = bufs[2 * HNB:3 * HNB]
    acc = bufs[3 * HNB]
    semi = bufs[3 * HNB + 1:3 * HNB + 1 + HNB]
    semd = bufs[3 * HNB + 1 + HNB:3 * HNB + 1 + 2 * HNB]
    semg = bufs[3 * HNB + 1 + 2 * HNB:3 * HNB + 1 + 3 * HNB]
    sems_ = bufs[3 * HNB + 1 + 3 * HNB:]
    c = lax.axis_index("c")
    s = lax.axis_index("s")
    wid = c * NS + s
    pltpu.sync_copy(zeros_hbm, acc.at[pl.ds(s * RPT, RPT)])
    for b in range(HNB):
        pltpu.async_copy(row_hbm.at[wid, b], idxb[b], semi[b])
        pltpu.async_copy(col_hbm.at[wid, b], dstb[b], semd[b])
    plsc.subcore_barrier()

    def body(g, carry):
        for b in range(HNB):
            i = g * HNB + b

            @pl.when(g > 0)
            def _():
                pltpu.make_async_copy(
                    rows[b], acc.at[dstb[b].at[0]], sems_[b]).wait()
                pltpu.async_copy(col_hbm.at[wid, i], dstb[b], semd[b])

            pltpu.make_async_copy(row_hbm.at[wid, 0], idxb[b], semi[b]).wait()
            pltpu.async_copy(u_hbm.at[idxb[b]], rows[b], semg[b])
        for b in range(HNB):
            i = g * HNB + b
            pltpu.make_async_copy(
                u_hbm.at[idxb[b]], rows[b], semg[b]).wait()

            @pl.when(i + HNB < HNCH)
            def _():
                pltpu.async_copy(row_hbm.at[wid, i + HNB], idxb[b], semi[b])

            pltpu.make_async_copy(col_hbm.at[wid, 0], dstb[b], semd[b]).wait()
            pltpu.async_copy(rows[b], acc.at[dstb[b].at[0]], sems_[b],
                             add=True)
        return carry

    lax.fori_loop(0, HNG, body, 0)
    for b in range(HNB):
        pltpu.make_async_copy(rows[b], acc.at[dstb[b].at[0]], sems_[b]).wait()
    plsc.subcore_barrier()
    pltpu.sync_copy(acc.at[pl.ds(s * RPT, RPT)],
                    out_hbm.at[c, pl.ds(s * RPT, RPT)])



_R = 2000
_GRID = N // _R


def _deg_of(d0, d1):
    return d0[:, :1] + d1[:, :1] + 1.0


def _mm_body(x_ref, wt_ref, d0_ref, d1_ref, y_ref):
    dinv = lax.rsqrt(_deg_of(d0_ref[...], d1_ref[...]))
    y_ref[...] = dinv * jnp.dot(x_ref[...], wt_ref[...],
                                preferred_element_type=jnp.float32)


def _comb_body(p0_ref, p1_ref, u_ref, d0_ref, d1_ref, o_ref):
    deg = _deg_of(d0_ref[...], d1_ref[...])
    o_ref[...] = (p0_ref[...] + p1_ref[...] + u_ref[...]) / deg


def _final_body(p0_ref, p1_ref, u_ref, d0_ref, d1_ref, b_ref, o_ref):
    dinv = lax.rsqrt(_deg_of(d0_ref[...], d1_ref[...]))
    o_ref[...] = (p0_ref[...] + p1_ref[...] + u_ref[...]) * dinv + b_ref[...]


_row_spec = pl.BlockSpec((_R, D), lambda i: (i, 0))
_w_spec = pl.BlockSpec((D, D), lambda i: (0, 0))
_b_spec = pl.BlockSpec((1, D), lambda i: (0, 0))
_out_row = jax.ShapeDtypeStruct((N, D), jnp.float32)

_mm_call = pl.pallas_call(
    _mm_body, grid=(_GRID,),
    in_specs=[_row_spec, _w_spec, _row_spec, _row_spec],
    out_specs=_row_spec, out_shape=_out_row)

_comb_call = pl.pallas_call(
    _comb_body, grid=(_GRID,),
    in_specs=[_row_spec, _row_spec, _row_spec, _row_spec, _row_spec],
    out_specs=_row_spec, out_shape=_out_row)

_final_call = pl.pallas_call(
    _final_body, grid=(_GRID,),
    in_specs=[_row_spec, _row_spec, _row_spec, _row_spec, _row_spec, _b_spec],
    out_specs=_row_spec, out_shape=_out_row)


def kernel(x, edge_index, W, b):
    npad = EPAD - E
    ar = jnp.arange(npad, dtype=jnp.int32)
    row = jnp.concatenate([edge_index[0], ar % N])
    col = jnp.concatenate([edge_index[1], N + ar % (NPAD - N)])
    row_h = row.reshape(NW, HNCH, HCH)
    col_h = col.reshape(NW, HNCH, 1, HCH)
    col = col.reshape(NW, NCHUNK, CHUNK)
    wt = W.T
    ones_deg = jnp.ones((CHUNK, D), jnp.float32)
    zeros_row = jnp.zeros((RPT, D), jnp.float32)
    b2 = b.reshape(1, D)

    degp = _deg_kernel(col, ones_deg, zeros_row)
    d0, d1 = degp[0], degp[1]

    u0 = _mm_call(x, wt, d0, d1)
    p = _hop_kernel(u0, row_h, col_h, zeros_row)
    u1 = _comb_call(p[0], p[1], u0, d0, d1)
    p = _hop_kernel(u1, row_h, col_h, zeros_row)
    out = _final_call(p[0], p[1], u1, d0, d1, b2)
    return (out, out)

# --- scband reference (transcript-rebuilt; emitter-appended) ---
"""Pipeline reference for scband-sgc-18983755448626 (READ-ONLY COPY).

The authoritative reference and input builder live on the scoring server;
editing this copy changes nothing except your own understanding.
"""

import jax, jax.numpy as jnp
import numpy as np

N = 10000
E = 320000
D_IN = 128
D_OUT = 128
K = 2

def setup_inputs(seed: int = 0) -> dict:
    key = jax.random.key(seed)
    k1, k2, k3, k4 = jax.random.split(key, 4)
    x = jax.random.normal(k1, (N, D_IN), dtype=jnp.float32)
    edge_index = jax.random.randint(k2, (2, E), 0, N, dtype=jnp.int32)
    # Learned parameters of SGConv's internal Linear; reset_parameters() fills uniform_()
    W = jax.random.uniform(k3, (D_OUT, D_IN), dtype=jnp.float32)
    b = jax.random.uniform(k4, (D_OUT,), dtype=jnp.float32)
    return {"x": x, "edge_index": edge_index, "W": W, "b": b}

def reference(x, edge_index, W, b):
    # SGConv(K=2): K rounds of gcn_norm propagation with self-loops, then linear.
    loop = jnp.arange(N, dtype=edge_index.dtype)
    row = jnp.concatenate([edge_index[0], loop])
    col = jnp.concatenate([edge_index[1], loop])
    ew = jnp.ones(row.shape[0], dtype=x.dtype)
    deg = jax.ops.segment_sum(ew, col, num_segments=N)
    dinv = jnp.where(deg > 0, 1.0 / jnp.sqrt(deg), 0.0)
    norm = dinv[row] * ew * dinv[col]
    h = x
    for _ in range(K):
        h = jax.ops.segment_sum(norm[:, None] * h[row], col, num_segments=N)
    out = h @ W.T + b
    return (out, out)

if __name__ == "__main__":
    import jax
    _d = setup_inputs()
    print(jax.jit(kernel)(*tuple(_d.values())))

</pallas_src>

<mosaic_0001>
#map = affine_map<(d0, d1) -> (0, 0)>
#map1 = affine_map<(d0, d1) -> (0, 0, 0)>
#map2 = affine_map<(d0, d1) -> (0, 0, 0, 0)>
module attributes {stable_mosaic.version = 14 : i64} {
  func.func @_hop_kernel(%arg0: i32, %arg1: i32, %arg2: memref<10000x128xf32, #tpu.memory_space<hbm>>, %arg3: memref<32x128x80xi32, #tpu.memory_space<hbm>>, %arg4: memref<32x128x1x80xi32, #tpu.memory_space<hbm>>, %arg5: memref<640x128xf32, #tpu.memory_space<hbm>>, %arg6: memref<2x10240x128xf32, #tpu.memory_space<hbm>>, %arg7: memref<80xi32, #tpu.memory_space<vmem>>, %arg8: memref<80xi32, #tpu.memory_space<vmem>>, %arg9: memref<80xi32, #tpu.memory_space<vmem>>, %arg10: memref<80xi32, #tpu.memory_space<vmem>>, %arg11: memref<1x80xi32, #tpu.memory_space<vmem>>, %arg12: memref<1x80xi32, #tpu.memory_space<vmem>>, %arg13: memref<1x80xi32, #tpu.memory_space<vmem>>, %arg14: memref<1x80xi32, #tpu.memory_space<vmem>>, %arg15: memref<80x128xf32, #tpu.memory_space<vmem>>, %arg16: memref<80x128xf32, #tpu.memory_space<vmem>>, %arg17: memref<80x128xf32, #tpu.memory_space<vmem>>, %arg18: memref<80x128xf32, #tpu.memory_space<vmem>>, %arg19: memref<10240x128xf32, #tpu.memory_space<vmem_shared>>, %arg20: memref<!tpu.dma_semaphore, #tpu.memory_space<semaphore_mem>>, %arg21: memref<!tpu.dma_semaphore, #tpu.memory_space<semaphore_mem>>, %arg22: memref<!tpu.dma_semaphore, #tpu.memory_space<semaphore_mem>>, %arg23: memref<!tpu.dma_semaphore, #tpu.memory_space<semaphore_mem>>, %arg24: memref<!tpu.dma_semaphore, #tpu.memory_space<semaphore_mem>>, %arg25: memref<!tpu.dma_semaphore, #tpu.memory_space<semaphore_mem>>, %arg26: memref<!tpu.dma_semaphore, #tpu.memory_space<semaphore_mem>>, %arg27: memref<!tpu.dma_semaphore, #tpu.memory_space<semaphore_mem>>, %arg28: memref<!tpu.dma_semaphore, #tpu.memory_space<semaphore_mem>>, %arg29: memref<!tpu.dma_semaphore, #tpu.memory_space<semaphore_mem>>, %arg30: memref<!tpu.dma_semaphore, #tpu.memory_space<semaphore_mem>>, %arg31: memref<!tpu.dma_semaphore, #tpu.memory_space<semaphore_mem>>, %arg32: memref<!tpu.dma_semaphore, #tpu.memory_space<semaphore_mem>>, %arg33: memref<!tpu.dma_semaphore, #tpu.memory_space<semaphore_mem>>, %arg34: memref<!tpu.dma_semaphore, #tpu.memory_space<semaphore_mem>>, %arg35: memref<!tpu.dma_semaphore, #tpu.memory_space<semaphore_mem>>) attributes {dimension_semantics = [#tpu.dimension_semantics<core_parallel>, #tpu.dimension_semantics<subcore_parallel>], iteration_bounds = array<i64: 2, 16>, scalar_prefetch = 0 : i64, scratch_operands = 29 : i64, tpu.core_type = #tpu.core_type<sc_vector_subcore>, window_params = [{transform_indices = #map}, {transform_indices = #map1}, {transform_indices = #map2}, {transform_indices = #map}, {transform_indices = #map1}]} {
    %mul3A = arith.constant 16 : i32
    %mul3A_0 = arith.muli %arg0, %mul3A : i32
    %add3A = arith.addi %mul3A_0, %arg1 : i32
    %mul3A_1 = arith.constant 640 : i32
    %mul3A_2 = arith.muli %arg1, %mul3A_1 : i32
    "tpu.region"() ({
      %run_scoped3A = tpu.sem_alloc : memref<!tpu.dma_semaphore, #tpu.memory_space<semaphore_mem>>
      %dma_start3A_103 = arith.constant 0 : i32
      %dma_start3A_104 = tpu.memref_slice %arg19[%mul3A_2, %dma_start3A_103] : memref<10240x128xf32, #tpu.memory_space<vmem_shared>> -> memref<640x128xf32, #tpu.memory_space<vmem_shared>>
      tpu.enqueue_dma source(%arg5 : memref<640x128xf32, #tpu.memory_space<hbm>>) target(%dma_start3A_104 : memref<640x128xf32, #tpu.memory_space<vmem_shared>>) target_semaphore(%run_scoped3A : memref<!tpu.dma_semaphore, #tpu.memory_space<semaphore_mem>>)
      %dma_wait3A_105 = arith.constant 0 : i32
      %dma_wait3A_106 = tpu.memref_slice %arg19[%mul3A_2, %dma_wait3A_105] : memref<10240x128xf32, #tpu.memory_space<vmem_shared>> -> memref<640x128xf32, #tpu.memory_space<vmem_shared>>
      tpu.wait_dma2 semaphore(%run_scoped3A : memref<!tpu.dma_semaphore, #tpu.memory_space<semaphore_mem>>) src(%arg5 : memref<640x128xf32, #tpu.memory_space<hbm>>) dst(%dma_wait3A_106 : memref<640x128xf32, #tpu.memory_space<vmem_shared>>)
      tpu.yield
    }) : () -> ()
    %dma_start3A = arith.constant 0 : i32
    %dma_start3A_3 = arith.constant 0 : i32
    %dma_start3A_4 = tpu.memref_slice %arg3[%add3A, %dma_start3A, %dma_start3A_3] : memref<32x128x80xi32, #tpu.memory_space<hbm>> -> memref<1x1x80xi32, #tpu.memory_space<hbm>>
    %dma_start3A_5 = tpu.memref_squeeze %dma_start3A_4 : memref<1x1x80xi32, #tpu.memory_space<hbm>> -> memref<80xi32, #tpu.memory_space<hbm>>
    %dma_start3A_6 = arith.constant 0 : i32
    %dma_start3A_7 = tpu.memref_slice %arg3[%add3A, %dma_start3A, %dma_start3A_6] : memref<32x128x80xi32, #tpu.memory_space<hbm>> -> memref<1x1x80xi32, #tpu.memory_space<hbm>>
    %dma_start3A_8 = tpu.memref_squeeze %dma_start3A_7 : memref<1x1x80xi32, #tpu.memory_space<hbm>> -> memref<80xi32, #tpu.memory_space<hbm>>
    tpu.enqueue_dma source(%dma_start3A_8 : memref<80xi32, #tpu.memory_space<hbm>>) target(%arg7 : memref<80xi32, #tpu.memory_space<vmem>>) target_semaphore(%arg20 : memref<!tpu.dma_semaphore, #tpu.memory_space<semaphore_mem>>)
    %dma_start3A_9 = arith.constant 0 : i32
    %dma_start3A_10 = arith.constant 0 : i32
    %dma_start3A_11 = arith.constant 0 : i32
    %dma_start3A_12 = tpu.memref_slice %arg4[%add3A, %dma_start3A_9, %dma_start3A_10, %dma_start3A_11] : memref<32x128x1x80xi32, #tpu.memory_space<hbm>> -> memref<1x1x1x80xi32, #tpu.memory_space<hbm>>
    %dma_start3A_13 = tpu.memref_squeeze %dma_start3A_12 : memref<1x1x1x80xi32, #tpu.memory_space<hbm>> -> memref<1x80xi32, #tpu.memory_space<hbm>>
    %dma_start3A_14 = arith.constant 0 : i32
    %dma_start3A_15 = arith.constant 0 : i32
    %dma_start3A_16 = tpu.memref_slice %arg4[%add3A, %dma_start3A_9, %dma_start3A_14, %dma_start3A_15] : memref<32x128x1x80xi32, #tpu.memory_space<hbm>> -> memref<1x1x1x80xi32, #tpu.memory_space<hbm>>
    %dma_start3A_17 = tpu.memref_squeeze %dma_start3A_16 : memref<1x1x1x80xi32, #tpu.memory_space<hbm>> -> memref<1x80xi32, #tpu.memory_space<hbm>>
    tpu.enqueue_dma source(%dma_start3A_17 : memref<1x80xi32, #tpu.memory_space<hbm>>) target(%arg11 : memref<1x80xi32, #tpu.memory_space<vmem>>) target_semaphore(%arg24 : memref<!tpu.dma_semaphore, #tpu.memory_space<semaphore_mem>>)
    %dma_start3A_18 = arith.constant 1 : i32
    %dma_start3A_19 = arith.constant 0 : i32
    %dma_start3A_20 = tpu.memref_slice %arg3[%add3A, %dma_start3A_18, %dma_start3A_19] : memref<32x128x80xi32, #tpu.memory_space<hbm>> -> memref<1x1x80xi32, #tpu.memory_space<hbm>>
    %dma_start3A_21 = tpu.memref_squeeze %dma_start3A_20 : memref<1x1x80xi32, #tpu.memory_space<hbm>> -> memref<80xi32, #tpu.memory_space<hbm>>
    %dma_start3A_22 = arith.constant 0 : i32
    %dma_start3A_23 = tpu.memref_slice %arg3[%add3A, %dma_start3A_18, %dma_start3A_22] : memref<32x128x80xi32, #tpu.memory_space<hbm>> -> memref<1x1x80xi32, #tpu.memory_space<hbm>>
    %dma_start3A_24 = tpu.memref_squeeze %dma_start3A_23 : memref<1x1x80xi32, #tpu.memory_space<hbm>> -> memref<80xi32, #tpu.memory_space<hbm>>
    tpu.enqueue_dma source(%dma_start3A_24 : memref<80xi32, #tpu.memory_space<hbm>>) target(%arg8 : memref<80xi32, #tpu.memory_space<vmem>>) target_semaphore(%arg21 : memref<!tpu.dma_semaphore, #tpu.memory_space<semaphore_mem>>)
    %dma_start3A_25 = arith.constant 1 : i32
    %dma_start3A_26 = arith.constant 0 : i32
    %dma_start3A_27 = arith.constant 0 : i32
    %dma_start3A_28 = tpu.memref_slice %arg4[%add3A, %dma_start3A_25, %dma_start3A_26, %dma_start3A_27] : memref<32x128x1x80xi32, #tpu.memory_space<hbm>> -> memref<1x1x1x80xi32, #tpu.memory_space<hbm>>
    %dma_start3A_29 = tpu.memref_squeeze %dma_start3A_28 : memref<1x1x1x80xi32, #tpu.memory_space<hbm>> -> memref<1x80xi32, #tpu.memory_space<hbm>>
    %dma_start3A_30 = arith.constant 0 : i32
    %dma_start3A_31 = arith.constant 0 : i32
    %dma_start3A_32 = tpu.memref_slice %arg4[%add3A, %dma_start3A_25, %dma_start3A_30, %dma_start3A_31] : memref<32x128x1x80xi32, #tpu.memory_space<hbm>> -> memref<1x1x1x80xi32, #tpu.memory_space<hbm>>
    %dma_start3A_33 = tpu.memref_squeeze %dma_start3A_32 : memref<1x1x1x80xi32, #tpu.memory_space<hbm>> -> memref<1x80xi32, #tpu.memory_space<hbm>>
    tpu.enqueue_dma source(%dma_start3A_33 : memref<1x80xi32, #tpu.memory_space<hbm>>) target(%arg12 : memref<1x80xi32, #tpu.memory_space<vmem>>) target_semaphore(%arg25 : memref<!tpu.dma_semaphore, #tpu.memory_space<semaphore_mem>>)
    %dma_start3A_34 = arith.constant 2 : i32
    %dma_start3A_35 = arith.constant 0 : i32
    %dma_start3A_36 = tpu.memref_slice %arg3[%add3A, %dma_start3A_34, %dma_start3A_35] : memref<32x128x80xi32, #tpu.memory_space<hbm>> -> memref<1x1x80xi32, #tpu.memory_space<hbm>>
    %dma_start3A_37 = tpu.memref_squeeze %dma_start3A_36 : memref<1x1x80xi32, #tpu.memory_space<hbm>> -> memref<80xi32, #tpu.memory_space<hbm>>
    %dma_start3A_38 = arith.constant 0 : i32
    %dma_start3A_39 = tpu.memref_slice %arg3[%add3A, %dma_start3A_34, %dma_start3A_38] : memref<32x128x80xi32, #tpu.memory_space<hbm>> -> memref<1x1x80xi32, #tpu.memory_space<hbm>>
    %dma_start3A_40 = tpu.memref_squeeze %dma_start3A_39 : memref<1x1x80xi32, #tpu.memory_space<hbm>> -> memref<80xi32, #tpu.memory_space<hbm>>
    tpu.enqueue_dma source(%dma_start3A_40 : memref<80xi32, #tpu.memory_space<hbm>>) target(%arg9 : memref<80xi32, #tpu.memory_space<vmem>>) target_semaphore(%arg22 : memref<!tpu.dma_semaphore, #tpu.memory_space<semaphore_mem>>)
    %dma_start3A_41 = arith.constant 2 : i32
    %dma_start3A_42 = arith.constant 0 : i32
    %dma_start3A_43 = arith.constant 0 : i32
    %dma_start3A_44 = tpu.memref_slice %arg4[%add3A, %dma_start3A_41, %dma_start3A_42, %dma_start3A_43] : memref<32x128x1x80xi32, #tpu.memory_space<hbm>> -> memref<1x1x1x80xi32, #tpu.memory_space<hbm>>
    %dma_start3A_45 = tpu.memref_squeeze %dma_start3A_44 : memref<1x1x1x80xi32, #tpu.memory_space<hbm>> -> memref<1x80xi32, #tpu.memory_space<hbm>>
    %dma_start3A_46 = arith.constant 0 : i32
    %dma_start3A_47 = arith.constant 0 : i32
    %dma_start3A_48 = tpu.memref_slice %arg4[%add3A, %dma_start3A_41, %dma_start3A_46, %dma_start3A_47] : memref<32x128x1x80xi32, #tpu.memory_space<hbm>> -> memref<1x1x1x80xi32, #tpu.memory_space<hbm>>
    %dma_start3A_49 = tpu.memref_squeeze %dma_start3A_48 : memref<1x1x1x80xi32, #tpu.memory_space<hbm>> -> memref<1x80xi32, #tpu.memory_space<hbm>>
    tpu.enqueue_dma source(%dma_start3A_49 : memref<1x80xi32, #tpu.memory_space<hbm>>) target(%arg13 : memref<1x80xi32, #tpu.memory_space<vmem>>) target_semaphore(%arg26 : memref<!tpu.dma_semaphore, #tpu.memory_space<semaphore_mem>>)
    %dma_start3A_50 = arith.constant 3 : i32
    %dma_start3A_51 = arith.constant 0 : i32
    %dma_start3A_52 = tpu.memref_slice %arg3[%add3A, %dma_start3A_50, %dma_start3A_51] : memref<32x128x80xi32, #tpu.memory_space<hbm>> -> memref<1x1x80xi32, #tpu.memory_space<hbm>>
    %dma_start3A_53 = tpu.memref_squeeze %dma_start3A_52 : memref<1x1x80xi32, #tpu.memory_space<hbm>> -> memref<80xi32, #tpu.memory_space<hbm>>
    %dma_start3A_54 = arith.constant 0 : i32
    %dma_start3A_55 = tpu.memref_slice %arg3[%add3A, %dma_start3A_50, %dma_start3A_54] : memref<32x128x80xi32, #tpu.memory_space<hbm>> -> memref<1x1x80xi32, #tpu.memory_space<hbm>>
    %dma_start3A_56 = tpu.memref_squeeze %dma_start3A_55 : memref<1x1x80xi32, #tpu.memory_space<hbm>> -> memref<80xi32, #tpu.memory_space<hbm>>
    tpu.enqueue_dma source(%dma_start3A_56 : memref<80xi32, #tpu.memory_space<hbm>>) target(%arg10 : memref<80xi32, #tpu.memory_space<vmem>>) target_semaphore(%arg23 : memref<!tpu.dma_semaphore, #tpu.memory_space<semaphore_mem>>)
    %dma_start3A_57 = arith.constant 3 : i32
    %dma_start3A_58 = arith.constant 0 : i32
    %dma_start3A_59 = arith.constant 0 : i32
    %dma_start3A_60 = tpu.memref_slice %arg4[%add3A, %dma_start3A_57, %dma_start3A_58, %dma_start3A_59] : memref<32x128x1x80xi32, #tpu.memory_space<hbm>> -> memref<1x1x1x80xi32, #tpu.memory_space<hbm>>
    %dma_start3A_61 = tpu.memref_squeeze %dma_start3A_60 : memref<1x1x1x80xi32, #tpu.memory_space<hbm>> -> memref<1x80xi32, #tpu.memory_space<hbm>>
    %dma_start3A_62 = arith.constant 0 : i32
    %dma_start3A_63 = arith.constant 0 : i32
    %dma_start3A_64 = tpu.memref_slice %arg4[%add3A, %dma_start3A_57, %dma_start3A_62, %dma_start3A_63] : memref<32x128x1x80xi32, #tpu.memory_space<hbm>> -> memref<1x1x1x80xi32, #tpu.memory_space<hbm>>
    %dma_start3A_65 = tpu.memref_squeeze %dma_start3A_64 : memref<1x1x1x80xi32, #tpu.memory_space<hbm>> -> memref<1x80xi32, #tpu.memory_space<hbm>>
    tpu.enqueue_dma source(%dma_start3A_65 : memref<1x80xi32, #tpu.memory_space<hbm>>) target(%arg14 : memref<1x80xi32, #tpu.memory_space<vmem>>) target_semaphore(%arg27 : memref<!tpu.dma_semaphore, #tpu.memory_space<semaphore_mem>>)
    %barrier3A = arith.constant 0 : index
    tpu.barrier barrier_id(%barrier3A)
    %scan3A = arith.constant 0 : i32
    %scan3A_66 = arith.constant 0 : i32
    %scan3A_67 = arith.constant 32 : i32
    %scan3A_68 = arith.addi %scan3A_66, %scan3A_67 : i32
    %scan3A_69 = arith.constant 1 : i32
    scf.for %scan3A_103 = %scan3A_66 to %scan3A_68 step %scan3A_69  : i32 {
      %mul3A_104 = arith.constant 4 : i32
      %mul3A_105 = arith.muli %scan3A_103, %mul3A_104 : i32
      %add3A_106 = arith.constant 0 : i32
      %add3A_107 = arith.addi %mul3A_105, %add3A_106 : i32
      %gt3A = arith.constant 0 : i32
      %gt3A_108 = arith.cmpi sgt, %scan3A_103, %gt3A : i32
      %convert_element_type3A = arith.extui %gt3A_108 : i1 to i32
      %cond3A = arith.constant 0 : i32
      %cond3A_109 = arith.cmpi ne, %convert_element_type3A, %cond3A : i32
      scf.if %cond3A_109 {
        %dma_wait3A_296 = arith.constant 0 : i32
        %dma_wait3A_297 = arith.constant 0 : i32
        %dma_wait3A_298 = tpu.memref_slice %arg11[%dma_wait3A_296, %dma_wait3A_297] : memref<1x80xi32, #tpu.memory_space<vmem>> -> memref<1x80xi32, #tpu.memory_space<vmem>>
        %dma_wait3A_299 = tpu.memref_squeeze %dma_wait3A_298 : memref<1x80xi32, #tpu.memory_space<vmem>> -> memref<80xi32, #tpu.memory_space<vmem>>
        %dma_wait3A_300 = arith.constant 0 : i32
        %dma_wait3A_301 = arith.constant 0 : i32
        %dma_wait3A_302 = tpu.memref_slice %arg19[%dma_wait3A_300, %dma_wait3A_301] : memref<10240x128xf32, #tpu.memory_space<vmem_shared>> -> memref<10240x128xf32, #tpu.memory_space<vmem_shared>>
        tpu.wait_indirect_dma semaphore(%arg32 : memref<!tpu.dma_semaphore, #tpu.memory_space<semaphore_mem>>) src(%arg15 : memref<80x128xf32, #tpu.memory_space<vmem>>) dst(%dma_wait3A_302 : memref<10240x128xf32, #tpu.memory_space<vmem_shared>>)
        %dma_start3A_303 = arith.constant 0 : i32
        %dma_start3A_304 = arith.constant 0 : i32
        %dma_start3A_305 = tpu.memref_slice %arg4[%add3A, %add3A_107, %dma_start3A_303, %dma_start3A_304] : memref<32x128x1x80xi32, #tpu.memory_space<hbm>> -> memref<1x1x1x80xi32, #tpu.memory_space<hbm>>
        %dma_start3A_306 = tpu.memref_squeeze %dma_start3A_305 : memref<1x1x1x80xi32, #tpu.memory_space<hbm>> -> memref<1x80xi32, #tpu.memory_space<hbm>>
        %dma_start3A_307 = arith.constant 0 : i32
        %dma_start3A_308 = arith.constant 0 : i32
        %dma_start3A_309 = tpu.memref_slice %arg4[%add3A, %add3A_107, %dma_start3A_307, %dma_start3A_308] : memref<32x128x1x80xi32, #tpu.memory_space<hbm>> -> memref<1x1x1x80xi32, #tpu.memory_space<hbm>>
        %dma_start3A_310 = tpu.memref_squeeze %dma_start3A_309 : memref<1x1x1x80xi32, #tpu.memory_space<hbm>> -> memref<1x80xi32, #tpu.memory_space<hbm>>
        tpu.enqueue_dma source(%dma_start3A_310 : memref<1x80xi32, #tpu.memory_space<hbm>>) target(%arg11 : memref<1x80xi32, #tpu.memory_space<vmem>>) target_semaphore(%arg24 : memref<!tpu.dma_semaphore, #tpu.memory_space<semaphore_mem>>)
      } else {
      }
      %dma_wait3A_110 = arith.constant 0 : i32
      %dma_wait3A_111 = arith.constant 0 : i32
      %dma_wait3A_112 = tpu.memref_slice %arg3[%add3A, %dma_wait3A_110, %dma_wait3A_111] : memref<32x128x80xi32, #tpu.memory_space<hbm>> -> memref<1x1x80xi32, #tpu.memory_space<hbm>>
      %dma_wait3A_113 = tpu.memref_squeeze %dma_wait3A_112 : memref<1x1x80xi32, #tpu.memory_space<hbm>> -> memref<80xi32, #tpu.memory_space<hbm>>
      %dma_wait3A_114 = arith.constant 0 : i32
      %dma_wait3A_115 = tpu.memref_slice %arg3[%add3A, %dma_wait3A_110, %dma_wait3A_114] : memref<32x128x80xi32, #tpu.memory_space<hbm>> -> memref<1x1x80xi32, #tpu.memory_space<hbm>>
      %dma_wait3A_116 = tpu.memref_squeeze %dma_wait3A_115 : memref<1x1x80xi32, #tpu.memory_space<hbm>> -> memref<80xi32, #tpu.memory_space<hbm>>
      tpu.wait_dma2 semaphore(%arg20 : memref<!tpu.dma_semaphore, #tpu.memory_space<semaphore_mem>>) src(%dma_wait3A_116 : memref<80xi32, #tpu.memory_space<hbm>>) dst(%arg7 : memref<80xi32, #tpu.memory_space<vmem>>)
      %dma_start3A_117 = arith.constant 0 : i32
      %dma_start3A_118 = arith.constant 0 : i32
      %dma_start3A_119 = tpu.memref_slice %arg2[%dma_start3A_117, %dma_start3A_118] : memref<10000x128xf32, #tpu.memory_space<hbm>> -> memref<10000x128xf32, #tpu.memory_space<hbm>>
      tpu.enqueue_indirect_dma source(%dma_start3A_119 : memref<10000x128xf32, #tpu.memory_space<hbm>>) target(%arg15 : memref<80x128xf32, #tpu.memory_space<vmem>>) offsets(%arg7 : memref<80xi32, #tpu.memory_space<vmem>>) semaphore(%arg28 : memref<!tpu.dma_semaphore, #tpu.memory_space<semaphore_mem>>)
      %mul3A_120 = arith.constant 4 : i32
      %mul3A_121 = arith.muli %scan3A_103, %mul3A_120 : i32
      %add3A_122 = arith.constant 1 : i32
      %add3A_123 = arith.addi %mul3A_121, %add3A_122 : i32
      %gt3A_124 = arith.constant 0 : i32
      %gt3A_125 = arith.cmpi sgt, %scan3A_103, %gt3A_124 : i32
      %convert_element_type3A_126 = arith.extui %gt3A_125 : i1 to i32
      %cond3A_127 = arith.constant 0 : i32
      %cond3A_128 = arith.cmpi ne, %convert_element_type3A_126, %cond3A_127 : i32
      scf.if %cond3A_128 {
        %dma_wait3A_296 = arith.constant 0 : i32
        %dma_wait3A_297 = arith.constant 0 : i32
        %dma_wait3A_298 = tpu.memref_slice %arg12[%dma_wait3A_296, %dma_wait3A_297] : memref<1x80xi32, #tpu.memory_space<vmem>> -> memref<1x80xi32, #tpu.memory_space<vmem>>
        %dma_wait3A_299 = tpu.memref_squeeze %dma_wait3A_298 : memref<1x80xi32, #tpu.memory_space<vmem>> -> memref<80xi32, #tpu.memory_space<vmem>>
        %dma_wait3A_300 = arith.constant 0 : i32
        %dma_wait3A_301 = arith.constant 0 : i32
        %dma_wait3A_302 = tpu.memref_slice %arg19[%dma_wait3A_300, %dma_wait3A_301] : memref<10240x128xf32, #tpu.memory_space<vmem_shared>> -> memref<10240x128xf32, #tpu.memory_space<vmem_shared>>
        tpu.wait_indirect_dma semaphore(%arg33 : memref<!tpu.dma_semaphore, #tpu.memory_space<semaphore_mem>>) src(%arg16 : memref<80x128xf32, #tpu.memory_space<vmem>>) dst(%dma_wait3A_302 : memref<10240x128xf32, #tpu.memory_space<vmem_shared>>)
        %dma_start3A_303 = arith.constant 0 : i32
        %dma_start3A_304 = arith.constant 0 : i32
        %dma_start3A_305 = tpu.memref_slice %arg4[%add3A, %add3A_123, %dma_start3A_303, %dma_start3A_304] : memref<32x128x1x80xi32, #tpu.memory_space<hbm>> -> memref<1x1x1x80xi32, #tpu.memory_space<hbm>>
        %dma_start3A_306 = tpu.memref_squeeze %dma_start3A_305 : memref<1x1x1x80xi32, #tpu.memory_space<hbm>> -> memref<1x80xi32, #tpu.memory_space<hbm>>
        %dma_start3A_307 = arith.constant 0 : i32
        %dma_start3A_308 = arith.constant 0 : i32
        %dma_start3A_309 = tpu.memref_slice %arg4[%add3A, %add3A_123, %dma_start3A_307, %dma_start3A_308] : memref<32x128x1x80xi32, #tpu.memory_space<hbm>> -> memref<1x1x1x80xi32, #tpu.memory_space<hbm>>
        %dma_start3A_310 = tpu.memref_squeeze %dma_start3A_309 : memref<1x1x1x80xi32, #tpu.memory_space<hbm>> -> memref<1x80xi32, #tpu.memory_space<hbm>>
        tpu.enqueue_dma source(%dma_start3A_310 : memref<1x80xi32, #tpu.memory_space<hbm>>) target(%arg12 : memref<1x80xi32, #tpu.memory_space<vmem>>) target_semaphore(%arg25 : memref<!tpu.dma_semaphore, #tpu.memory_space<semaphore_mem>>)
      } else {
      }
      %dma_wait3A_129 = arith.constant 0 : i32
      %dma_wait3A_130 = arith.constant 0 : i32
      %dma_wait3A_131 = tpu.memref_slice %arg3[%add3A, %dma_wait3A_129, %dma_wait3A_130] : memref<32x128x80xi32, #tpu.memory_space<hbm>> -> memref<1x1x80xi32, #tpu.memory_space<hbm>>
      %dma_wait3A_132 = tpu.memref_squeeze %dma_wait3A_131 : memref<1x1x80xi32, #tpu.memory_space<hbm>> -> memref<80xi32, #tpu.memory_space<hbm>>
      %dma_wait3A_133 = arith.constant 0 : i32
      %dma_wait3A_134 = tpu.memref_slice %arg3[%add3A, %dma_wait3A_129, %dma_wait3A_133] : memref<32x128x80xi32, #tpu.memory_space<hbm>> -> memref<1x1x80xi32, #tpu.memory_space<hbm>>
      %dma_wait3A_135 = tpu.memref_squeeze %dma_wait3A_134 : memref<1x1x80xi32, #tpu.memory_space<hbm>> -> memref<80xi32, #tpu.memory_space<hbm>>
      tpu.wait_dma2 semaphore(%arg21 : memref<!tpu.dma_semaphore, #tpu.memory_space<semaphore_mem>>) src(%dma_wait3A_135 : memref<80xi32, #tpu.memory_space<hbm>>) dst(%arg8 : memref<80xi32, #tpu.memory_space<vmem>>)
      %dma_start3A_136 = arith.constant 0 : i32
      %dma_start3A_137 = arith.constant 0 : i32
      %dma_start3A_138 = tpu.memref_slice %arg2[%dma_start3A_136, %dma_start3A_137] : memref<10000x128xf32, #tpu.memory_space<hbm>> -> memref<10000x128xf32, #tpu.memory_space<hbm>>
      tpu.enqueue_indirect_dma source(%dma_start3A_138 : memref<10000x128xf32, #tpu.memory_space<hbm>>) target(%arg16 : memref<80x128xf32, #tpu.memory_space<vmem>>) offsets(%arg8 : memref<80xi32, #tpu.memory_space<vmem>>) semaphore(%arg29 : memref<!tpu.dma_semaphore, #tpu.memory_space<semaphore_mem>>)
      %mul3A_139 = arith.constant 4 : i32
      %mul3A_140 = arith.muli %scan3A_103, %mul3A_139 : i32
      %add3A_141 = arith.constant 2 : i32
      %add3A_142 = arith.addi %mul3A_140, %add3A_141 : i32
      %gt3A_143 = arith.constant 0 : i32
      %gt3A_144 = arith.cmpi sgt, %scan3A_103, %gt3A_143 : i32
      %convert_element_type3A_145 = arith.extui %gt3A_144 : i1 to i32
      %cond3A_146 = arith.constant 0 : i32
      %cond3A_147 = arith.cmpi ne, %convert_element_type3A_145, %cond3A_146 : i32
      scf.if %cond3A_147 {
        %dma_wait3A_296 = arith.constant 0 : i32
        %dma_wait3A_297 = arith.constant 0 : i32
        %dma_wait3A_298 = tpu.memref_slice %arg13[%dma_wait3A_296, %dma_wait3A_297] : memref<1x80xi32, #tpu.memory_space<vmem>> -> memref<1x80xi32, #tpu.memory_space<vmem>>
        %dma_wait3A_299 = tpu.memref_squeeze %dma_wait3A_298 : memref<1x80xi32, #tpu.memory_space<vmem>> -> memref<80xi32, #tpu.memory_space<vmem>>
        %dma_wait3A_300 = arith.constant 0 : i32
        %dma_wait3A_301 = arith.constant 0 : i32
        %dma_wait3A_302 = tpu.memref_slice %arg19[%dma_wait3A_300, %dma_wait3A_301] : memref<10240x128xf32, #tpu.memory_space<vmem_shared>> -> memref<10240x128xf32, #tpu.memory_space<vmem_shared>>
        tpu.wait_indirect_dma semaphore(%arg34 : memref<!tpu.dma_semaphore, #tpu.memory_space<semaphore_mem>>) src(%arg17 : memref<80x128xf32, #tpu.memory_space<vmem>>) dst(%dma_wait3A_302 : memref<10240x128xf32, #tpu.memory_space<vmem_shared>>)
        %dma_start3A_303 = arith.constant 0 : i32
        %dma_start3A_304 = arith.constant 0 : i32
        %dma_start3A_305 = tpu.memref_slice %arg4[%add3A, %add3A_142, %dma_start3A_303, %dma_start3A_304] : memref<32x128x1x80xi32, #tpu.memory_space<hbm>> -> memref<1x1x1x80xi32, #tpu.memory_space<hbm>>
        %dma_start3A_306 = tpu.memref_squeeze %dma_start3A_305 : memref<1x1x1x80xi32, #tpu.memory_space<hbm>> -> memref<1x80xi32, #tpu.memory_space<hbm>>
        %dma_start3A_307 = arith.constant 0 : i32
        %dma_start3A_308 = arith.constant 0 : i32
        %dma_start3A_309 = tpu.memref_slice %arg4[%add3A, %add3A_142, %dma_start3A_307, %dma_start3A_308] : memref<32x128x1x80xi32, #tpu.memory_space<hbm>> -> memref<1x1x1x80xi32, #tpu.memory_space<hbm>>
        %dma_start3A_310 = tpu.memref_squeeze %dma_start3A_309 : memref<1x1x1x80xi32, #tpu.memory_space<hbm>> -> memref<1x80xi32, #tpu.memory_space<hbm>>
        tpu.enqueue_dma source(%dma_start3A_310 : memref<1x80xi32, #tpu.memory_space<hbm>>) target(%arg13 : memref<1x80xi32, #tpu.memory_space<vmem>>) target_semaphore(%arg26 : memref<!tpu.dma_semaphore, #tpu.memory_space<semaphore_mem>>)
      } else {
      }
      %dma_wait3A_148 = arith.constant 0 : i32
      %dma_wait3A_149 = arith.constant 0 : i32
      %dma_wait3A_150 = tpu.memref_slice %arg3[%add3A, %dma_wait3A_148, %dma_wait3A_149] : memref<32x128x80xi32, #tpu.memory_space<hbm>> -> memref<1x1x80xi32, #tpu.memory_space<hbm>>
      %dma_wait3A_151 = tpu.memref_squeeze %dma_wait3A_150 : memref<1x1x80xi32, #tpu.memory_space<hbm>> -> memref<80xi32, #tpu.memory_space<hbm>>
      %dma_wait3A_152 = arith.constant 0 : i32
      %dma_wait3A_153 = tpu.memref_slice %arg3[%add3A, %dma_wait3A_148, %dma_wait3A_152] : memref<32x128x80xi32, #tpu.memory_space<hbm>> -> memref<1x1x80xi32, #tpu.memory_space<hbm>>
      %dma_wait3A_154 = tpu.memref_squeeze %dma_wait3A_153 : memref<1x1x80xi32, #tpu.memory_space<hbm>> -> memref<80xi32, #tpu.memory_space<hbm>>
      tpu.wait_dma2 semaphore(%arg22 : memref<!tpu.dma_semaphore, #tpu.memory_space<semaphore_mem>>) src(%dma_wait3A_154 : memref<80xi32, #tpu.memory_space<hbm>>) dst(%arg9 : memref<80xi32, #tpu.memory_space<vmem>>)
      %dma_start3A_155 = arith.constant 0 : i32
      %dma_start3A_156 = arith.constant 0 : i32
      %dma_start3A_157 = tpu.memref_slice %arg2[%dma_start3A_155, %dma_start3A_156] : memref<10000x128xf32, #tpu.memory_space<hbm>> -> memref<10000x128xf32, #tpu.memory_space<hbm>>
      tpu.enqueue_indirect_dma source(%dma_start3A_157 : memref<10000x128xf32, #tpu.memory_space<hbm>>) target(%arg17 : memref<80x128xf32, #tpu.memory_space<vmem>>) offsets(%arg9 : memref<80xi32, #tpu.memory_space<vmem>>) semaphore(%arg30 : memref<!tpu.dma_semaphore, #tpu.memory_space<semaphore_mem>>)
      %mul3A_158 = arith.constant 4 : i32
      %mul3A_159 = arith.muli %scan3A_103, %mul3A_158 : i32
      %add3A_160 = arith.constant 3 : i32
      %add3A_161 = arith.addi %mul3A_159, %add3A_160 : i32
      %gt3A_162 = arith.constant 0 : i32
      %gt3A_163 = arith.cmpi sgt, %scan3A_103, %gt3A_162 : i32
      %convert_element_type3A_164 = arith.extui %gt3A_163 : i1 to i32
      %cond3A_165 = arith.constant 0 : i32
      %cond3A_166 = arith.cmpi ne, %convert_element_type3A_164, %cond3A_165 : i32
      scf.if %cond3A_166 {
        %dma_wait3A_296 = arith.constant 0 : i32
        %dma_wait3A_297 = arith.constant 0 : i32
        %dma_wait3A_298 = tpu.memref_slice %arg14[%dma_wait3A_296, %dma_wait3A_297] : memref<1x80xi32, #tpu.memory_space<vmem>> -> memref<1x80xi32, #tpu.memory_space<vmem>>
        %dma_wait3A_299 = tpu.memref_squeeze %dma_wait3A_298 : memref<1x80xi32, #tpu.memory_space<vmem>> -> memref<80xi32, #tpu.memory_space<vmem>>
        %dma_wait3A_300 = arith.constant 0 : i32
        %dma_wait3A_301 = arith.constant 0 : i32
        %dma_wait3A_302 = tpu.memref_slice %arg19[%dma_wait3A_300, %dma_wait3A_301] : memref<10240x128xf32, #tpu.memory_space<vmem_shared>> -> memref<10240x128xf32, #tpu.memory_space<vmem_shared>>
        tpu.wait_indirect_dma semaphore(%arg35 : memref<!tpu.dma_semaphore, #tpu.memory_space<semaphore_mem>>) src(%arg18 : memref<80x128xf32, #tpu.memory_space<vmem>>) dst(%dma_wait3A_302 : memref<10240x128xf32, #tpu.memory_space<vmem_shared>>)
        %dma_start3A_303 = arith.constant 0 : i32
        %dma_start3A_304 = arith.constant 0 : i32
        %dma_start3A_305 = tpu.memref_slice %arg4[%add3A, %add3A_161, %dma_start3A_303, %dma_start3A_304] : memref<32x128x1x80xi32, #tpu.memory_space<hbm>> -> memref<1x1x1x80xi32, #tpu.memory_space<hbm>>
        %dma_start3A_306 = tpu.memref_squeeze %dma_start3A_305 : memref<1x1x1x80xi32, #tpu.memory_space<hbm>> -> memref<1x80xi32, #tpu.memory_space<hbm>>
        %dma_start3A_307 = arith.constant 0 : i32
        %dma_start3A_308 = arith.constant 0 : i32
        %dma_start3A_309 = tpu.memref_slice %arg4[%add3A, %add3A_161, %dma_start3A_307, %dma_start3A_308] : memref<32x128x1x80xi32, #tpu.memory_space<hbm>> -> memref<1x1x1x80xi32, #tpu.memory_space<hbm>>
        %dma_start3A_310 = tpu.memref_squeeze %dma_start3A_309 : memref<1x1x1x80xi32, #tpu.memory_space<hbm>> -> memref<1x80xi32, #tpu.memory_space<hbm>>
        tpu.enqueue_dma source(%dma_start3A_310 : memref<1x80xi32, #tpu.memory_space<hbm>>) target(%arg14 : memref<1x80xi32, #tpu.memory_space<vmem>>) target_semaphore(%arg27 : memref<!tpu.dma_semaphore, #tpu.memory_space<semaphore_mem>>)
      } else {
      }
      %dma_wait3A_167 = arith.constant 0 : i32
      %dma_wait3A_168 = arith.constant 0 : i32
      %dma_wait3A_169 = tpu.memref_slice %arg3[%add3A, %dma_wait3A_167, %dma_wait3A_168] : memref<32x128x80xi32, #tpu.memory_space<hbm>> -> memref<1x1x80xi32, #tpu.memory_space<hbm>>
      %dma_wait3A_170 = tpu.memref_squeeze %dma_wait3A_169 : memref<1x1x80xi32, #tpu.memory_space<hbm>> -> memref<80xi32, #tpu.memory_space<hbm>>
      %dma_wait3A_171 = arith.constant 0 : i32
      %dma_wait3A_172 = tpu.memref_slice %arg3[%add3A, %dma_wait3A_167, %dma_wait3A_171] : memref<32x128x80xi32, #tpu.memory_space<hbm>> -> memref<1x1x80xi32, #tpu.memory_space<hbm>>
      %dma_wait3A_173 = tpu.memref_squeeze %dma_wait3A_172 : memref<1x1x80xi32, #tpu.memory_space<hbm>> -> memref<80xi32, #tpu.memory_space<hbm>>
      tpu.wait_dma2 semaphore(%arg23 : memref<!tpu.dma_semaphore, #tpu.memory_space<semaphore_mem>>) src(%dma_wait3A_173 : memref<80xi32, #tpu.memory_space<hbm>>) dst(%arg10 : memref<80xi32, #tpu.memory_space<vmem>>)
      %dma_start3A_174 = arith.constant 0 : i32
      %dma_start3A_175 = arith.constant 0 : i32
      %dma_start3A_176 = tpu.memref_slice %arg2[%dma_start3A_174, %dma_start3A_175] : memref<10000x128xf32, #tpu.memory_space<hbm>> -> memref<10000x128xf32, #tpu.memory_space<hbm>>
      tpu.enqueue_indirect_dma source(%dma_start3A_176 : memref<10000x128xf32, #tpu.memory_space<hbm>>) target(%arg18 : memref<80x128xf32, #tpu.memory_space<vmem>>) offsets(%arg10 : memref<80xi32, #tpu.memory_space<vmem>>) semaphore(%arg31 : memref<!tpu.dma_semaphore, #tpu.memory_space<semaphore_mem>>)
      %mul3A_177 = arith.constant 4 : i32
      %mul3A_178 = arith.muli %scan3A_103, %mul3A_177 : i32
      %add3A_179 = arith.constant 0 : i32
      %add3A_180 = arith.addi %mul3A_178, %add3A_179 : i32
      %dma_wait3A_181 = arith.constant 0 : i32
      %dma_wait3A_182 = arith.constant 0 : i32
      %dma_wait3A_183 = tpu.memref_slice %arg2[%dma_wait3A_181, %dma_wait3A_182] : memref<10000x128xf32, #tpu.memory_space<hbm>> -> memref<10000x128xf32, #tpu.memory_space<hbm>>
      tpu.wait_indirect_dma semaphore(%arg28 : memref<!tpu.dma_semaphore, #tpu.memory_space<semaphore_mem>>) src(%dma_wait3A_183 : memref<10000x128xf32, #tpu.memory_space<hbm>>) dst(%arg15 : memref<80x128xf32, #tpu.memory_space<vmem>>)
      %add3A_184 = arith.constant 4 : i32
      %add3A_185 = arith.addi %add3A_180, %add3A_184 : i32
      %lt3A = arith.constant 128 : i32
      %lt3A_186 = arith.cmpi slt, %add3A_185, %lt3A : i32
      %convert_element_type3A_187 = arith.extui %lt3A_186 : i1 to i32
      %cond3A_188 = arith.constant 0 : i32
      %cond3A_189 = arith.cmpi ne, %convert_element_type3A_187, %cond3A_188 : i32
      scf.if %cond3A_189 {
        %add3A_296 = arith.constant 4 : i32
        %add3A_297 = arith.addi %add3A_180, %add3A_296 : i32
        %dma_start3A_298 = arith.constant 0 : i32
        %dma_start3A_299 = tpu.memref_slice %arg3[%add3A, %add3A_297, %dma_start3A_298] : memref<32x128x80xi32, #tpu.memory_space<hbm>> -> memref<1x1x80xi32, #tpu.memory_space<hbm>>
        %dma_start3A_300 = tpu.memref_squeeze %dma_start3A_299 : memref<1x1x80xi32, #tpu.memory_space<hbm>> -> memref<80xi32, #tpu.memory_space<hbm>>
        %dma_start3A_301 = arith.constant 0 : i32
        %dma_start3A_302 = tpu.memref_slice %arg3[%add3A, %add3A_297, %dma_start3A_301] : memref<32x128x80xi32, #tpu.memory_space<hbm>> -> memref<1x1x80xi32, #tpu.memory_space<hbm>>
        %dma_start3A_303 = tpu.memref_squeeze %dma_start3A_302 : memref<1x1x80xi32, #tpu.memory_space<hbm>> -> memref<80xi32, #tpu.memory_space<hbm>>
        tpu.enqueue_dma source(%dma_start3A_303 : memref<80xi32, #tpu.memory_space<hbm>>) target(%arg7 : memref<80xi32, #tpu.memory_space<vmem>>) target_semaphore(%arg20 : memref<!tpu.dma_semaphore, #tpu.memory_space<semaphore_mem>>)
      } else {
      }
      %dma_wait3A_190 = arith.constant 0 : i32
      %dma_wait3A_191 = arith.constant 0 : i32
      %dma_wait3A_192 = arith.constant 0 : i32
      %dma_wait3A_193 = tpu.memref_slice %arg4[%add3A, %dma_wait3A_190, %dma_wait3A_191, %dma_wait3A_192] : memref<32x128x1x80xi32, #tpu.memory_space<hbm>> -> memref<1x1x1x80xi32, #tpu.memory_space<hbm>>
      %dma_wait3A_194 = tpu.memref_squeeze %dma_wait3A_193 : memref<1x1x1x80xi32, #tpu.memory_space<hbm>> -> memref<1x80xi32, #tpu.memory_space<hbm>>
      %dma_wait3A_195 = arith.constant 0 : i32
      %dma_wait3A_196 = arith.constant 0 : i32
      %dma_wait3A_197 = tpu.memref_slice %arg4[%add3A, %dma_wait3A_190, %dma_wait3A_195, %dma_wait3A_196] : memref<32x128x1x80xi32, #tpu.memory_space<hbm>> -> memref<1x1x1x80xi32, #tpu.memory_space<hbm>>
      %dma_wait3A_198 = tpu.memref_squeeze %dma_wait3A_197 : memref<1x1x1x80xi32, #tpu.memory_space<hbm>> -> memref<1x80xi32, #tpu.memory_space<hbm>>
      tpu.wait_dma2 semaphore(%arg24 : memref<!tpu.dma_semaphore, #tpu.memory_space<semaphore_mem>>) src(%dma_wait3A_198 : memref<1x80xi32, #tpu.memory_space<hbm>>) dst(%arg11 : memref<1x80xi32, #tpu.memory_space<vmem>>)
      %dma_start3A_199 = arith.constant 0 : i32
      %dma_start3A_200 = arith.constant 0 : i32
      %dma_start3A_201 = tpu.memref_slice %arg11[%dma_start3A_199, %dma_start3A_200] : memref<1x80xi32, #tpu.memory_space<vmem>> -> memref<1x80xi32, #tpu.memory_space<vmem>>
      %dma_start3A_202 = tpu.memref_squeeze %dma_start3A_201 : memref<1x80xi32, #tpu.memory_space<vmem>> -> memref<80xi32, #tpu.memory_space<vmem>>
      %dma_start3A_203 = arith.constant 0 : i32
      %dma_start3A_204 = arith.constant 0 : i32
      %dma_start3A_205 = tpu.memref_slice %arg19[%dma_start3A_203, %dma_start3A_204] : memref<10240x128xf32, #tpu.memory_space<vmem_shared>> -> memref<10240x128xf32, #tpu.memory_space<vmem_shared>>
      tpu.enqueue_indirect_dma source(%arg15 : memref<80x128xf32, #tpu.memory_space<vmem>>) target(%dma_start3A_205 : memref<10240x128xf32, #tpu.memory_space<vmem_shared>>) offsets(%dma_start3A_202 : memref<80xi32, #tpu.memory_space<vmem>>) semaphore(%arg32 : memref<!tpu.dma_semaphore, #tpu.memory_space<semaphore_mem>>) {add = true}
      %mul3A_206 = arith.constant 4 : i32
      %mul3A_207 = arith.muli %scan3A_103, %mul3A_206 : i32
      %add3A_208 = arith.constant 1 : i32
      %add3A_209 = arith.addi %mul3A_207, %add3A_208 : i32
      %dma_wait3A_210 = arith.constant 0 : i32
      %dma_wait3A_211 = arith.constant 0 : i32
      %dma_wait3A_212 = tpu.memref_slice %arg2[%dma_wait3A_210, %dma_wait3A_211] : memref<10000x128xf32, #tpu.memory_space<hbm>> -> memref<10000x128xf32, #tpu.memory_space<hbm>>
      tpu.wait_indirect_dma semaphore(%arg29 : memref<!tpu.dma_semaphore, #tpu.memory_space<semaphore_mem>>) src(%dma_wait3A_212 : memref<10000x128xf32, #tpu.memory_space<hbm>>) dst(%arg16 : memref<80x128xf32, #tpu.memory_space<vmem>>)
      %add3A_213 = arith.constant 4 : i32
      %add3A_214 = arith.addi %add3A_209, %add3A_213 : i32
      %lt3A_215 = arith.constant 128 : i32
      %lt3A_216 = arith.cmpi slt, %add3A_214, %lt3A_215 : i32
      %convert_element_type3A_217 = arith.extui %lt3A_216 : i1 to i32
      %cond3A_218 = arith.constant 0 : i32
      %cond3A_219 = arith.cmpi ne, %convert_element_type3A_217, %cond3A_218 : i32
      scf.if %cond3A_219 {
        %add3A_296 = arith.constant 4 : i32
        %add3A_297 = arith.addi %add3A_209, %add3A_296 : i32
        %dma_start3A_298 = arith.constant 0 : i32
        %dma_start3A_299 = tpu.memref_slice %arg3[%add3A, %add3A_297, %dma_start3A_298] : memref<32x128x80xi32, #tpu.memory_space<hbm>> -> memref<1x1x80xi32, #tpu.memory_space<hbm>>
        %dma_start3A_300 = tpu.memref_squeeze %dma_start3A_299 : memref<1x1x80xi32, #tpu.memory_space<hbm>> -> memref<80xi32, #tpu.memory_space<hbm>>
        %dma_start3A_301 = arith.constant 0 : i32
        %dma_start3A_302 = tpu.memref_slice %arg3[%add3A, %add3A_297, %dma_start3A_301] : memref<32x128x80xi32, #tpu.memory_space<hbm>> -> memref<1x1x80xi32, #tpu.memory_space<hbm>>
        %dma_start3A_303 = tpu.memref_squeeze %dma_start3A_302 : memref<1x1x80xi32, #tpu.memory_space<hbm>> -> memref<80xi32, #tpu.memory_space<hbm>>
        tpu.enqueue_dma source(%dma_start3A_303 : memref<80xi32, #tpu.memory_space<hbm>>) target(%arg8 : memref<80xi32, #tpu.memory_space<vmem>>) target_semaphore(%arg21 : memref<!tpu.dma_semaphore, #tpu.memory_space<semaphore_mem>>)
      } else {
      }
      %dma_wait3A_220 = arith.constant 0 : i32
      %dma_wait3A_221 = arith.constant 0 : i32
      %dma_wait3A_222 = arith.constant 0 : i32
      %dma_wait3A_223 = tpu.memref_slice %arg4[%add3A, %dma_wait3A_220, %dma_wait3A_221, %dma_wait3A_222] : memref<32x128x1x80xi32, #tpu.memory_space<hbm>> -> memref<1x1x1x80xi32, #tpu.memory_space<hbm>>
      %dma_wait3A_224 = tpu.memref_squeeze %dma_wait3A_223 : memref<1x1x1x80xi32, #tpu.memory_space<hbm>> -> memref<1x80xi32, #tpu.memory_space<hbm>>
      %dma_wait3A_225 = arith.constant 0 : i32
      %dma_wait3A_226 = arith.constant 0 : i32
      %dma_wait3A_227 = tpu.memref_slice %arg4[%add3A, %dma_wait3A_220, %dma_wait3A_225, %dma_wait3A_226] : memref<32x128x1x80xi32, #tpu.memory_space<hbm>> -> memref<1x1x1x80xi32, #tpu.memory_space<hbm>>
      %dma_wait3A_228 = tpu.memref_squeeze %dma_wait3A_227 : memref<1x1x1x80xi32, #tpu.memory_space<hbm>> -> memref<1x80xi32, #tpu.memory_space<hbm>>
      tpu.wait_dma2 semaphore(%arg25 : memref<!tpu.dma_semaphore, #tpu.memory_space<semaphore_mem>>) src(%dma_wait3A_228 : memref<1x80xi32, #tpu.memory_space<hbm>>) dst(%arg12 : memref<1x80xi32, #tpu.memory_space<vmem>>)
      %dma_start3A_229 = arith.constant 0 : i32
      %dma_start3A_230 = arith.constant 0 : i32
      %dma_start3A_231 = tpu.memref_slice %arg12[%dma_start3A_229, %dma_start3A_230] : memref<1x80xi32, #tpu.memory_space<vmem>> -> memref<1x80xi32, #tpu.memory_space<vmem>>
      %dma_start3A_232 = tpu.memref_squeeze %dma_start3A_231 : memref<1x80xi32, #tpu.memory_space<vmem>> -> memref<80xi32, #tpu.memory_space<vmem>>
      %dma_start3A_233 = arith.constant 0 : i32
      %dma_start3A_234 = arith.constant 0 : i32
      %dma_start3A_235 = tpu.memref_slice %arg19[%dma_start3A_233, %dma_start3A_234] : memref<10240x128xf32, #tpu.memory_space<vmem_shared>> -> memref<10240x128xf32, #tpu.memory_space<vmem_shared>>
      tpu.enqueue_indirect_dma source(%arg16 : memref<80x128xf32, #tpu.memory_space<vmem>>) target(%dma_start3A_235 : memref<10240x128xf32, #tpu.memory_space<vmem_shared>>) offsets(%dma_start3A_232 : memref<80xi32, #tpu.memory_space<vmem>>) semaphore(%arg33 : memref<!tpu.dma_semaphore, #tpu.memory_space<semaphore_mem>>) {add = true}
      %mul3A_236 = arith.constant 4 : i32
      %mul3A_237 = arith.muli %scan3A_103, %mul3A_236 : i32
      %add3A_238 = arith.constant 2 : i32
      %add3A_239 = arith.addi %mul3A_237, %add3A_238 : i32
      %dma_wait3A_240 = arith.constant 0 : i32
      %dma_wait3A_241 = arith.constant 0 : i32
      %dma_wait3A_242 = tpu.memref_slice %arg2[%dma_wait3A_240, %dma_wait3A_241] : memref<10000x128xf32, #tpu.memory_space<hbm>> -> memref<10000x128xf32, #tpu.memory_space<hbm>>
      tpu.wait_indirect_dma semaphore(%arg30 : memref<!tpu.dma_semaphore, #tpu.memory_space<semaphore_mem>>) src(%dma_wait3A_242 : memref<10000x128xf32, #tpu.memory_space<hbm>>) dst(%arg17 : memref<80x128xf32, #tpu.memory_space<vmem>>)
      %add3A_243 = arith.constant 4 : i32
      %add3A_244 = arith.addi %add3A_239, %add3A_243 : i32
      %lt3A_245 = arith.constant 128 : i32
      %lt3A_246 = arith.cmpi slt, %add3A_244, %lt3A_245 : i32
      %convert_element_type3A_247 = arith.extui %lt3A_246 : i1 to i32
      %cond3A_248 = arith.constant 0 : i32
      %cond3A_249 = arith.cmpi ne, %convert_element_type3A_247, %cond3A_248 : i32
      scf.if %cond3A_249 {
        %add3A_296 = arith.constant 4 : i32
        %add3A_297 = arith.addi %add3A_239, %add3A_296 : i32
        %dma_start3A_298 = arith.constant 0 : i32
        %dma_start3A_299 = tpu.memref_slice %arg3[%add3A, %add3A_297, %dma_start3A_298] : memref<32x128x80xi32, #tpu.memory_space<hbm>> -> memref<1x1x80xi32, #tpu.memory_space<hbm>>
        %dma_start3A_300 = tpu.memref_squeeze %dma_start3A_299 : memref<1x1x80xi32, #tpu.memory_space<hbm>> -> memref<80xi32, #tpu.memory_space<hbm>>
        %dma_start3A_301 = arith.constant 0 : i32
        %dma_start3A_302 = tpu.memref_slice %arg3[%add3A, %add3A_297, %dma_start3A_301] : memref<32x128x80xi32, #tpu.memory_space<hbm>> -> memref<1x1x80xi32, #tpu.memory_space<hbm>>
        %dma_start3A_303 = tpu.memref_squeeze %dma_start3A_302 : memref<1x1x80xi32, #tpu.memory_space<hbm>> -> memref<80xi32, #tpu.memory_space<hbm>>
        tpu.enqueue_dma source(%dma_start3A_303 : memref<80xi32, #tpu.memory_space<hbm>>) target(%arg9 : memref<80xi32, #tpu.memory_space<vmem>>) target_semaphore(%arg22 : memref<!tpu.dma_semaphore, #tpu.memory_space<semaphore_mem>>)
      } else {
      }
      %dma_wait3A_250 = arith.constant 0 : i32
      %dma_wait3A_251 = arith.constant 0 : i32
      %dma_wait3A_252 = arith.constant 0 : i32
      %dma_wait3A_253 = tpu.memref_slice %arg4[%add3A, %dma_wait3A_250, %dma_wait3A_251, %dma_wait3A_252] : memref<32x128x1x80xi32, #tpu.memory_space<hbm>> -> memref<1x1x1x80xi32, #tpu.memory_space<hbm>>
      %dma_wait3A_254 = tpu.memref_squeeze %dma_wait3A_253 : memref<1x1x1x80xi32, #tpu.memory_space<hbm>> -> memref<1x80xi32, #tpu.memory_space<hbm>>
      %dma_wait3A_255 = arith.constant 0 : i32
      %dma_wait3A_256 = arith.constant 0 : i32
      %dma_wait3A_257 = tpu.memref_slice %arg4[%add3A, %dma_wait3A_250, %dma_wait3A_255, %dma_wait3A_256] : memref<32x128x1x80xi32, #tpu.memory_space<hbm>> -> memref<1x1x1x80xi32, #tpu.memory_space<hbm>>
      %dma_wait3A_258 = tpu.memref_squeeze %dma_wait3A_257 : memref<1x1x1x80xi32, #tpu.memory_space<hbm>> -> memref<1x80xi32, #tpu.memory_space<hbm>>
      tpu.wait_dma2 semaphore(%arg26 : memref<!tpu.dma_semaphore, #tpu.memory_space<semaphore_mem>>) src(%dma_wait3A_258 : memref<1x80xi32, #tpu.memory_space<hbm>>) dst(%arg13 : memref<1x80xi32, #tpu.memory_space<vmem>>)
      %dma_start3A_259 = arith.constant 0 : i32
      %dma_start3A_260 = arith.constant 0 : i32
      %dma_start3A_261 = tpu.memref_slice %arg13[%dma_start3A_259, %dma_start3A_260] : memref<1x80xi32, #tpu.memory_space<vmem>> -> memref<1x80xi32, #tpu.memory_space<vmem>>
      %dma_start3A_262 = tpu.memref_squeeze %dma_start3A_261 : memref<1x80xi32, #tpu.memory_space<vmem>> -> memref<80xi32, #tpu.memory_space<vmem>>
      %dma_start3A_263 = arith.constant 0 : i32
      %dma_start3A_264 = arith.constant 0 : i32
      %dma_start3A_265 = tpu.memref_slice %arg19[%dma_start3A_263, %dma_start3A_264] : memref<10240x128xf32, #tpu.memory_space<vmem_shared>> -> memref<10240x128xf32, #tpu.memory_space<vmem_shared>>
      tpu.enqueue_indirect_dma source(%arg17 : memref<80x128xf32, #tpu.memory_space<vmem>>) target(%dma_start3A_265 : memref<10240x128xf32, #tpu.memory_space<vmem_shared>>) offsets(%dma_start3A_262 : memref<80xi32, #tpu.memory_space<vmem>>) semaphore(%arg34 : memref<!tpu.dma_semaphore, #tpu.memory_space<semaphore_mem>>) {add = true}
      %mul3A_266 = arith.constant 4 : i32
      %mul3A_267 = arith.muli %scan3A_103, %mul3A_266 : i32
      %add3A_268 = arith.constant 3 : i32
      %add3A_269 = arith.addi %mul3A_267, %add3A_268 : i32
      %dma_wait3A_270 = arith.constant 0 : i32
      %dma_wait3A_271 = arith.constant 0 : i32
      %dma_wait3A_272 = tpu.memref_slice %arg2[%dma_wait3A_270, %dma_wait3A_271] : memref<10000x128xf32, #tpu.memory_space<hbm>> -> memref<10000x128xf32, #tpu.memory_space<hbm>>
      tpu.wait_indirect_dma semaphore(%arg31 : memref<!tpu.dma_semaphore, #tpu.memory_space<semaphore_mem>>) src(%dma_wait3A_272 : memref<10000x128xf32, #tpu.memory_space<hbm>>) dst(%arg18 : memref<80x128xf32, #tpu.memory_space<vmem>>)
      %add3A_273 = arith.constant 4 : i32
      %add3A_274 = arith.addi %add3A_269, %add3A_273 : i32
      %lt3A_275 = arith.constant 128 : i32
      %lt3A_276 = arith.cmpi slt, %add3A_274, %lt3A_275 : i32
      %convert_element_type3A_277 = arith.extui %lt3A_276 : i1 to i32
      %cond3A_278 = arith.constant 0 : i32
      %cond3A_279 = arith.cmpi ne, %convert_element_type3A_277, %cond3A_278 : i32
      scf.if %cond3A_279 {
        %add3A_296 = arith.constant 4 : i32
        %add3A_297 = arith.addi %add3A_269, %add3A_296 : i32
        %dma_start3A_298 = arith.constant 0 : i32
        %dma_start3A_299 = tpu.memref_slice %arg3[%add3A, %add3A_297, %dma_start3A_298] : memref<32x128x80xi32, #tpu.memory_space<hbm>> -> memref<1x1x80xi32, #tpu.memory_space<hbm>>
        %dma_start3A_300 = tpu.memref_squeeze %dma_start3A_299 : memref<1x1x80xi32, #tpu.memory_space<hbm>> -> memref<80xi32, #tpu.memory_space<hbm>>
        %dma_start3A_301 = arith.constant 0 : i32
        %dma_start3A_302 = tpu.memref_slice %arg3[%add3A, %add3A_297, %dma_start3A_301] : memref<32x128x80xi32, #tpu.memory_space<hbm>> -> memref<1x1x80xi32, #tpu.memory_space<hbm>>
        %dma_start3A_303 = tpu.memref_squeeze %dma_start3A_302 : memref<1x1x80xi32, #tpu.memory_space<hbm>> -> memref<80xi32, #tpu.memory_space<hbm>>
        tpu.enqueue_dma source(%dma_start3A_303 : memref<80xi32, #tpu.memory_space<hbm>>) target(%arg10 : memref<80xi32, #tpu.memory_space<vmem>>) target_semaphore(%arg23 : memref<!tpu.dma_semaphore, #tpu.memory_space<semaphore_mem>>)
      } else {
      }
      %dma_wait3A_280 = arith.constant 0 : i32
      %dma_wait3A_281 = arith.constant 0 : i32
      %dma_wait3A_282 = arith.constant 0 : i32
      %dma_wait3A_283 = tpu.memref_slice %arg4[%add3A, %dma_wait3A_280, %dma_wait3A_281, %dma_wait3A_282] : memref<32x128x1x80xi32, #tpu.memory_space<hbm>> -> memref<1x1x1x80xi32, #tpu.memory_space<hbm>>
      %dma_wait3A_284 = tpu.memref_squeeze %dma_wait3A_283 : memref<1x1x1x80xi32, #tpu.memory_space<hbm>> -> memref<1x80xi32, #tpu.memory_space<hbm>>
      %dma_wait3A_285 = arith.constant 0 : i32
      %dma_wait3A_286 = arith.constant 0 : i32
      %dma_wait3A_287 = tpu.memref_slice %arg4[%add3A, %dma_wait3A_280, %dma_wait3A_285, %dma_wait3A_286] : memref<32x128x1x80xi32, #tpu.memory_space<hbm>> -> memref<1x1x1x80xi32, #tpu.memory_space<hbm>>
      %dma_wait3A_288 = tpu.memref_squeeze %dma_wait3A_287 : memref<1x1x1x80xi32, #tpu.memory_space<hbm>> -> memref<1x80xi32, #tpu.memory_space<hbm>>
      tpu.wait_dma2 semaphore(%arg27 : memref<!tpu.dma_semaphore, #tpu.memory_space<semaphore_mem>>) src(%dma_wait3A_288 : memref<1x80xi32, #tpu.memory_space<hbm>>) dst(%arg14 : memref<1x80xi32, #tpu.memory_space<vmem>>)
      %dma_start3A_289 = arith.constant 0 : i32
      %dma_start3A_290 = arith.constant 0 : i32
      %dma_start3A_291 = tpu.memref_slice %arg14[%dma_start3A_289, %dma_start3A_290] : memref<1x80xi32, #tpu.memory_space<vmem>> -> memref<1x80xi32, #tpu.memory_space<vmem>>
      %dma_start3A_292 = tpu.memref_squeeze %dma_start3A_291 : memref<1x80xi32, #tpu.memory_space<vmem>> -> memref<80xi32, #tpu.memory_space<vmem>>
      %dma_start3A_293 = arith.constant 0 : i32
      %dma_start3A_294 = arith.constant 0 : i32
      %dma_start3A_295 = tpu.memref_slice %arg19[%dma_start3A_293, %dma_start3A_294] : memref<10240x128xf32, #tpu.memory_space<vmem_shared>> -> memref<10240x128xf32, #tpu.memory_space<vmem_shared>>
      tpu.enqueue_indirect_dma source(%arg18 : memref<80x128xf32, #tpu.memory_space<vmem>>) target(%dma_start3A_295 : memref<10240x128xf32, #tpu.memory_space<vmem_shared>>) offsets(%dma_start3A_292 : memref<80xi32, #tpu.memory_space<vmem>>) semaphore(%arg35 : memref<!tpu.dma_semaphore, #tpu.memory_space<semaphore_mem>>) {add = true}
    }
    %scan3A_70 = arith.constant 32 : i32
    %dma_wait3A = arith.constant 0 : i32
    %dma_wait3A_71 = arith.constant 0 : i32
    %dma_wait3A_72 = tpu.memref_slice %arg11[%dma_wait3A, %dma_wait3A_71] : memref<1x80xi32, #tpu.memory_space<vmem>> -> memref<1x80xi32, #tpu.memory_space<vmem>>
    %dma_wait3A_73 = tpu.memref_squeeze %dma_wait3A_72 : memref<1x80xi32, #tpu.memory_space<vmem>> -> memref<80xi32, #tpu.memory_space<vmem>>
    %dma_wait3A_74 = arith.constant 0 : i32
    %dma_wait3A_75 = arith.constant 0 : i32
    %dma_wait3A_76 = tpu.memref_slice %arg19[%dma_wait3A_74, %dma_wait3A_75] : memref<10240x128xf32, #tpu.memory_space<vmem_shared>> -> memref<10240x128xf32, #tpu.memory_space<vmem_shared>>
    tpu.wait_indirect_dma semaphore(%arg32 : memref<!tpu.dma_semaphore, #tpu.memory_space<semaphore_mem>>) src(%arg15 : memref<80x128xf32, #tpu.memory_space<vmem>>) dst(%dma_wait3A_76 : memref<10240x128xf32, #tpu.memory_space<vmem_shared>>)
    %dma_wait3A_77 = arith.constant 0 : i32
    %dma_wait3A_78 = arith.constant 0 : i32
    %dma_wait3A_79 = tpu.memref_slice %arg12[%dma_wait3A_77, %dma_wait3A_78] : memref<1x80xi32, #tpu.memory_space<vmem>> -> memref<1x80xi32, #tpu.memory_space<vmem>>
    %dma_wait3A_80 = tpu.memref_squeeze %dma_wait3A_79 : memref<1x80xi32, #tpu.memory_space<vmem>> -> memref<80xi32, #tpu.memory_space<vmem>>
    %dma_wait3A_81 = arith.constant 0 : i32
    %dma_wait3A_82 = arith.constant 0 : i32
    %dma_wait3A_83 = tpu.memref_slice %arg19[%dma_wait3A_81, %dma_wait3A_82] : memref<10240x128xf32, #tpu.memory_space<vmem_shared>> -> memref<10240x128xf32, #tpu.memory_space<vmem_shared>>
    tpu.wait_indirect_dma semaphore(%arg33 : memref<!tpu.dma_semaphore, #tpu.memory_space<semaphore_mem>>) src(%arg16 : memref<80x128xf32, #tpu.memory_space<vmem>>) dst(%dma_wait3A_83 : memref<10240x128xf32, #tpu.memory_space<vmem_shared>>)
    %dma_wait3A_84 = arith.constant 0 : i32
    %dma_wait3A_85 = arith.constant 0 : i32
    %dma_wait3A_86 = tpu.memref_slice %arg13[%dma_wait3A_84, %dma_wait3A_85] : memref<1x80xi32, #tpu.memory_space<vmem>> -> memref<1x80xi32, #tpu.memory_space<vmem>>
    %dma_wait3A_87 = tpu.memref_squeeze %dma_wait3A_86 : memref<1x80xi32, #tpu.memory_space<vmem>> -> memref<80xi32, #tpu.memory_space<vmem>>
    %dma_wait3A_88 = arith.constant 0 : i32
    %dma_wait3A_89 = arith.constant 0 : i32
    %dma_wait3A_90 = tpu.memref_slice %arg19[%dma_wait3A_88, %dma_wait3A_89] : memref<10240x128xf32, #tpu.memory_space<vmem_shared>> -> memref<10240x128xf32, #tpu.memory_space<vmem_shared>>
    tpu.wait_indirect_dma semaphore(%arg34 : memref<!tpu.dma_semaphore, #tpu.memory_space<semaphore_mem>>) src(%arg17 : memref<80x128xf32, #tpu.memory_space<vmem>>) dst(%dma_wait3A_90 : memref<10240x128xf32, #tpu.memory_space<vmem_shared>>)
    %dma_wait3A_91 = arith.constant 0 : i32
    %dma_wait3A_92 = arith.constant 0 : i32
    %dma_wait3A_93 = tpu.memref_slice %arg14[%dma_wait3A_91, %dma_wait3A_92] : memref<1x80xi32, #tpu.memory_space<vmem>> -> memref<1x80xi32, #tpu.memory_space<vmem>>
    %dma_wait3A_94 = tpu.memref_squeeze %dma_wait3A_93 : memref<1x80xi32, #tpu.memory_space<vmem>> -> memref<80xi32, #tpu.memory_space<vmem>>
    %dma_wait3A_95 = arith.constant 0 : i32
    %dma_wait3A_96 = arith.constant 0 : i32
    %dma_wait3A_97 = tpu.memref_slice %arg19[%dma_wait3A_95, %dma_wait3A_96] : memref<10240x128xf32, #tpu.memory_space<vmem_shared>> -> memref<10240x128xf32, #tpu.memory_space<vmem_shared>>
    tpu.wait_indirect_dma semaphore(%arg35 : memref<!tpu.dma_semaphore, #tpu.memory_space<semaphore_mem>>) src(%arg18 : memref<80x128xf32, #tpu.memory_space<vmem>>) dst(%dma_wait3A_97 : memref<10240x128xf32, #tpu.memory_space<vmem_shared>>)
    %barrier3A_98 = arith.constant 0 : index
    tpu.barrier barrier_id(%barrier3A_98)
    %mul3A_99 = arith.constant 640 : i32
    %mul3A_100 = arith.muli %arg1, %mul3A_99 : i32
    %mul3A_101 = arith.constant 640 : i32
    %mul3A_102 = arith.muli %arg1, %mul3A_101 : i32
    "tpu.region"() ({
      %run_scoped3A = tpu.sem_alloc : memref<!tpu.dma_semaphore, #tpu.memory_space<semaphore_mem>>
      %dma_start3A_103 = arith.constant 0 : i32
      %dma_start3A_104 = tpu.memref_slice %arg6[%arg0, %mul3A_102, %dma_start3A_103] : memref<2x10240x128xf32, #tpu.memory_space<hbm>> -> memref<1x640x128xf32, #tpu.memory_space<hbm>>
      %dma_start3A_105 = tpu.memref_squeeze %dma_start3A_104 : memref<1x640x128xf32, #tpu.memory_space<hbm>> -> memref<640x128xf32, #tpu.memory_space<hbm>>
      %dma_start3A_106 = arith.constant 0 : i32
      %dma_start3A_107 = tpu.memref_slice %arg19[%mul3A_100, %dma_start3A_106] : memref<10240x128xf32, #tpu.memory_space<vmem_shared>> -> memref<640x128xf32, #tpu.memory_space<vmem_shared>>
      tpu.enqueue_dma source(%dma_start3A_107 : memref<640x128xf32, #tpu.memory_space<vmem_shared>>) target(%dma_start3A_105 : memref<640x128xf32, #tpu.memory_space<hbm>>) target_semaphore(%run_scoped3A : memref<!tpu.dma_semaphore, #tpu.memory_space<semaphore_mem>>)
      %dma_wait3A_108 = arith.constant 0 : i32
      %dma_wait3A_109 = tpu.memref_slice %arg6[%arg0, %mul3A_102, %dma_wait3A_108] : memref<2x10240x128xf32, #tpu.memory_space<hbm>> -> memref<1x640x128xf32, #tpu.memory_space<hbm>>
      %dma_wait3A_110 = tpu.memref_squeeze %dma_wait3A_109 : memref<1x640x128xf32, #tpu.memory_space<hbm>> -> memref<640x128xf32, #tpu.memory_space<hbm>>
      %dma_wait3A_111 = arith.constant 0 : i32
      %dma_wait3A_112 = tpu.memref_slice %arg19[%mul3A_100, %dma_wait3A_111] : memref<10240x128xf32, #tpu.memory_space<vmem_shared>> -> memref<640x128xf32, #tpu.memory_space<vmem_shared>>
      tpu.wait_dma2 semaphore(%run_scoped3A : memref<!tpu.dma_semaphore, #tpu.memory_space<semaphore_mem>>) src(%dma_wait3A_112 : memref<640x128xf32, #tpu.memory_space<vmem_shared>>) dst(%dma_wait3A_110 : memref<640x128xf32, #tpu.memory_space<hbm>>)
      tpu.yield
    }) : () -> ()
    return
  }
}

#map = affine_map<(d0, d1) -> (0, 0, 0)>
#map1 = affine_map<(d0, d1) -> (0, 0)>
module attributes {stable_mosaic.version = 14 : i64} {
  func.func @_deg_kernel(%arg0: i32, %arg1: i32, %arg2: memref<32x80x128xi32, #tpu.memory_space<hbm>>, %arg3: memref<128x128xf32, #tpu.memory_space<hbm>>, %arg4: memref<640x128xf32, #tpu.memory_space<hbm>>, %arg5: memref<2x10240x128xf32, #tpu.memory_space<hbm>>, %arg6: memref<80x128xi32, #tpu.memory_space<vmem>>, %arg7: memref<128x128xf32, #tpu.memory_space<vmem>>, %arg8: memref<10240x128xf32, #tpu.memory_space<vmem_shared>>, %arg9: memref<!tpu.dma_semaphore, #tpu.memory_space<semaphore_mem>>, %arg10: memref<!tpu.dma_semaphore, #tpu.memory_space<semaphore_mem>>, %arg11: memref<!tpu.dma_semaphore, #tpu.memory_space<semaphore_mem>>, %arg12: memref<!tpu.dma_semaphore, #tpu.memory_space<semaphore_mem>>) attributes {dimension_semantics = [#tpu.dimension_semantics<core_parallel>, #tpu.dimension_semantics<subcore_parallel>], iteration_bounds = array<i64: 2, 16>, scalar_prefetch = 0 : i64, scratch_operands = 7 : i64, tpu.core_type = #tpu.core_type<sc_vector_subcore>, window_params = [{transform_indices = #map}, {transform_indices = #map1}, {transform_indices = #map1}, {transform_indices = #map}]} {
    %mul3A = arith.constant 16 : i32
    %mul3A_0 = arith.muli %arg0, %mul3A : i32
    %add3A = arith.addi %mul3A_0, %arg1 : i32
    %mul3A_1 = arith.constant 640 : i32
    %mul3A_2 = arith.muli %arg1, %mul3A_1 : i32
    "tpu.region"() ({
      %run_scoped3A = tpu.sem_alloc : memref<!tpu.dma_semaphore, #tpu.memory_space<semaphore_mem>>
      %dma_start3A = arith.constant 0 : i32
      %dma_start3A_40 = tpu.memref_slice %arg8[%mul3A_2, %dma_start3A] : memref<10240x128xf32, #tpu.memory_space<vmem_shared>> -> memref<640x128xf32, #tpu.memory_space<vmem_shared>>
      tpu.enqueue_dma source(%arg4 : memref<640x128xf32, #tpu.memory_space<hbm>>) target(%dma_start3A_40 : memref<640x128xf32, #tpu.memory_space<vmem_shared>>) target_semaphore(%run_scoped3A : memref<!tpu.dma_semaphore, #tpu.memory_space<semaphore_mem>>)
      %dma_wait3A_41 = arith.constant 0 : i32
      %dma_wait3A_42 = tpu.memref_slice %arg8[%mul3A_2, %dma_wait3A_41] : memref<10240x128xf32, #tpu.memory_space<vmem_shared>> -> memref<640x128xf32, #tpu.memory_space<vmem_shared>>
      tpu.wait_dma2 semaphore(%run_scoped3A : memref<!tpu.dma_semaphore, #tpu.memory_space<semaphore_mem>>) src(%arg4 : memref<640x128xf32, #tpu.memory_space<hbm>>) dst(%dma_wait3A_42 : memref<640x128xf32, #tpu.memory_space<vmem_shared>>)
      tpu.yield
    }) : () -> ()
    "tpu.region"() ({
      %run_scoped3A = tpu.sem_alloc : memref<!tpu.dma_semaphore, #tpu.memory_space<semaphore_mem>>
      %dma_start3A = arith.constant 0 : i32
      %dma_start3A_40 = arith.constant 0 : i32
      %dma_start3A_41 = tpu.memref_slice %arg2[%add3A, %dma_start3A, %dma_start3A_40] : memref<32x80x128xi32, #tpu.memory_space<hbm>> -> memref<1x80x128xi32, #tpu.memory_space<hbm>>
      %dma_start3A_42 = tpu.memref_squeeze %dma_start3A_41 : memref<1x80x128xi32, #tpu.memory_space<hbm>> -> memref<80x128xi32, #tpu.memory_space<hbm>>
      %dma_start3A_43 = arith.constant 0 : i32
      %dma_start3A_44 = arith.constant 0 : i32
      %dma_start3A_45 = tpu.memref_slice %arg2[%add3A, %dma_start3A_43, %dma_start3A_44] : memref<32x80x128xi32, #tpu.memory_space<hbm>> -> memref<1x80x128xi32, #tpu.memory_space<hbm>>
      %dma_start3A_46 = tpu.memref_squeeze %dma_start3A_45 : memref<1x80x128xi32, #tpu.memory_space<hbm>> -> memref<80x128xi32, #tpu.memory_space<hbm>>
      tpu.enqueue_dma source(%dma_start3A_46 : memref<80x128xi32, #tpu.memory_space<hbm>>) target(%arg6 : memref<80x128xi32, #tpu.memory_space<vmem>>) target_semaphore(%run_scoped3A : memref<!tpu.dma_semaphore, #tpu.memory_space<semaphore_mem>>)
      %dma_wait3A_47 = arith.constant 0 : i32
      %dma_wait3A_48 = arith.constant 0 : i32
      %dma_wait3A_49 = tpu.memref_slice %arg2[%add3A, %dma_wait3A_47, %dma_wait3A_48] : memref<32x80x128xi32, #tpu.memory_space<hbm>> -> memref<1x80x128xi32, #tpu.memory_space<hbm>>
      %dma_wait3A_50 = tpu.memref_squeeze %dma_wait3A_49 : memref<1x80x128xi32, #tpu.memory_space<hbm>> -> memref<80x128xi32, #tpu.memory_space<hbm>>
      %dma_wait3A_51 = arith.constant 0 : i32
      %dma_wait3A_52 = arith.constant 0 : i32
      %dma_wait3A_53 = tpu.memref_slice %arg2[%add3A, %dma_wait3A_51, %dma_wait3A_52] : memref<32x80x128xi32, #tpu.memory_space<hbm>> -> memref<1x80x128xi32, #tpu.memory_space<hbm>>
      %dma_wait3A_54 = tpu.memref_squeeze %dma_wait3A_53 : memref<1x80x128xi32, #tpu.memory_space<hbm>> -> memref<80x128xi32, #tpu.memory_space<hbm>>
      tpu.wait_dma2 semaphore(%run_scoped3A : memref<!tpu.dma_semaphore, #tpu.memory_space<semaphore_mem>>) src(%dma_wait3A_54 : memref<80x128xi32, #tpu.memory_space<hbm>>) dst(%arg6 : memref<80x128xi32, #tpu.memory_space<vmem>>)
      tpu.yield
    }) : () -> ()
    "tpu.region"() ({
      %run_scoped3A = tpu.sem_alloc : memref<!tpu.dma_semaphore, #tpu.memory_space<semaphore_mem>>
      tpu.enqueue_dma source(%arg3 : memref<128x128xf32, #tpu.memory_space<hbm>>) target(%arg7 : memref<128x128xf32, #tpu.memory_space<vmem>>) target_semaphore(%run_scoped3A : memref<!tpu.dma_semaphore, #tpu.memory_space<semaphore_mem>>)
      tpu.wait_dma2 semaphore(%run_scoped3A : memref<!tpu.dma_semaphore, #tpu.memory_space<semaphore_mem>>) src(%arg3 : memref<128x128xf32, #tpu.memory_space<hbm>>) dst(%arg7 : memref<128x128xf32, #tpu.memory_space<vmem>>)
      tpu.yield
    }) : () -> ()
    %barrier3A = arith.constant 0 : index
    tpu.barrier barrier_id(%barrier3A)
    %scan3A = arith.constant 0 : i32
    %scan3A_3 = arith.constant 0 : i32
    %scan3A_4 = arith.constant 20 : i32
    %scan3A_5 = arith.addi %scan3A_3, %scan3A_4 : i32
    %scan3A_6 = arith.constant 1 : i32
    scf.for %scan3A_40 = %scan3A_3 to %scan3A_5 step %scan3A_6  : i32 {
      %mul3A_41 = arith.constant 4 : i32
      %mul3A_42 = arith.muli %scan3A_40, %mul3A_41 : i32
      %add3A_43 = arith.constant 0 : i32
      %add3A_44 = arith.addi %mul3A_42, %add3A_43 : i32
      %gt3A = arith.constant 0 : i32
      %gt3A_45 = arith.cmpi sgt, %scan3A_40, %gt3A : i32
      %convert_element_type3A = arith.extui %gt3A_45 : i1 to i32
      %cond3A = arith.constant 0 : i32
      %cond3A_46 = arith.cmpi ne, %convert_element_type3A, %cond3A : i32
      scf.if %cond3A_46 {
        %dma_wait3A_97 = arith.constant 0 : i32
        %dma_wait3A_98 = arith.constant 0 : i32
        %dma_wait3A_99 = tpu.memref_slice %arg6[%dma_wait3A_97, %dma_wait3A_98] : memref<80x128xi32, #tpu.memory_space<vmem>> -> memref<1x128xi32, #tpu.memory_space<vmem>>
        %dma_wait3A_100 = tpu.memref_squeeze %dma_wait3A_99 : memref<1x128xi32, #tpu.memory_space<vmem>> -> memref<128xi32, #tpu.memory_space<vmem>>
        %dma_wait3A_101 = arith.constant 0 : i32
        %dma_wait3A_102 = arith.constant 0 : i32
        %dma_wait3A_103 = tpu.memref_slice %arg8[%dma_wait3A_101, %dma_wait3A_102] : memref<10240x128xf32, #tpu.memory_space<vmem_shared>> -> memref<10240x128xf32, #tpu.memory_space<vmem_shared>>
        tpu.wait_indirect_dma semaphore(%arg9 : memref<!tpu.dma_semaphore, #tpu.memory_space<semaphore_mem>>) src(%arg7 : memref<128x128xf32, #tpu.memory_space<vmem>>) dst(%dma_wait3A_103 : memref<10240x128xf32, #tpu.memory_space<vmem_shared>>)
      } else {
      }
      %dma_start3A = arith.constant 0 : i32
      %dma_start3A_47 = tpu.memref_slice %arg6[%add3A_44, %dma_start3A] : memref<80x128xi32, #tpu.memory_space<vmem>> -> memref<1x128xi32, #tpu.memory_space<vmem>>
      %dma_start3A_48 = tpu.memref_squeeze %dma_start3A_47 : memref<1x128xi32, #tpu.memory_space<vmem>> -> memref<128xi32, #tpu.memory_space<vmem>>
      %dma_start3A_49 = arith.constant 0 : i32
      %dma_start3A_50 = arith.constant 0 : i32
      %dma_start3A_51 = tpu.memref_slice %arg8[%dma_start3A_49, %dma_start3A_50] : memref<10240x128xf32, #tpu.memory_space<vmem_shared>> -> memref<10240x128xf32, #tpu.memory_space<vmem_shared>>
      tpu.enqueue_indirect_dma source(%arg7 : memref<128x128xf32, #tpu.memory_space<vmem>>) target(%dma_start3A_51 : memref<10240x128xf32, #tpu.memory_space<vmem_shared>>) offsets(%dma_start3A_48 : memref<128xi32, #tpu.memory_space<vmem>>) semaphore(%arg9 : memref<!tpu.dma_semaphore, #tpu.memory_space<semaphore_mem>>) {add = true}
      %mul3A_52 = arith.constant 4 : i32
      %mul3A_53 = arith.muli %scan3A_40, %mul3A_52 : i32
      %add3A_54 = arith.constant 1 : i32
      %add3A_55 = arith.addi %mul3A_53, %add3A_54 : i32
      %gt3A_56 = arith.constant 0 : i32
      %gt3A_57 = arith.cmpi sgt, %scan3A_40, %gt3A_56 : i32
      %convert_element_type3A_58 = arith.extui %gt3A_57 : i1 to i32
      %cond3A_59 = arith.constant 0 : i32
      %cond3A_60 = arith.cmpi ne, %convert_element_type3A_58, %cond3A_59 : i32
      scf.if %cond3A_60 {
        %dma_wait3A_97 = arith.constant 0 : i32
        %dma_wait3A_98 = arith.constant 0 : i32
        %dma_wait3A_99 = tpu.memref_slice %arg6[%dma_wait3A_97, %dma_wait3A_98] : memref<80x128xi32, #tpu.memory_space<vmem>> -> memref<1x128xi32, #tpu.memory_space<vmem>>
        %dma_wait3A_100 = tpu.memref_squeeze %dma_wait3A_99 : memref<1x128xi32, #tpu.memory_space<vmem>> -> memref<128xi32, #tpu.memory_space<vmem>>
        %dma_wait3A_101 = arith.constant 0 : i32
        %dma_wait3A_102 = arith.constant 0 : i32
        %dma_wait3A_103 = tpu.memref_slice %arg8[%dma_wait3A_101, %dma_wait3A_102] : memref<10240x128xf32, #tpu.memory_space<vmem_shared>> -> memref<10240x128xf32, #tpu.memory_space<vmem_shared>>
        tpu.wait_indirect_dma semaphore(%arg10 : memref<!tpu.dma_semaphore, #tpu.memory_space<semaphore_mem>>) src(%arg7 : memref<128x128xf32, #tpu.memory_space<vmem>>) dst(%dma_wait3A_103 : memref<10240x128xf32, #tpu.memory_space<vmem_shared>>)
      } else {
      }
      %dma_start3A_61 = arith.constant 0 : i32
      %dma_start3A_62 = tpu.memref_slice %arg6[%add3A_55, %dma_start3A_61] : memref<80x128xi32, #tpu.memory_space<vmem>> -> memref<1x128xi32, #tpu.memory_space<vmem>>
      %dma_start3A_63 = tpu.memref_squeeze %dma_start3A_62 : memref<1x128xi32, #tpu.memory_space<vmem>> -> memref<128xi32, #tpu.memory_space<vmem>>
      %dma_start3A_64 = arith.constant 0 : i32
      %dma_start3A_65 = arith.constant 0 : i32
      %dma_start3A_66 = tpu.memref_slice %arg8[%dma_start3A_64, %dma_start3A_65] : memref<10240x128xf32, #tpu.memory_space<vmem_shared>> -> memref<10240x128xf32, #tpu.memory_space<vmem_shared>>
      tpu.enqueue_indirect_dma source(%arg7 : memref<128x128xf32, #tpu.memory_space<vmem>>) target(%dma_start3A_66 : memref<10240x128xf32, #tpu.memory_space<vmem_shared>>) offsets(%dma_start3A_63 : memref<128xi32, #tpu.memory_space<vmem>>) semaphore(%arg10 : memref<!tpu.dma_semaphore, #tpu.memory_space<semaphore_mem>>) {add = true}
      %mul3A_67 = arith.constant 4 : i32
      %mul3A_68 = arith.muli %scan3A_40, %mul3A_67 : i32
      %add3A_69 = arith.constant 2 : i32
      %add3A_70 = arith.addi %mul3A_68, %add3A_69 : i32
      %gt3A_71 = arith.constant 0 : i32
      %gt3A_72 = arith.cmpi sgt, %scan3A_40, %gt3A_71 : i32
      %convert_element_type3A_73 = arith.extui %gt3A_72 : i1 to i32
      %cond3A_74 = arith.constant 0 : i32
      %cond3A_75 = arith.cmpi ne, %convert_element_type3A_73, %cond3A_74 : i32
      scf.if %cond3A_75 {
        %dma_wait3A_97 = arith.constant 0 : i32
        %dma_wait3A_98 = arith.constant 0 : i32
        %dma_wait3A_99 = tpu.memref_slice %arg6[%dma_wait3A_97, %dma_wait3A_98] : memref<80x128xi32, #tpu.memory_space<vmem>> -> memref<1x128xi32, #tpu.memory_space<vmem>>
        %dma_wait3A_100 = tpu.memref_squeeze %dma_wait3A_99 : memref<1x128xi32, #tpu.memory_space<vmem>> -> memref<128xi32, #tpu.memory_space<vmem>>
        %dma_wait3A_101 = arith.constant 0 : i32
        %dma_wait3A_102 = arith.constant 0 : i32
        %dma_wait3A_103 = tpu.memref_slice %arg8[%dma_wait3A_101, %dma_wait3A_102] : memref<10240x128xf32, #tpu.memory_space<vmem_shared>> -> memref<10240x128xf32, #tpu.memory_space<vmem_shared>>
        tpu.wait_indirect_dma semaphore(%arg11 : memref<!tpu.dma_semaphore, #tpu.memory_space<semaphore_mem>>) src(%arg7 : memref<128x128xf32, #tpu.memory_space<vmem>>) dst(%dma_wait3A_103 : memref<10240x128xf32, #tpu.memory_space<vmem_shared>>)
      } else {
      }
      %dma_start3A_76 = arith.constant 0 : i32
      %dma_start3A_77 = tpu.memref_slice %arg6[%add3A_70, %dma_start3A_76] : memref<80x128xi32, #tpu.memory_space<vmem>> -> memref<1x128xi32, #tpu.memory_space<vmem>>
      %dma_start3A_78 = tpu.memref_squeeze %dma_start3A_77 : memref<1x128xi32, #tpu.memory_space<vmem>> -> memref<128xi32, #tpu.memory_space<vmem>>
      %dma_start3A_79 = arith.constant 0 : i32
      %dma_start3A_80 = arith.constant 0 : i32
      %dma_start3A_81 = tpu.memref_slice %arg8[%dma_start3A_79, %dma_start3A_80] : memref<10240x128xf32, #tpu.memory_space<vmem_shared>> -> memref<10240x128xf32, #tpu.memory_space<vmem_shared>>
      tpu.enqueue_indirect_dma source(%arg7 : memref<128x128xf32, #tpu.memory_space<vmem>>) target(%dma_start3A_81 : memref<10240x128xf32, #tpu.memory_space<vmem_shared>>) offsets(%dma_start3A_78 : memref<128xi32, #tpu.memory_space<vmem>>) semaphore(%arg11 : memref<!tpu.dma_semaphore, #tpu.memory_space<semaphore_mem>>) {add = true}
      %mul3A_82 = arith.constant 4 : i32
      %mul3A_83 = arith.muli %scan3A_40, %mul3A_82 : i32
      %add3A_84 = arith.constant 3 : i32
      %add3A_85 = arith.addi %mul3A_83, %add3A_84 : i32
      %gt3A_86 = arith.constant 0 : i32
      %gt3A_87 = arith.cmpi sgt, %scan3A_40, %gt3A_86 : i32
      %convert_element_type3A_88 = arith.extui %gt3A_87 : i1 to i32
      %cond3A_89 = arith.constant 0 : i32
      %cond3A_90 = arith.cmpi ne, %convert_element_type3A_88, %cond3A_89 : i32
      scf.if %cond3A_90 {
        %dma_wait3A_97 = arith.constant 0 : i32
        %dma_wait3A_98 = arith.constant 0 : i32
        %dma_wait3A_99 = tpu.memref_slice %arg6[%dma_wait3A_97, %dma_wait3A_98] : memref<80x128xi32, #tpu.memory_space<vmem>> -> memref<1x128xi32, #tpu.memory_space<vmem>>
        %dma_wait3A_100 = tpu.memref_squeeze %dma_wait3A_99 : memref<1x128xi32, #tpu.memory_space<vmem>> -> memref<128xi32, #tpu.memory_space<vmem>>
        %dma_wait3A_101 = arith.constant 0 : i32
        %dma_wait3A_102 = arith.constant 0 : i32
        %dma_wait3A_103 = tpu.memref_slice %arg8[%dma_wait3A_101, %dma_wait3A_102] : memref<10240x128xf32, #tpu.memory_space<vmem_shared>> -> memref<10240x128xf32, #tpu.memory_space<vmem_shared>>
        tpu.wait_indirect_dma semaphore(%arg12 : memref<!tpu.dma_semaphore, #tpu.memory_space<semaphore_mem>>) src(%arg7 : memref<128x128xf32, #tpu.memory_space<vmem>>) dst(%dma_wait3A_103 : memref<10240x128xf32, #tpu.memory_space<vmem_shared>>)
      } else {
      }
      %dma_start3A_91 = arith.constant 0 : i32
      %dma_start3A_92 = tpu.memref_slice %arg6[%add3A_85, %dma_start3A_91] : memref<80x128xi32, #tpu.memory_space<vmem>> -> memref<1x128xi32, #tpu.memory_space<vmem>>
      %dma_start3A_93 = tpu.memref_squeeze %dma_start3A_92 : memref<1x128xi32, #tpu.memory_space<vmem>> -> memref<128xi32, #tpu.memory_space<vmem>>
      %dma_start3A_94 = arith.constant 0 : i32
      %dma_start3A_95 = arith.constant 0 : i32
      %dma_start3A_96 = tpu.memref_slice %arg8[%dma_start3A_94, %dma_start3A_95] : memref<10240x128xf32, #tpu.memory_space<vmem_shared>> -> memref<10240x128xf32, #tpu.memory_space<vmem_shared>>
      tpu.enqueue_indirect_dma source(%arg7 : memref<128x128xf32, #tpu.memory_space<vmem>>) target(%dma_start3A_96 : memref<10240x128xf32, #tpu.memory_space<vmem_shared>>) offsets(%dma_start3A_93 : memref<128xi32, #tpu.memory_space<vmem>>) semaphore(%arg12 : memref<!tpu.dma_semaphore, #tpu.memory_space<semaphore_mem>>) {add = true}
    }
    %scan3A_7 = arith.constant 20 : i32
    %dma_wait3A = arith.constant 0 : i32
    %dma_wait3A_8 = arith.constant 0 : i32
    %dma_wait3A_9 = tpu.memref_slice %arg6[%dma_wait3A, %dma_wait3A_8] : memref<80x128xi32, #tpu.memory_space<vmem>> -> memref<1x128xi32, #tpu.memory_space<vmem>>
    %dma_wait3A_10 = tpu.memref_squeeze %dma_wait3A_9 : memref<1x128xi32, #tpu.memory_space<vmem>> -> memref<128xi32, #tpu.memory_space<vmem>>
    %dma_wait3A_11 = arith.constant 0 : i32
    %dma_wait3A_12 = arith.constant 0 : i32
    %dma_wait3A_13 = tpu.memref_slice %arg8[%dma_wait3A_11, %dma_wait3A_12] : memref<10240x128xf32, #tpu.memory_space<vmem_shared>> -> memref<10240x128xf32, #tpu.memory_space<vmem_shared>>
    tpu.wait_indirect_dma semaphore(%arg9 : memref<!tpu.dma_semaphore, #tpu.memory_space<semaphore_mem>>) src(%arg7 : memref<128x128xf32, #tpu.memory_space<vmem>>) dst(%dma_wait3A_13 : memref<10240x128xf32, #tpu.memory_space<vmem_shared>>)
    %dma_wait3A_14 = arith.constant 0 : i32
    %dma_wait3A_15 = arith.constant 0 : i32
    %dma_wait3A_16 = tpu.memref_slice %arg6[%dma_wait3A_14, %dma_wait3A_15] : memref<80x128xi32, #tpu.memory_space<vmem>> -> memref<1x128xi32, #tpu.memory_space<vmem>>
    %dma_wait3A_17 = tpu.memref_squeeze %dma_wait3A_16 : memref<1x128xi32, #tpu.memory_space<vmem>> -> memref<128xi32, #tpu.memory_space<vmem>>
    %dma_wait3A_18 = arith.constant 0 : i32
    %dma_wait3A_19 = arith.constant 0 : i32
    %dma_wait3A_20 = tpu.memref_slice %arg8[%dma_wait3A_18, %dma_wait3A_19] : memref<10240x128xf32, #tpu.memory_space<vmem_shared>> -> memref<10240x128xf32, #tpu.memory_space<vmem_shared>>
    tpu.wait_indirect_dma semaphore(%arg10 : memref<!tpu.dma_semaphore, #tpu.memory_space<semaphore_mem>>) src(%arg7 : memref<128x128xf32, #tpu.memory_space<vmem>>) dst(%dma_wait3A_20 : memref<10240x128xf32, #tpu.memory_space<vmem_shared>>)
    %dma_wait3A_21 = arith.constant 0 : i32
    %dma_wait3A_22 = arith.constant 0 : i32
    %dma_wait3A_23 = tpu.memref_slice %arg6[%dma_wait3A_21, %dma_wait3A_22] : memref<80x128xi32, #tpu.memory_space<vmem>> -> memref<1x128xi32, #tpu.memory_space<vmem>>
    %dma_wait3A_24 = tpu.memref_squeeze %dma_wait3A_23 : memref<1x128xi32, #tpu.memory_space<vmem>> -> memref<128xi32, #tpu.memory_space<vmem>>
    %dma_wait3A_25 = arith.constant 0 : i32
    %dma_wait3A_26 = arith.constant 0 : i32
    %dma_wait3A_27 = tpu.memref_slice %arg8[%dma_wait3A_25, %dma_wait3A_26] : memref<10240x128xf32, #tpu.memory_space<vmem_shared>> -> memref<10240x128xf32, #tpu.memory_space<vmem_shared>>
    tpu.wait_indirect_dma semaphore(%arg11 : memref<!tpu.dma_semaphore, #tpu.memory_space<semaphore_mem>>) src(%arg7 : memref<128x128xf32, #tpu.memory_space<vmem>>) dst(%dma_wait3A_27 : memref<10240x128xf32, #tpu.memory_space<vmem_shared>>)
    %dma_wait3A_28 = arith.constant 0 : i32
    %dma_wait3A_29 = arith.constant 0 : i32
    %dma_wait3A_30 = tpu.memref_slice %arg6[%dma_wait3A_28, %dma_wait3A_29] : memref<80x128xi32, #tpu.memory_space<vmem>> -> memref<1x128xi32, #tpu.memory_space<vmem>>
    %dma_wait3A_31 = tpu.memref_squeeze %dma_wait3A_30 : memref<1x128xi32, #tpu.memory_space<vmem>> -> memref<128xi32, #tpu.memory_space<vmem>>
    %dma_wait3A_32 = arith.constant 0 : i32
    %dma_wait3A_33 = arith.constant 0 : i32
    %dma_wait3A_34 = tpu.memref_slice %arg8[%dma_wait3A_32, %dma_wait3A_33] : memref<10240x128xf32, #tpu.memory_space<vmem_shared>> -> memref<10240x128xf32, #tpu.memory_space<vmem_shared>>
    tpu.wait_indirect_dma semaphore(%arg12 : memref<!tpu.dma_semaphore, #tpu.memory_space<semaphore_mem>>) src(%arg7 : memref<128x128xf32, #tpu.memory_space<vmem>>) dst(%dma_wait3A_34 : memref<10240x128xf32, #tpu.memory_space<vmem_shared>>)
    %barrier3A_35 = arith.constant 0 : index
    tpu.barrier barrier_id(%barrier3A_35)
    %mul3A_36 = arith.constant 640 : i32
    %mul3A_37 = arith.muli %arg1, %mul3A_36 : i32
    %mul3A_38 = arith.constant 640 : i32
    %mul3A_39 = arith.muli %arg1, %mul3A_38 : i32
    "tpu.region"() ({
      %run_scoped3A = tpu.sem_alloc : memref<!tpu.dma_semaphore, #tpu.memory_space<semaphore_mem>>
      %dma_start3A = arith.constant 0 : i32
      %dma_start3A_40 = tpu.memref_slice %arg5[%arg0, %mul3A_39, %dma_start3A] : memref<2x10240x128xf32, #tpu.memory_space<hbm>> -> memref<1x640x128xf32, #tpu.memory_space<hbm>>
      %dma_start3A_41 = tpu.memref_squeeze %dma_start3A_40 : memref<1x640x128xf32, #tpu.memory_space<hbm>> -> memref<640x128xf32, #tpu.memory_space<hbm>>
      %dma_start3A_42 = arith.constant 0 : i32
      %dma_start3A_43 = tpu.memref_slice %arg8[%mul3A_37, %dma_start3A_42] : memref<10240x128xf32, #tpu.memory_space<vmem_shared>> -> memref<640x128xf32, #tpu.memory_space<vmem_shared>>
      tpu.enqueue_dma source(%dma_start3A_43 : memref<640x128xf32, #tpu.memory_space<vmem_shared>>) target(%dma_start3A_41 : memref<640x128xf32, #tpu.memory_space<hbm>>) target_semaphore(%run_scoped3A : memref<!tpu.dma_semaphore, #tpu.memory_space<semaphore_mem>>)
      %dma_wait3A_44 = arith.constant 0 : i32
      %dma_wait3A_45 = tpu.memref_slice %arg5[%arg0, %mul3A_39, %dma_wait3A_44] : memref<2x10240x128xf32, #tpu.memory_space<hbm>> -> memref<1x640x128xf32, #tpu.memory_space<hbm>>
      %dma_wait3A_46 = tpu.memref_squeeze %dma_wait3A_45 : memref<1x640x128xf32, #tpu.memory_space<hbm>> -> memref<640x128xf32, #tpu.memory_space<hbm>>
      %dma_wait3A_47 = arith.constant 0 : i32
      %dma_wait3A_48 = tpu.memref_slice %arg8[%mul3A_37, %dma_wait3A_47] : memref<10240x128xf32, #tpu.memory_space<vmem_shared>> -> memref<640x128xf32, #tpu.memory_space<vmem_shared>>
      tpu.wait_dma2 semaphore(%run_scoped3A : memref<!tpu.dma_semaphore, #tpu.memory_space<semaphore_mem>>) src(%dma_wait3A_48 : memref<640x128xf32, #tpu.memory_space<vmem_shared>>) dst(%dma_wait3A_46 : memref<640x128xf32, #tpu.memory_space<hbm>>)
      tpu.yield
    }) : () -> ()
    return
  }
}

#map = affine_map<(d0, d1) -> (0, 0)>
#map1 = affine_map<(d0, d1) -> (0, 0, 0)>
#map2 = affine_map<(d0, d1) -> (0, 0, 0, 0)>
module attributes {stable_mosaic.version = 14 : i64} {
  func.func @_hop_kernel(%arg0: i32, %arg1: i32, %arg2: memref<10000x128xf32, #tpu.memory_space<hbm>>, %arg3: memref<32x128x80xi32, #tpu.memory_space<hbm>>, %arg4: memref<32x128x1x80xi32, #tpu.memory_space<hbm>>, %arg5: memref<640x128xf32, #tpu.memory_space<hbm>>, %arg6: memref<2x10240x128xf32, #tpu.memory_space<hbm>>, %arg7: memref<80xi32, #tpu.memory_space<vmem>>, %arg8: memref<80xi32, #tpu.memory_space<vmem>>, %arg9: memref<80xi32, #tpu.memory_space<vmem>>, %arg10: memref<80xi32, #tpu.memory_space<vmem>>, %arg11: memref<1x80xi32, #tpu.memory_space<vmem>>, %arg12: memref<1x80xi32, #tpu.memory_space<vmem>>, %arg13: memref<1x80xi32, #tpu.memory_space<vmem>>, %arg14: memref<1x80xi32, #tpu.memory_space<vmem>>, %arg15: memref<80x128xf32, #tpu.memory_space<vmem>>, %arg16: memref<80x128xf32, #tpu.memory_space<vmem>>, %arg17: memref<80x128xf32, #tpu.memory_space<vmem>>, %arg18: memref<80x128xf32, #tpu.memory_space<vmem>>, %arg19: memref<10240x128xf32, #tpu.memory_space<vmem_shared>>, %arg20: memref<!tpu.dma_semaphore, #tpu.memory_space<semaphore_mem>>, %arg21: memref<!tpu.dma_semaphore, #tpu.memory_space<semaphore_mem>>, %arg22: memref<!tpu.dma_semaphore, #tpu.memory_space<semaphore_mem>>, %arg23: memref<!tpu.dma_semaphore, #tpu.memory_space<semaphore_mem>>, %arg24: memref<!tpu.dma_semaphore, #tpu.memory_space<semaphore_mem>>, %arg25: memref<!tpu.dma_semaphore, #tpu.memory_space<semaphore_mem>>, %arg26: memref<!tpu.dma_semaphore, #tpu.memory_space<semaphore_mem>>, %arg27: memref<!tpu.dma_semaphore, #tpu.memory_space<semaphore_mem>>, %arg28: memref<!tpu.dma_semaphore, #tpu.memory_space<semaphore_mem>>, %arg29: memref<!tpu.dma_semaphore, #tpu.memory_space<semaphore_mem>>, %arg30: memref<!tpu.dma_semaphore, #tpu.memory_space<semaphore_mem>>, %arg31: memref<!tpu.dma_semaphore, #tpu.memory_space<semaphore_mem>>, %arg32: memref<!tpu.dma_semaphore, #tpu.memory_space<semaphore_mem>>, %arg33: memref<!tpu.dma_semaphore, #tpu.memory_space<semaphore_mem>>, %arg34: memref<!tpu.dma_semaphore, #tpu.memory_space<semaphore_mem>>, %arg35: memref<!tpu.dma_semaphore, #tpu.memory_space<semaphore_mem>>) attributes {dimension_semantics = [#tpu.dimension_semantics<core_parallel>, #tpu.dimension_semantics<subcore_parallel>], iteration_bounds = array<i64: 2, 16>, scalar_prefetch = 0 : i64, scratch_operands = 29 : i64, tpu.core_type = #tpu.core_type<sc_vector_subcore>, window_params = [{transform_indices = #map}, {transform_indices = #map1}, {transform_indices = #map2}, {transform_indices = #map}, {transform_indices = #map1}]} {
    %mul3A = arith.constant 16 : i32
    %mul3A_0 = arith.muli %arg0, %mul3A : i32
    %add3A = arith.addi %mul3A_0, %arg1 : i32
    %mul3A_1 = arith.constant 640 : i32
    %mul3A_2 = arith.muli %arg1, %mul3A_1 : i32
    "tpu.region"() ({
      %run_scoped3A = tpu.sem_alloc : memref<!tpu.dma_semaphore, #tpu.memory_space<semaphore_mem>>
      %dma_start3A_103 = arith.constant 0 : i32
      %dma_start3A_104 = tpu.memref_slice %arg19[%mul3A_2, %dma_start3A_103] : memref<10240x128xf32, #tpu.memory_space<vmem_shared>> -> memref<640x128xf32, #tpu.memory_space<vmem_shared>>
      tpu.enqueue_dma source(%arg5 : memref<640x128xf32, #tpu.memory_space<hbm>>) target(%dma_start3A_104 : memref<640x128xf32, #tpu.memory_space<vmem_shared>>) target_semaphore(%run_scoped3A : memref<!tpu.dma_semaphore, #tpu.memory_space<semaphore_mem>>)
      %dma_wait3A_105 = arith.constant 0 : i32
      %dma_wait3A_106 = tpu.memref_slice %arg19[%mul3A_2, %dma_wait3A_105] : memref<10240x128xf32, #tpu.memory_space<vmem_shared>> -> memref<640x128xf32, #tpu.memory_space<vmem_shared>>
      tpu.wait_dma2 semaphore(%run_scoped3A : memref<!tpu.dma_semaphore, #tpu.memory_space<semaphore_mem>>) src(%arg5 : memref<640x128xf32, #tpu.memory_space<hbm>>) dst(%dma_wait3A_106 : memref<640x128xf32, #tpu.memory_space<vmem_shared>>)
      tpu.yield
    }) : () -> ()
    %dma_start3A = arith.constant 0 : i32
    %dma_start3A_3 = arith.constant 0 : i32
    %dma_start3A_4 = tpu.memref_slice %arg3[%add3A, %dma_start3A, %dma_start3A_3] : memref<32x128x80xi32, #tpu.memory_space<hbm>> -> memref<1x1x80xi32, #tpu.memory_space<hbm>>
    %dma_start3A_5 = tpu.memref_squeeze %dma_start3A_4 : memref<1x1x80xi32, #tpu.memory_space<hbm>> -> memref<80xi32, #tpu.memory_space<hbm>>
    %dma_start3A_6 = arith.constant 0 : i32
    %dma_start3A_7 = tpu.memref_slice %arg3[%add3A, %dma_start3A, %dma_start3A_6] : memref<32x128x80xi32, #tpu.memory_space<hbm>> -> memref<1x1x80xi32, #tpu.memory_space<hbm>>
    %dma_start3A_8 = tpu.memref_squeeze %dma_start3A_7 : memref<1x1x80xi32, #tpu.memory_space<hbm>> -> memref<80xi32, #tpu.memory_space<hbm>>
    tpu.enqueue_dma source(%dma_start3A_8 : memref<80xi32, #tpu.memory_space<hbm>>) target(%arg7 : memref<80xi32, #tpu.memory_space<vmem>>) target_semaphore(%arg20 : memref<!tpu.dma_semaphore, #tpu.memory_space<semaphore_mem>>)
    %dma_start3A_9 = arith.constant 0 : i32
    %dma_start3A_10 = arith.constant 0 : i32
    %dma_start3A_11 = arith.constant 0 : i32
    %dma_start3A_12 = tpu.memref_slice %arg4[%add3A, %dma_start3A_9, %dma_start3A_10, %dma_start3A_11] : memref<32x128x1x80xi32, #tpu.memory_space<hbm>> -> memref<1x1x1x80xi32, #tpu.memory_space<hbm>>
    %dma_start3A_13 = tpu.memref_squeeze %dma_start3A_12 : memref<1x1x1x80xi32, #tpu.memory_space<hbm>> -> memref<1x80xi32, #tpu.memory_space<hbm>>
    %dma_start3A_14 = arith.constant 0 : i32
    %dma_start3A_15 = arith.constant 0 : i32
    %dma_start3A_16 = tpu.memref_slice %arg4[%add3A, %dma_start3A_9, %dma_start3A_14, %dma_start3A_15] : memref<32x128x1x80xi32, #tpu.memory_space<hbm>> -> memref<1x1x1x80xi32, #tpu.memory_space<hbm>>
    %dma_start3A_17 = tpu.memref_squeeze %dma_start3A_16 : memref<1x1x1x80xi32, #tpu.memory_space<hbm>> -> memref<1x80xi32, #tpu.memory_space<hbm>>
    tpu.enqueue_dma source(%dma_start3A_17 : memref<1x80xi32, #tpu.memory_space<hbm>>) target(%arg11 : memref<1x80xi32, #tpu.memory_space<vmem>>) target_semaphore(%arg24 : memref<!tpu.dma_semaphore, #tpu.memory_space<semaphore_mem>>)
    %dma_start3A_18 = arith.constant 1 : i32
    %dma_start3A_19 = arith.constant 0 : i32
    %dma_start3A_20 = tpu.memref_slice %arg3[%add3A, %dma_start3A_18, %dma_start3A_19] : memref<32x128x80xi32, #tpu.memory_space<hbm>> -> memref<1x1x80xi32, #tpu.memory_space<hbm>>
    %dma_start3A_21 = tpu.memref_squeeze %dma_start3A_20 : memref<1x1x80xi32, #tpu.memory_space<hbm>> -> memref<80xi32, #tpu.memory_space<hbm>>
    %dma_start3A_22 = arith.constant 0 : i32
    %dma_start3A_23 = tpu.memref_slice %arg3[%add3A, %dma_start3A_18, %dma_start3A_22] : memref<32x128x80xi32, #tpu.memory_space<hbm>> -> memref<1x1x80xi32, #tpu.memory_space<hbm>>
    %dma_start3A_24 = tpu.memref_squeeze %dma_start3A_23 : memref<1x1x80xi32, #tpu.memory_space<hbm>> -> memref<80xi32, #tpu.memory_space<hbm>>
    tpu.enqueue_dma source(%dma_start3A_24 : memref<80xi32, #tpu.memory_space<hbm>>) target(%arg8 : memref<80xi32, #tpu.memory_space<vmem>>) target_semaphore(%arg21 : memref<!tpu.dma_semaphore, #tpu.memory_space<semaphore_mem>>)
    %dma_start3A_25 = arith.constant 1 : i32
    %dma_start3A_26 = arith.constant 0 : i32
    %dma_start3A_27 = arith.constant 0 : i32
    %dma_start3A_28 = tpu.memref_slice %arg4[%add3A, %dma_start3A_25, %dma_start3A_26, %dma_start3A_27] : memref<32x128x1x80xi32, #tpu.memory_space<hbm>> -> memref<1x1x1x80xi32, #tpu.memory_space<hbm>>
    %dma_start3A_29 = tpu.memref_squeeze %dma_start3A_28 : memref<1x1x1x80xi32, #tpu.memory_space<hbm>> -> memref<1x80xi32, #tpu.memory_space<hbm>>
    %dma_start3A_30 = arith.constant 0 : i32
    %dma_start3A_31 = arith.constant 0 : i32
    %dma_start3A_32 = tpu.memref_slice %arg4[%add3A, %dma_start3A_25, %dma_start3A_30, %dma_start3A_31] : memref<32x128x1x80xi32, #tpu.memory_space<hbm>> -> memref<1x1x1x80xi32, #tpu.memory_space<hbm>>
    %dma_start3A_33 = tpu.memref_squeeze %dma_start3A_32 : memref<1x1x1x80xi32, #tpu.memory_space<hbm>> -> memref<1x80xi32, #tpu.memory_space<hbm>>
    tpu.enqueue_dma source(%dma_start3A_33 : memref<1x80xi32, #tpu.memory_space<hbm>>) target(%arg12 : memref<1x80xi32, #tpu.memory_space<vmem>>) target_semaphore(%arg25 : memref<!tpu.dma_semaphore, #tpu.memory_space<semaphore_mem>>)
    %dma_start3A_34 = arith.constant 2 : i32
    %dma_start3A_35 = arith.constant 0 : i32
    %dma_start3A_36 = tpu.memref_slice %arg3[%add3A, %dma_start3A_34, %dma_start3A_35] : memref<32x128x80xi32, #tpu.memory_space<hbm>> -> memref<1x1x80xi32, #tpu.memory_space<hbm>>
    %dma_start3A_37 = tpu.memref_squeeze %dma_start3A_36 : memref<1x1x80xi32, #tpu.memory_space<hbm>> -> memref<80xi32, #tpu.memory_space<hbm>>
    %dma_start3A_38 = arith.constant 0 : i32
    %dma_start3A_39 = tpu.memref_slice %arg3[%add3A, %dma_start3A_34, %dma_start3A_38] : memref<32x128x80xi32, #tpu.memory_space<hbm>> -> memref<1x1x80xi32, #tpu.memory_space<hbm>>
    %dma_start3A_40 = tpu.memref_squeeze %dma_start3A_39 : memref<1x1x80xi32, #tpu.memory_space<hbm>> -> memref<80xi32, #tpu.memory_space<hbm>>
    tpu.enqueue_dma source(%dma_start3A_40 : memref<80xi32, #tpu.memory_space<hbm>>) target(%arg9 : memref<80xi32, #tpu.memory_space<vmem>>) target_semaphore(%arg22 : memref<!tpu.dma_semaphore, #tpu.memory_space<semaphore_mem>>)
    %dma_start3A_41 = arith.constant 2 : i32
    %dma_start3A_42 = arith.constant 0 : i32
    %dma_start3A_43 = arith.constant 0 : i32
    %dma_start3A_44 = tpu.memref_slice %arg4[%add3A, %dma_start3A_41, %dma_start3A_42, %dma_start3A_43] : memref<32x128x1x80xi32, #tpu.memory_space<hbm>> -> memref<1x1x1x80xi32, #tpu.memory_space<hbm>>
    %dma_start3A_45 = tpu.memref_squeeze %dma_start3A_44 : memref<1x1x1x80xi32, #tpu.memory_space<hbm>> -> memref<1x80xi32, #tpu.memory_space<hbm>>
    %dma_start3A_46 = arith.constant 0 : i32
    %dma_start3A_47 = arith.constant 0 : i32
    %dma_start3A_48 = tpu.memref_slice %arg4[%add3A, %dma_start3A_41, %dma_start3A_46, %dma_start3A_47] : memref<32x128x1x80xi32, #tpu.memory_space<hbm>> -> memref<1x1x1x80xi32, #tpu.memory_space<hbm>>
    %dma_start3A_49 = tpu.memref_squeeze %dma_start3A_48 : memref<1x1x1x80xi32, #tpu.memory_space<hbm>> -> memref<1x80xi32, #tpu.memory_space<hbm>>
    tpu.enqueue_dma source(%dma_start3A_49 : memref<1x80xi32, #tpu.memory_space<hbm>>) target(%arg13 : memref<1x80xi32, #tpu.memory_space<vmem>>) target_semaphore(%arg26 : memref<!tpu.dma_semaphore, #tpu.memory_space<semaphore_mem>>)
    %dma_start3A_50 = arith.constant 3 : i32
    %dma_start3A_51 = arith.constant 0 : i32
    %dma_start3A_52 = tpu.memref_slice %arg3[%add3A, %dma_start3A_50, %dma_start3A_51] : memref<32x128x80xi32, #tpu.memory_space<hbm>> -> memref<1x1x80xi32, #tpu.memory_space<hbm>>
    %dma_start3A_53 = tpu.memref_squeeze %dma_start3A_52 : memref<1x1x80xi32, #tpu.memory_space<hbm>> -> memref<80xi32, #tpu.memory_space<hbm>>
    %dma_start3A_54 = arith.constant 0 : i32
    %dma_start3A_55 = tpu.memref_slice %arg3[%add3A, %dma_start3A_50, %dma_start3A_54] : memref<32x128x80xi32, #tpu.memory_space<hbm>> -> memref<1x1x80xi32, #tpu.memory_space<hbm>>
    %dma_start3A_56 = tpu.memref_squeeze %dma_start3A_55 : memref<1x1x80xi32, #tpu.memory_space<hbm>> -> memref<80xi32, #tpu.memory_space<hbm>>
    tpu.enqueue_dma source(%dma_start3A_56 : memref<80xi32, #tpu.memory_space<hbm>>) target(%arg10 : memref<80xi32, #tpu.memory_space<vmem>>) target_semaphore(%arg23 : memref<!tpu.dma_semaphore, #tpu.memory_space<semaphore_mem>>)
    %dma_start3A_57 = arith.constant 3 : i32
    %dma_start3A_58 = arith.constant 0 : i32
    %dma_start3A_59 = arith.constant 0 : i32
    %dma_start3A_60 = tpu.memref_slice %arg4[%add3A, %dma_start3A_57, %dma_start3A_58, %dma_start3A_59] : memref<32x128x1x80xi32, #tpu.memory_space<hbm>> -> memref<1x1x1x80xi32, #tpu.memory_space<hbm>>
    %dma_start3A_61 = tpu.memref_squeeze %dma_start3A_60 : memref<1x1x1x80xi32, #tpu.memory_space<hbm>> -> memref<1x80xi32, #tpu.memory_space<hbm>>
    %dma_start3A_62 = arith.constant 0 : i32
    %dma_start3A_63 = arith.constant 0 : i32
    %dma_start3A_64 = tpu.memref_slice %arg4[%add3A, %dma_start3A_57, %dma_start3A_62, %dma_start3A_63] : memref<32x128x1x80xi32, #tpu.memory_space<hbm>> -> memref<1x1x1x80xi32, #tpu.memory_space<hbm>>
    %dma_start3A_65 = tpu.memref_squeeze %dma_start3A_64 : memref<1x1x1x80xi32, #tpu.memory_space<hbm>> -> memref<1x80xi32, #tpu.memory_space<hbm>>
    tpu.enqueue_dma source(%dma_start3A_65 : memref<1x80xi32, #tpu.memory_space<hbm>>) target(%arg14 : memref<1x80xi32, #tpu.memory_space<vmem>>) target_semaphore(%arg27 : memref<!tpu.dma_semaphore, #tpu.memory_space<semaphore_mem>>)
    %barrier3A = arith.constant 0 : index
    tpu.barrier barrier_id(%barrier3A)
    %scan3A = arith.constant 0 : i32
    %scan3A_66 = arith.constant 0 : i32
    %scan3A_67 = arith.constant 32 : i32
    %scan3A_68 = arith.addi %scan3A_66, %scan3A_67 : i32
    %scan3A_69 = arith.constant 1 : i32
    scf.for %scan3A_103 = %scan3A_66 to %scan3A_68 step %scan3A_69  : i32 {
      %mul3A_104 = arith.constant 4 : i32
      %mul3A_105 = arith.muli %scan3A_103, %mul3A_104 : i32
      %add3A_106 = arith.constant 0 : i32
      %add3A_107 = arith.addi %mul3A_105, %add3A_106 : i32
      %gt3A = arith.constant 0 : i32
      %gt3A_108 = arith.cmpi sgt, %scan3A_103, %gt3A : i32
      %convert_element_type3A = arith.extui %gt3A_108 : i1 to i32
      %cond3A = arith.constant 0 : i32
      %cond3A_109 = arith.cmpi ne, %convert_element_type3A, %cond3A : i32
      scf.if %cond3A_109 {
        %dma_wait3A_296 = arith.constant 0 : i32
        %dma_wait3A_297 = arith.constant 0 : i32
        %dma_wait3A_298 = tpu.memref_slice %arg11[%dma_wait3A_296, %dma_wait3A_297] : memref<1x80xi32, #tpu.memory_space<vmem>> -> memref<1x80xi32, #tpu.memory_space<vmem>>
        %dma_wait3A_299 = tpu.memref_squeeze %dma_wait3A_298 : memref<1x80xi32, #tpu.memory_space<vmem>> -> memref<80xi32, #tpu.memory_space<vmem>>
        %dma_wait3A_300 = arith.constant 0 : i32
        %dma_wait3A_301 = arith.constant 0 : i32
        %dma_wait3A_302 = tpu.memref_slice %arg19[%dma_wait3A_300, %dma_wait3A_301] : memref<10240x128xf32, #tpu.memory_space<vmem_shared>> -> memref<10240x128xf32, #tpu.memory_space<vmem_shared>>
        tpu.wait_indirect_dma semaphore(%arg32 : memref<!tpu.dma_semaphore, #tpu.memory_space<semaphore_mem>>) src(%arg15 : memref<80x128xf32, #tpu.memory_space<vmem>>) dst(%dma_wait3A_302 : memref<10240x128xf32, #tpu.memory_space<vmem_shared>>)
        %dma_start3A_303 = arith.constant 0 : i32
        %dma_start3A_304 = arith.constant 0 : i32
        %dma_start3A_305 = tpu.memref_slice %arg4[%add3A, %add3A_107, %dma_start3A_303, %dma_start3A_304] : memref<32x128x1x80xi32, #tpu.memory_space<hbm>> -> memref<1x1x1x80xi32, #tpu.memory_space<hbm>>
        %dma_start3A_306 = tpu.memref_squeeze %dma_start3A_305 : memref<1x1x1x80xi32, #tpu.memory_space<hbm>> -> memref<1x80xi32, #tpu.memory_space<hbm>>
        %dma_start3A_307 = arith.constant 0 : i32
        %dma_start3A_308 = arith.constant 0 : i32
        %dma_start3A_309 = tpu.memref_slice %arg4[%add3A, %add3A_107, %dma_start3A_307, %dma_start3A_308] : memref<32x128x1x80xi32, #tpu.memory_space<hbm>> -> memref<1x1x1x80xi32, #tpu.memory_space<hbm>>
        %dma_start3A_310 = tpu.memref_squeeze %dma_start3A_309 : memref<1x1x1x80xi32, #tpu.memory_space<hbm>> -> memref<1x80xi32, #tpu.memory_space<hbm>>
        tpu.enqueue_dma source(%dma_start3A_310 : memref<1x80xi32, #tpu.memory_space<hbm>>) target(%arg11 : memref<1x80xi32, #tpu.memory_space<vmem>>) target_semaphore(%arg24 : memref<!tpu.dma_semaphore, #tpu.memory_space<semaphore_mem>>)
      } else {
      }
      %dma_wait3A_110 = arith.constant 0 : i32
      %dma_wait3A_111 = arith.constant 0 : i32
      %dma_wait3A_112 = tpu.memref_slice %arg3[%add3A, %dma_wait3A_110, %dma_wait3A_111] : memref<32x128x80xi32, #tpu.memory_space<hbm>> -> memref<1x1x80xi32, #tpu.memory_space<hbm>>
      %dma_wait3A_113 = tpu.memref_squeeze %dma_wait3A_112 : memref<1x1x80xi32, #tpu.memory_space<hbm>> -> memref<80xi32, #tpu.memory_space<hbm>>
      %dma_wait3A_114 = arith.constant 0 : i32
      %dma_wait3A_115 = tpu.memref_slice %arg3[%add3A, %dma_wait3A_110, %dma_wait3A_114] : memref<32x128x80xi32, #tpu.memory_space<hbm>> -> memref<1x1x80xi32, #tpu.memory_space<hbm>>
      %dma_wait3A_116 = tpu.memref_squeeze %dma_wait3A_115 : memref<1x1x80xi32, #tpu.memory_space<hbm>> -> memref<80xi32, #tpu.memory_space<hbm>>
      tpu.wait_dma2 semaphore(%arg20 : memref<!tpu.dma_semaphore, #tpu.memory_space<semaphore_mem>>) src(%dma_wait3A_116 : memref<80xi32, #tpu.memory_space<hbm>>) dst(%arg7 : memref<80xi32, #tpu.memory_space<vmem>>)
      %dma_start3A_117 = arith.constant 0 : i32
      %dma_start3A_118 = arith.constant 0 : i32
      %dma_start3A_119 = tpu.memref_slice %arg2[%dma_start3A_117, %dma_start3A_118] : memref<10000x128xf32, #tpu.memory_space<hbm>> -> memref<10000x128xf32, #tpu.memory_space<hbm>>
      tpu.enqueue_indirect_dma source(%dma_start3A_119 : memref<10000x128xf32, #tpu.memory_space<hbm>>) target(%arg15 : memref<80x128xf32, #tpu.memory_space<vmem>>) offsets(%arg7 : memref<80xi32, #tpu.memory_space<vmem>>) semaphore(%arg28 : memref<!tpu.dma_semaphore, #tpu.memory_space<semaphore_mem>>)
      %mul3A_120 = arith.constant 4 : i32
      %mul3A_121 = arith.muli %scan3A_103, %mul3A_120 : i32
      %add3A_122 = arith.constant 1 : i32
      %add3A_123 = arith.addi %mul3A_121, %add3A_122 : i32
      %gt3A_124 = arith.constant 0 : i32
      %gt3A_125 = arith.cmpi sgt, %scan3A_103, %gt3A_124 : i32
      %convert_element_type3A_126 = arith.extui %gt3A_125 : i1 to i32
      %cond3A_127 = arith.constant 0 : i32
      %cond3A_128 = arith.cmpi ne, %convert_element_type3A_126, %cond3A_127 : i32
      scf.if %cond3A_128 {
        %dma_wait3A_296 = arith.constant 0 : i32
        %dma_wait3A_297 = arith.constant 0 : i32
        %dma_wait3A_298 = tpu.memref_slice %arg12[%dma_wait3A_296, %dma_wait3A_297] : memref<1x80xi32, #tpu.memory_space<vmem>> -> memref<1x80xi32, #tpu.memory_space<vmem>>
        %dma_wait3A_299 = tpu.memref_squeeze %dma_wait3A_298 : memref<1x80xi32, #tpu.memory_space<vmem>> -> memref<80xi32, #tpu.memory_space<vmem>>
        %dma_wait3A_300 = arith.constant 0 : i32
        %dma_wait3A_301 = arith.constant 0 : i32
        %dma_wait3A_302 = tpu.memref_slice %arg19[%dma_wait3A_300, %dma_wait3A_301] : memref<10240x128xf32, #tpu.memory_space<vmem_shared>> -> memref<10240x128xf32, #tpu.memory_space<vmem_shared>>
        tpu.wait_indirect_dma semaphore(%arg33 : memref<!tpu.dma_semaphore, #tpu.memory_space<semaphore_mem>>) src(%arg16 : memref<80x128xf32, #tpu.memory_space<vmem>>) dst(%dma_wait3A_302 : memref<10240x128xf32, #tpu.memory_space<vmem_shared>>)
        %dma_start3A_303 = arith.constant 0 : i32
        %dma_start3A_304 = arith.constant 0 : i32
        %dma_start3A_305 = tpu.memref_slice %arg4[%add3A, %add3A_123, %dma_start3A_303, %dma_start3A_304] : memref<32x128x1x80xi32, #tpu.memory_space<hbm>> -> memref<1x1x1x80xi32, #tpu.memory_space<hbm>>
        %dma_start3A_306 = tpu.memref_squeeze %dma_start3A_305 : memref<1x1x1x80xi32, #tpu.memory_space<hbm>> -> memref<1x80xi32, #tpu.memory_space<hbm>>
        %dma_start3A_307 = arith.constant 0 : i32
        %dma_start3A_308 = arith.constant 0 : i32
        %dma_start3A_309 = tpu.memref_slice %arg4[%add3A, %add3A_123, %dma_start3A_307, %dma_start3A_308] : memref<32x128x1x80xi32, #tpu.memory_space<hbm>> -> memref<1x1x1x80xi32, #tpu.memory_space<hbm>>
        %dma_start3A_310 = tpu.memref_squeeze %dma_start3A_309 : memref<1x1x1x80xi32, #tpu.memory_space<hbm>> -> memref<1x80xi32, #tpu.memory_space<hbm>>
        tpu.enqueue_dma source(%dma_start3A_310 : memref<1x80xi32, #tpu.memory_space<hbm>>) target(%arg12 : memref<1x80xi32, #tpu.memory_space<vmem>>) target_semaphore(%arg25 : memref<!tpu.dma_semaphore, #tpu.memory_space<semaphore_mem>>)
      } else {
      }
      %dma_wait3A_129 = arith.constant 0 : i32
      %dma_wait3A_130 = arith.constant 0 : i32
      %dma_wait3A_131 = tpu.memref_slice %arg3[%add3A, %dma_wait3A_129, %dma_wait3A_130] : memref<32x128x80xi32, #tpu.memory_space<hbm>> -> memref<1x1x80xi32, #tpu.memory_space<hbm>>
      %dma_wait3A_132 = tpu.memref_squeeze %dma_wait3A_131 : memref<1x1x80xi32, #tpu.memory_space<hbm>> -> memref<80xi32, #tpu.memory_space<hbm>>
      %dma_wait3A_133 = arith.constant 0 : i32
      %dma_wait3A_134 = tpu.memref_slice %arg3[%add3A, %dma_wait3A_129, %dma_wait3A_133] : memref<32x128x80xi32, #tpu.memory_space<hbm>> -> memref<1x1x80xi32, #tpu.memory_space<hbm>>
      %dma_wait3A_135 = tpu.memref_squeeze %dma_wait3A_134 : memref<1x1x80xi32, #tpu.memory_space<hbm>> -> memref<80xi32, #tpu.memory_space<hbm>>
      tpu.wait_dma2 semaphore(%arg21 : memref<!tpu.dma_semaphore, #tpu.memory_space<semaphore_mem>>) src(%dma_wait3A_135 : memref<80xi32, #tpu.memory_space<hbm>>) dst(%arg8 : memref<80xi32, #tpu.memory_space<vmem>>)
      %dma_start3A_136 = arith.constant 0 : i32
      %dma_start3A_137 = arith.constant 0 : i32
      %dma_start3A_138 = tpu.memref_slice %arg2[%dma_start3A_136, %dma_start3A_137] : memref<10000x128xf32, #tpu.memory_space<hbm>> -> memref<10000x128xf32, #tpu.memory_space<hbm>>
      tpu.enqueue_indirect_dma source(%dma_start3A_138 : memref<10000x128xf32, #tpu.memory_space<hbm>>) target(%arg16 : memref<80x128xf32, #tpu.memory_space<vmem>>) offsets(%arg8 : memref<80xi32, #tpu.memory_space<vmem>>) semaphore(%arg29 : memref<!tpu.dma_semaphore, #tpu.memory_space<semaphore_mem>>)
      %mul3A_139 = arith.constant 4 : i32
      %mul3A_140 = arith.muli %scan3A_103, %mul3A_139 : i32
      %add3A_141 = arith.constant 2 : i32
      %add3A_142 = arith.addi %mul3A_140, %add3A_141 : i32
      %gt3A_143 = arith.constant 0 : i32
      %gt3A_144 = arith.cmpi sgt, %scan3A_103, %gt3A_143 : i32
      %convert_element_type3A_145 = arith.extui %gt3A_144 : i1 to i32
      %cond3A_146 = arith.constant 0 : i32
      %cond3A_147 = arith.cmpi ne, %convert_element_type3A_145, %cond3A_146 : i32
      scf.if %cond3A_147 {
        %dma_wait3A_296 = arith.constant 0 : i32
        %dma_wait3A_297 = arith.constant 0 : i32
        %dma_wait3A_298 = tpu.memref_slice %arg13[%dma_wait3A_296, %dma_wait3A_297] : memref<1x80xi32, #tpu.memory_space<vmem>> -> memref<1x80xi32, #tpu.memory_space<vmem>>
        %dma_wait3A_299 = tpu.memref_squeeze %dma_wait3A_298 : memref<1x80xi32, #tpu.memory_space<vmem>> -> memref<80xi32, #tpu.memory_space<vmem>>
        %dma_wait3A_300 = arith.constant 0 : i32
        %dma_wait3A_301 = arith.constant 0 : i32
        %dma_wait3A_302 = tpu.memref_slice %arg19[%dma_wait3A_300, %dma_wait3A_301] : memref<10240x128xf32, #tpu.memory_space<vmem_shared>> -> memref<10240x128xf32, #tpu.memory_space<vmem_shared>>
        tpu.wait_indirect_dma semaphore(%arg34 : memref<!tpu.dma_semaphore, #tpu.memory_space<semaphore_mem>>) src(%arg17 : memref<80x128xf32, #tpu.memory_space<vmem>>) dst(%dma_wait3A_302 : memref<10240x128xf32, #tpu.memory_space<vmem_shared>>)
        %dma_start3A_303 = arith.constant 0 : i32
        %dma_start3A_304 = arith.constant 0 : i32
        %dma_start3A_305 = tpu.memref_slice %arg4[%add3A, %add3A_142, %dma_start3A_303, %dma_start3A_304] : memref<32x128x1x80xi32, #tpu.memory_space<hbm>> -> memref<1x1x1x80xi32, #tpu.memory_space<hbm>>
        %dma_start3A_306 = tpu.memref_squeeze %dma_start3A_305 : memref<1x1x1x80xi32, #tpu.memory_space<hbm>> -> memref<1x80xi32, #tpu.memory_space<hbm>>
        %dma_start3A_307 = arith.constant 0 : i32
        %dma_start3A_308 = arith.constant 0 : i32
        %dma_start3A_309 = tpu.memref_slice %arg4[%add3A, %add3A_142, %dma_start3A_307, %dma_start3A_308] : memref<32x128x1x80xi32, #tpu.memory_space<hbm>> -> memref<1x1x1x80xi32, #tpu.memory_space<hbm>>
        %dma_start3A_310 = tpu.memref_squeeze %dma_start3A_309 : memref<1x1x1x80xi32, #tpu.memory_space<hbm>> -> memref<1x80xi32, #tpu.memory_space<hbm>>
        tpu.enqueue_dma source(%dma_start3A_310 : memref<1x80xi32, #tpu.memory_space<hbm>>) target(%arg13 : memref<1x80xi32, #tpu.memory_space<vmem>>) target_semaphore(%arg26 : memref<!tpu.dma_semaphore, #tpu.memory_space<semaphore_mem>>)
      } else {
      }
      %dma_wait3A_148 = arith.constant 0 : i32
      %dma_wait3A_149 = arith.constant 0 : i32
      %dma_wait3A_150 = tpu.memref_slice %arg3[%add3A, %dma_wait3A_148, %dma_wait3A_149] : memref<32x128x80xi32, #tpu.memory_space<hbm>> -> memref<1x1x80xi32, #tpu.memory_space<hbm>>
      %dma_wait3A_151 = tpu.memref_squeeze %dma_wait3A_150 : memref<1x1x80xi32, #tpu.memory_space<hbm>> -> memref<80xi32, #tpu.memory_space<hbm>>
      %dma_wait3A_152 = arith.constant 0 : i32
      %dma_wait3A_153 = tpu.memref_slice %arg3[%add3A, %dma_wait3A_148, %dma_wait3A_152] : memref<32x128x80xi32, #tpu.memory_space<hbm>> -> memref<1x1x80xi32, #tpu.memory_space<hbm>>
      %dma_wait3A_154 = tpu.memref_squeeze %dma_wait3A_153 : memref<1x1x80xi32, #tpu.memory_space<hbm>> -> memref<80xi32, #tpu.memory_space<hbm>>
      tpu.wait_dma2 semaphore(%arg22 : memref<!tpu.dma_semaphore, #tpu.memory_space<semaphore_mem>>) src(%dma_wait3A_154 : memref<80xi32, #tpu.memory_space<hbm>>) dst(%arg9 : memref<80xi32, #tpu.memory_space<vmem>>)
      %dma_start3A_155 = arith.constant 0 : i32
      %dma_start3A_156 = arith.constant 0 : i32
      %dma_start3A_157 = tpu.memref_slice %arg2[%dma_start3A_155, %dma_start3A_156] : memref<10000x128xf32, #tpu.memory_space<hbm>> -> memref<10000x128xf32, #tpu.memory_space<hbm>>
      tpu.enqueue_indirect_dma source(%dma_start3A_157 : memref<10000x128xf32, #tpu.memory_space<hbm>>) target(%arg17 : memref<80x128xf32, #tpu.memory_space<vmem>>) offsets(%arg9 : memref<80xi32, #tpu.memory_space<vmem>>) semaphore(%arg30 : memref<!tpu.dma_semaphore, #tpu.memory_space<semaphore_mem>>)
      %mul3A_158 = arith.constant 4 : i32
      %mul3A_159 = arith.muli %scan3A_103, %mul3A_158 : i32
      %add3A_160 = arith.constant 3 : i32
      %add3A_161 = arith.addi %mul3A_159, %add3A_160 : i32
      %gt3A_162 = arith.constant 0 : i32
      %gt3A_163 = arith.cmpi sgt, %scan3A_103, %gt3A_162 : i32
      %convert_element_type3A_164 = arith.extui %gt3A_163 : i1 to i32
      %cond3A_165 = arith.constant 0 : i32
      %cond3A_166 = arith.cmpi ne, %convert_element_type3A_164, %cond3A_165 : i32
      scf.if %cond3A_166 {
        %dma_wait3A_296 = arith.constant 0 : i32
        %dma_wait3A_297 = arith.constant 0 : i32
        %dma_wait3A_298 = tpu.memref_slice %arg14[%dma_wait3A_296, %dma_wait3A_297] : memref<1x80xi32, #tpu.memory_space<vmem>> -> memref<1x80xi32, #tpu.memory_space<vmem>>
        %dma_wait3A_299 = tpu.memref_squeeze %dma_wait3A_298 : memref<1x80xi32, #tpu.memory_space<vmem>> -> memref<80xi32, #tpu.memory_space<vmem>>
        %dma_wait3A_300 = arith.constant 0 : i32
        %dma_wait3A_301 = arith.constant 0 : i32
        %dma_wait3A_302 = tpu.memref_slice %arg19[%dma_wait3A_300, %dma_wait3A_301] : memref<10240x128xf32, #tpu.memory_space<vmem_shared>> -> memref<10240x128xf32, #tpu.memory_space<vmem_shared>>
        tpu.wait_indirect_dma semaphore(%arg35 : memref<!tpu.dma_semaphore, #tpu.memory_space<semaphore_mem>>) src(%arg18 : memref<80x128xf32, #tpu.memory_space<vmem>>) dst(%dma_wait3A_302 : memref<10240x128xf32, #tpu.memory_space<vmem_shared>>)
        %dma_start3A_303 = arith.constant 0 : i32
        %dma_start3A_304 = arith.constant 0 : i32
        %dma_start3A_305 = tpu.memref_slice %arg4[%add3A, %add3A_161, %dma_start3A_303, %dma_start3A_304] : memref<32x128x1x80xi32, #tpu.memory_space<hbm>> -> memref<1x1x1x80xi32, #tpu.memory_space<hbm>>
        %dma_start3A_306 = tpu.memref_squeeze %dma_start3A_305 : memref<1x1x1x80xi32, #tpu.memory_space<hbm>> -> memref<1x80xi32, #tpu.memory_space<hbm>>
        %dma_start3A_307 = arith.constant 0 : i32
        %dma_start3A_308 = arith.constant 0 : i32
        %dma_start3A_309 = tpu.memref_slice %arg4[%add3A, %add3A_161, %dma_start3A_307, %dma_start3A_308] : memref<32x128x1x80xi32, #tpu.memory_space<hbm>> -> memref<1x1x1x80xi32, #tpu.memory_space<hbm>>
        %dma_start3A_310 = tpu.memref_squeeze %dma_start3A_309 : memref<1x1x1x80xi32, #tpu.memory_space<hbm>> -> memref<1x80xi32, #tpu.memory_space<hbm>>
        tpu.enqueue_dma source(%dma_start3A_310 : memref<1x80xi32, #tpu.memory_space<hbm>>) target(%arg14 : memref<1x80xi32, #tpu.memory_space<vmem>>) target_semaphore(%arg27 : memref<!tpu.dma_semaphore, #tpu.memory_space<semaphore_mem>>)
      } else {
      }
      %dma_wait3A_167 = arith.constant 0 : i32
      %dma_wait3A_168 = arith.constant 0 : i32
      %dma_wait3A_169 = tpu.memref_slice %arg3[%add3A, %dma_wait3A_167, %dma_wait3A_168] : memref<32x128x80xi32, #tpu.memory_space<hbm>> -> memref<1x1x80xi32, #tpu.memory_space<hbm>>
      %dma_wait3A_170 = tpu.memref_squeeze %dma_wait3A_169 : memref<1x1x80xi32, #tpu.memory_space<hbm>> -> memref<80xi32, #tpu.memory_space<hbm>>
      %dma_wait3A_171 = arith.constant 0 : i32
      %dma_wait3A_172 = tpu.memref_slice %arg3[%add3A, %dma_wait3A_167, %dma_wait3A_171] : memref<32x128x80xi32, #tpu.memory_space<hbm>> -> memref<1x1x80xi32, #tpu.memory_space<hbm>>
      %dma_wait3A_173 = tpu.memref_squeeze %dma_wait3A_172 : memref<1x1x80xi32, #tpu.memory_space<hbm>> -> memref<80xi32, #tpu.memory_space<hbm>>
      tpu.wait_dma2 semaphore(%arg23 : memref<!tpu.dma_semaphore, #tpu.memory_space<semaphore_mem>>) src(%dma_wait3A_173 : memref<80xi32, #tpu.memory_space<hbm>>) dst(%arg10 : memref<80xi32, #tpu.memory_space<vmem>>)
      %dma_start3A_174 = arith.constant 0 : i32
      %dma_start3A_175 = arith.constant 0 : i32
      %dma_start3A_176 = tpu.memref_slice %arg2[%dma_start3A_174, %dma_start3A_175] : memref<10000x128xf32, #tpu.memory_space<hbm>> -> memref<10000x128xf32, #tpu.memory_space<hbm>>
      tpu.enqueue_indirect_dma source(%dma_start3A_176 : memref<10000x128xf32, #tpu.memory_space<hbm>>) target(%arg18 : memref<80x128xf32, #tpu.memory_space<vmem>>) offsets(%arg10 : memref<80xi32, #tpu.memory_space<vmem>>) semaphore(%arg31 : memref<!tpu.dma_semaphore, #tpu.memory_space<semaphore_mem>>)
      %mul3A_177 = arith.constant 4 : i32
      %mul3A_178 = arith.muli %scan3A_103, %mul3A_177 : i32
      %add3A_179 = arith.constant 0 : i32
      %add3A_180 = arith.addi %mul3A_178, %add3A_179 : i32
      %dma_wait3A_181 = arith.constant 0 : i32
      %dma_wait3A_182 = arith.constant 0 : i32
      %dma_wait3A_183 = tpu.memref_slice %arg2[%dma_wait3A_181, %dma_wait3A_182] : memref<10000x128xf32, #tpu.memory_space<hbm>> -> memref<10000x128xf32, #tpu.memory_space<hbm>>
      tpu.wait_indirect_dma semaphore(%arg28 : memref<!tpu.dma_semaphore, #tpu.memory_space<semaphore_mem>>) src(%dma_wait3A_183 : memref<10000x128xf32, #tpu.memory_space<hbm>>) dst(%arg15 : memref<80x128xf32, #tpu.memory_space<vmem>>)
      %add3A_184 = arith.constant 4 : i32
      %add3A_185 = arith.addi %add3A_180, %add3A_184 : i32
      %lt3A = arith.constant 128 : i32
      %lt3A_186 = arith.cmpi slt, %add3A_185, %lt3A : i32
      %convert_element_type3A_187 = arith.extui %lt3A_186 : i1 to i32
      %cond3A_188 = arith.constant 0 : i32
      %cond3A_189 = arith.cmpi ne, %convert_element_type3A_187, %cond3A_188 : i32
      scf.if %cond3A_189 {
        %add3A_296 = arith.constant 4 : i32
        %add3A_297 = arith.addi %add3A_180, %add3A_296 : i32
        %dma_start3A_298 = arith.constant 0 : i32
        %dma_start3A_299 = tpu.memref_slice %arg3[%add3A, %add3A_297, %dma_start3A_298] : memref<32x128x80xi32, #tpu.memory_space<hbm>> -> memref<1x1x80xi32, #tpu.memory_space<hbm>>
        %dma_start3A_300 = tpu.memref_squeeze %dma_start3A_299 : memref<1x1x80xi32, #tpu.memory_space<hbm>> -> memref<80xi32, #tpu.memory_space<hbm>>
        %dma_start3A_301 = arith.constant 0 : i32
        %dma_start3A_302 = tpu.memref_slice %arg3[%add3A, %add3A_297, %dma_start3A_301] : memref<32x128x80xi32, #tpu.memory_space<hbm>> -> memref<1x1x80xi32, #tpu.memory_space<hbm>>
        %dma_start3A_303 = tpu.memref_squeeze %dma_start3A_302 : memref<1x1x80xi32, #tpu.memory_space<hbm>> -> memref<80xi32, #tpu.memory_space<hbm>>
        tpu.enqueue_dma source(%dma_start3A_303 : memref<80xi32, #tpu.memory_space<hbm>>) target(%arg7 : memref<80xi32, #tpu.memory_space<vmem>>) target_semaphore(%arg20 : memref<!tpu.dma_semaphore, #tpu.memory_space<semaphore_mem>>)
      } else {
      }
      %dma_wait3A_190 = arith.constant 0 : i32
      %dma_wait3A_191 = arith.constant 0 : i32
      %dma_wait3A_192 = arith.constant 0 : i32
      %dma_wait3A_193 = tpu.memref_slice %arg4[%add3A, %dma_wait3A_190, %dma_wait3A_191, %dma_wait3A_192] : memref<32x128x1x80xi32, #tpu.memory_space<hbm>> -> memref<1x1x1x80xi32, #tpu.memory_space<hbm>>
      %dma_wait3A_194 = tpu.memref_squeeze %dma_wait3A_193 : memref<1x1x1x80xi32, #tpu.memory_space<hbm>> -> memref<1x80xi32, #tpu.memory_space<hbm>>
      %dma_wait3A_195 = arith.constant 0 : i32
      %dma_wait3A_196 = arith.constant 0 : i32
      %dma_wait3A_197 = tpu.memref_slice %arg4[%add3A, %dma_wait3A_190, %dma_wait3A_195, %dma_wait3A_196] : memref<32x128x1x80xi32, #tpu.memory_space<hbm>> -> memref<1x1x1x80xi32, #tpu.memory_space<hbm>>
      %dma_wait3A_198 = tpu.memref_squeeze %dma_wait3A_197 : memref<1x1x1x80xi32, #tpu.memory_space<hbm>> -> memref<1x80xi32, #tpu.memory_space<hbm>>
      tpu.wait_dma2 semaphore(%arg24 : memref<!tpu.dma_semaphore, #tpu.memory_space<semaphore_mem>>) src(%dma_wait3A_198 : memref<1x80xi32, #tpu.memory_space<hbm>>) dst(%arg11 : memref<1x80xi32, #tpu.memory_space<vmem>>)
      %dma_start3A_199 = arith.constant 0 : i32
      %dma_start3A_200 = arith.constant 0 : i32
      %dma_start3A_201 = tpu.memref_slice %arg11[%dma_start3A_199, %dma_start3A_200] : memref<1x80xi32, #tpu.memory_space<vmem>> -> memref<1x80xi32, #tpu.memory_space<vmem>>
      %dma_start3A_202 = tpu.memref_squeeze %dma_start3A_201 : memref<1x80xi32, #tpu.memory_space<vmem>> -> memref<80xi32, #tpu.memory_space<vmem>>
      %dma_start3A_203 = arith.constant 0 : i32
      %dma_start3A_204 = arith.constant 0 : i32
      %dma_start3A_205 = tpu.memref_slice %arg19[%dma_start3A_203, %dma_start3A_204] : memref<10240x128xf32, #tpu.memory_space<vmem_shared>> -> memref<10240x128xf32, #tpu.memory_space<vmem_shared>>
      tpu.enqueue_indirect_dma source(%arg15 : memref<80x128xf32, #tpu.memory_space<vmem>>) target(%dma_start3A_205 : memref<10240x128xf32, #tpu.memory_space<vmem_shared>>) offsets(%dma_start3A_202 : memref<80xi32, #tpu.memory_space<vmem>>) semaphore(%arg32 : memref<!tpu.dma_semaphore, #tpu.memory_space<semaphore_mem>>) {add = true}
      %mul3A_206 = arith.constant 4 : i32
      %mul3A_207 = arith.muli %scan3A_103, %mul3A_206 : i32
      %add3A_208 = arith.constant 1 : i32
      %add3A_209 = arith.addi %mul3A_207, %add3A_208 : i32
      %dma_wait3A_210 = arith.constant 0 : i32
      %dma_wait3A_211 = arith.constant 0 : i32
      %dma_wait3A_212 = tpu.memref_slice %arg2[%dma_wait3A_210, %dma_wait3A_211] : memref<10000x128xf32, #tpu.memory_space<hbm>> -> memref<10000x128xf32, #tpu.memory_space<hbm>>
      tpu.wait_indirect_dma semaphore(%arg29 : memref<!tpu.dma_semaphore, #tpu.memory_space<semaphore_mem>>) src(%dma_wait3A_212 : memref<10000x128xf32, #tpu.memory_space<hbm>>) dst(%arg16 : memref<80x128xf32, #tpu.memory_space<vmem>>)
      %add3A_213 = arith.constant 4 : i32
      %add3A_214 = arith.addi %add3A_209, %add3A_213 : i32
      %lt3A_215 = arith.constant 128 : i32
      %lt3A_216 = arith.cmpi slt, %add3A_214, %lt3A_215 : i32
      %convert_element_type3A_217 = arith.extui %lt3A_216 : i1 to i32
      %cond3A_218 = arith.constant 0 : i32
      %cond3A_219 = arith.cmpi ne, %convert_element_type3A_217, %cond3A_218 : i32
      scf.if %cond3A_219 {
        %add3A_296 = arith.constant 4 : i32
        %add3A_297 = arith.addi %add3A_209, %add3A_296 : i32
        %dma_start3A_298 = arith.constant 0 : i32
        %dma_start3A_299 = tpu.memref_slice %arg3[%add3A, %add3A_297, %dma_start3A_298] : memref<32x128x80xi32, #tpu.memory_space<hbm>> -> memref<1x1x80xi32, #tpu.memory_space<hbm>>
        %dma_start3A_300 = tpu.memref_squeeze %dma_start3A_299 : memref<1x1x80xi32, #tpu.memory_space<hbm>> -> memref<80xi32, #tpu.memory_space<hbm>>
        %dma_start3A_301 = arith.constant 0 : i32
        %dma_start3A_302 = tpu.memref_slice %arg3[%add3A, %add3A_297, %dma_start3A_301] : memref<32x128x80xi32, #tpu.memory_space<hbm>> -> memref<1x1x80xi32, #tpu.memory_space<hbm>>
        %dma_start3A_303 = tpu.memref_squeeze %dma_start3A_302 : memref<1x1x80xi32, #tpu.memory_space<hbm>> -> memref<80xi32, #tpu.memory_space<hbm>>
        tpu.enqueue_dma source(%dma_start3A_303 : memref<80xi32, #tpu.memory_space<hbm>>) target(%arg8 : memref<80xi32, #tpu.memory_space<vmem>>) target_semaphore(%arg21 : memref<!tpu.dma_semaphore, #tpu.memory_space<semaphore_mem>>)
      } else {
      }
      %dma_wait3A_220 = arith.constant 0 : i32
      %dma_wait3A_221 = arith.constant 0 : i32
      %dma_wait3A_222 = arith.constant 0 : i32
      %dma_wait3A_223 = tpu.memref_slice %arg4[%add3A, %dma_wait3A_220, %dma_wait3A_221, %dma_wait3A_222] : memref<32x128x1x80xi32, #tpu.memory_space<hbm>> -> memref<1x1x1x80xi32, #tpu.memory_space<hbm>>
      %dma_wait3A_224 = tpu.memref_squeeze %dma_wait3A_223 : memref<1x1x1x80xi32, #tpu.memory_space<hbm>> -> memref<1x80xi32, #tpu.memory_space<hbm>>
      %dma_wait3A_225 = arith.constant 0 : i32
      %dma_wait3A_226 = arith.constant 0 : i32
      %dma_wait3A_227 = tpu.memref_slice %arg4[%add3A, %dma_wait3A_220, %dma_wait3A_225, %dma_wait3A_226] : memref<32x128x1x80xi32, #tpu.memory_space<hbm>> -> memref<1x1x1x80xi32, #tpu.memory_space<hbm>>
      %dma_wait3A_228 = tpu.memref_squeeze %dma_wait3A_227 : memref<1x1x1x80xi32, #tpu.memory_space<hbm>> -> memref<1x80xi32, #tpu.memory_space<hbm>>
      tpu.wait_dma2 semaphore(%arg25 : memref<!tpu.dma_semaphore, #tpu.memory_space<semaphore_mem>>) src(%dma_wait3A_228 : memref<1x80xi32, #tpu.memory_space<hbm>>) dst(%arg12 : memref<1x80xi32, #tpu.memory_space<vmem>>)
      %dma_start3A_229 = arith.constant 0 : i32
      %dma_start3A_230 = arith.constant 0 : i32
      %dma_start3A_231 = tpu.memref_slice %arg12[%dma_start3A_229, %dma_start3A_230] : memref<1x80xi32, #tpu.memory_space<vmem>> -> memref<1x80xi32, #tpu.memory_space<vmem>>
      %dma_start3A_232 = tpu.memref_squeeze %dma_start3A_231 : memref<1x80xi32, #tpu.memory_space<vmem>> -> memref<80xi32, #tpu.memory_space<vmem>>
      %dma_start3A_233 = arith.constant 0 : i32
      %dma_start3A_234 = arith.constant 0 : i32
      %dma_start3A_235 = tpu.memref_slice %arg19[%dma_start3A_233, %dma_start3A_234] : memref<10240x128xf32, #tpu.memory_space<vmem_shared>> -> memref<10240x128xf32, #tpu.memory_space<vmem_shared>>
      tpu.enqueue_indirect_dma source(%arg16 : memref<80x128xf32, #tpu.memory_space<vmem>>) target(%dma_start3A_235 : memref<10240x128xf32, #tpu.memory_space<vmem_shared>>) offsets(%dma_start3A_232 : memref<80xi32, #tpu.memory_space<vmem>>) semaphore(%arg33 : memref<!tpu.dma_semaphore, #tpu.memory_space<semaphore_mem>>) {add = true}
      %mul3A_236 = arith.constant 4 : i32
      %mul3A_237 = arith.muli %scan3A_103, %mul3A_236 : i32
      %add3A_238 = arith.constant 2 : i32
      %add3A_239 = arith.addi %mul3A_237, %add3A_238 : i32
      %dma_wait3A_240 = arith.constant 0 : i32
      %dma_wait3A_241 = arith.constant 0 : i32
      %dma_wait3A_242 = tpu.memref_slice %arg2[%dma_wait3A_240, %dma_wait3A_241] : memref<10000x128xf32, #tpu.memory_space<hbm>> -> memref<10000x128xf32, #tpu.memory_space<hbm>>
      tpu.wait_indirect_dma semaphore(%arg30 : memref<!tpu.dma_semaphore, #tpu.memory_space<semaphore_mem>>) src(%dma_wait3A_242 : memref<10000x128xf32, #tpu.memory_space<hbm>>) dst(%arg17 : memref<80x128xf32, #tpu.memory_space<vmem>>)
      %add3A_243 = arith.constant 4 : i32
      %add3A_244 = arith.addi %add3A_239, %add3A_243 : i32
      %lt3A_245 = arith.constant 128 : i32
      %lt3A_246 = arith.cmpi slt, %add3A_244, %lt3A_245 : i32
      %convert_element_type3A_247 = arith.extui %lt3A_246 : i1 to i32
      %cond3A_248 = arith.constant 0 : i32
      %cond3A_249 = arith.cmpi ne, %convert_element_type3A_247, %cond3A_248 : i32
      scf.if %cond3A_249 {
        %add3A_296 = arith.constant 4 : i32
        %add3A_297 = arith.addi %add3A_239, %add3A_296 : i32
        %dma_start3A_298 = arith.constant 0 : i32
        %dma_start3A_299 = tpu.memref_slice %arg3[%add3A, %add3A_297, %dma_start3A_298] : memref<32x128x80xi32, #tpu.memory_space<hbm>> -> memref<1x1x80xi32, #tpu.memory_space<hbm>>
        %dma_start3A_300 = tpu.memref_squeeze %dma_start3A_299 : memref<1x1x80xi32, #tpu.memory_space<hbm>> -> memref<80xi32, #tpu.memory_space<hbm>>
        %dma_start3A_301 = arith.constant 0 : i32
        %dma_start3A_302 = tpu.memref_slice %arg3[%add3A, %add3A_297, %dma_start3A_301] : memref<32x128x80xi32, #tpu.memory_space<hbm>> -> memref<1x1x80xi32, #tpu.memory_space<hbm>>
        %dma_start3A_303 = tpu.memref_squeeze %dma_start3A_302 : memref<1x1x80xi32, #tpu.memory_space<hbm>> -> memref<80xi32, #tpu.memory_space<hbm>>
        tpu.enqueue_dma source(%dma_start3A_303 : memref<80xi32, #tpu.memory_space<hbm>>) target(%arg9 : memref<80xi32, #tpu.memory_space<vmem>>) target_semaphore(%arg22 : memref<!tpu.dma_semaphore, #tpu.memory_space<semaphore_mem>>)
      } else {
      }
      %dma_wait3A_250 = arith.constant 0 : i32
      %dma_wait3A_251 = arith.constant 0 : i32
      %dma_wait3A_252 = arith.constant 0 : i32
      %dma_wait3A_253 = tpu.memref_slice %arg4[%add3A, %dma_wait3A_250, %dma_wait3A_251, %dma_wait3A_252] : memref<32x128x1x80xi32, #tpu.memory_space<hbm>> -> memref<1x1x1x80xi32, #tpu.memory_space<hbm>>
      %dma_wait3A_254 = tpu.memref_squeeze %dma_wait3A_253 : memref<1x1x1x80xi32, #tpu.memory_space<hbm>> -> memref<1x80xi32, #tpu.memory_space<hbm>>
      %dma_wait3A_255 = arith.constant 0 : i32
      %dma_wait3A_256 = arith.constant 0 : i32
      %dma_wait3A_257 = tpu.memref_slice %arg4[%add3A, %dma_wait3A_250, %dma_wait3A_255, %dma_wait3A_256] : memref<32x128x1x80xi32, #tpu.memory_space<hbm>> -> memref<1x1x1x80xi32, #tpu.memory_space<hbm>>
      %dma_wait3A_258 = tpu.memref_squeeze %dma_wait3A_257 : memref<1x1x1x80xi32, #tpu.memory_space<hbm>> -> memref<1x80xi32, #tpu.memory_space<hbm>>
      tpu.wait_dma2 semaphore(%arg26 : memref<!tpu.dma_semaphore, #tpu.memory_space<semaphore_mem>>) src(%dma_wait3A_258 : memref<1x80xi32, #tpu.memory_space<hbm>>) dst(%arg13 : memref<1x80xi32, #tpu.memory_space<vmem>>)
      %dma_start3A_259 = arith.constant 0 : i32
      %dma_start3A_260 = arith.constant 0 : i32
      %dma_start3A_261 = tpu.memref_slice %arg13[%dma_start3A_259, %dma_start3A_260] : memref<1x80xi32, #tpu.memory_space<vmem>> -> memref<1x80xi32, #tpu.memory_space<vmem>>
      %dma_start3A_262 = tpu.memref_squeeze %dma_start3A_261 : memref<1x80xi32, #tpu.memory_space<vmem>> -> memref<80xi32, #tpu.memory_space<vmem>>
      %dma_start3A_263 = arith.constant 0 : i32
      %dma_start3A_264 = arith.constant 0 : i32
      %dma_start3A_265 = tpu.memref_slice %arg19[%dma_start3A_263, %dma_start3A_264] : memref<10240x128xf32, #tpu.memory_space<vmem_shared>> -> memref<10240x128xf32, #tpu.memory_space<vmem_shared>>
      tpu.enqueue_indirect_dma source(%arg17 : memref<80x128xf32, #tpu.memory_space<vmem>>) target(%dma_start3A_265 : memref<10240x128xf32, #tpu.memory_space<vmem_shared>>) offsets(%dma_start3A_262 : memref<80xi32, #tpu.memory_space<vmem>>) semaphore(%arg34 : memref<!tpu.dma_semaphore, #tpu.memory_space<semaphore_mem>>) {add = true}
      %mul3A_266 = arith.constant 4 : i32
      %mul3A_267 = arith.muli %scan3A_103, %mul3A_266 : i32
      %add3A_268 = arith.constant 3 : i32
      %add3A_269 = arith.addi %mul3A_267, %add3A_268 : i32
      %dma_wait3A_270 = arith.constant 0 : i32
      %dma_wait3A_271 = arith.constant 0 : i32
      %dma_wait3A_272 = tpu.memref_slice %arg2[%dma_wait3A_270, %dma_wait3A_271] : memref<10000x128xf32, #tpu.memory_space<hbm>> -> memref<10000x128xf32, #tpu.memory_space<hbm>>
      tpu.wait_indirect_dma semaphore(%arg31 : memref<!tpu.dma_semaphore, #tpu.memory_space<semaphore_mem>>) src(%dma_wait3A_272 : memref<10000x128xf32, #tpu.memory_space<hbm>>) dst(%arg18 : memref<80x128xf32, #tpu.memory_space<vmem>>)
      %add3A_273 = arith.constant 4 : i32
      %add3A_274 = arith.addi %add3A_269, %add3A_273 : i32
      %lt3A_275 = arith.constant 128 : i32
      %lt3A_276 = arith.cmpi slt, %add3A_274, %lt3A_275 : i32
      %convert_element_type3A_277 = arith.extui %lt3A_276 : i1 to i32
      %cond3A_278 = arith.constant 0 : i32
      %cond3A_279 = arith.cmpi ne, %convert_element_type3A_277, %cond3A_278 : i32
      scf.if %cond3A_279 {
        %add3A_296 = arith.constant 4 : i32
        %add3A_297 = arith.addi %add3A_269, %add3A_296 : i32
        %dma_start3A_298 = arith.constant 0 : i32
        %dma_start3A_299 = tpu.memref_slice %arg3[%add3A, %add3A_297, %dma_start3A_298] : memref<32x128x80xi32, #tpu.memory_space<hbm>> -> memref<1x1x80xi32, #tpu.memory_space<hbm>>
        %dma_start3A_300 = tpu.memref_squeeze %dma_start3A_299 : memref<1x1x80xi32, #tpu.memory_space<hbm>> -> memref<80xi32, #tpu.memory_space<hbm>>
        %dma_start3A_301 = arith.constant 0 : i32
        %dma_start3A_302 = tpu.memref_slice %arg3[%add3A, %add3A_297, %dma_start3A_301] : memref<32x128x80xi32, #tpu.memory_space<hbm>> -> memref<1x1x80xi32, #tpu.memory_space<hbm>>
        %dma_start3A_303 = tpu.memref_squeeze %dma_start3A_302 : memref<1x1x80xi32, #tpu.memory_space<hbm>> -> memref<80xi32, #tpu.memory_space<hbm>>
        tpu.enqueue_dma source(%dma_start3A_303 : memref<80xi32, #tpu.memory_space<hbm>>) target(%arg10 : memref<80xi32, #tpu.memory_space<vmem>>) target_semaphore(%arg23 : memref<!tpu.dma_semaphore, #tpu.memory_space<semaphore_mem>>)
      } else {
      }
      %dma_wait3A_280 = arith.constant 0 : i32
      %dma_wait3A_281 = arith.constant 0 : i32
      %dma_wait3A_282 = arith.constant 0 : i32
      %dma_wait3A_283 = tpu.memref_slice %arg4[%add3A, %dma_wait3A_280, %dma_wait3A_281, %dma_wait3A_282] : memref<32x128x1x80xi32, #tpu.memory_space<hbm>> -> memref<1x1x1x80xi32, #tpu.memory_space<hbm>>
      %dma_wait3A_284 = tpu.memref_squeeze %dma_wait3A_283 : memref<1x1x1x80xi32, #tpu.memory_space<hbm>> -> memref<1x80xi32, #tpu.memory_space<hbm>>
      %dma_wait3A_285 = arith.constant 0 : i32
      %dma_wait3A_286 = arith.constant 0 : i32
      %dma_wait3A_287 = tpu.memref_slice %arg4[%add3A, %dma_wait3A_280, %dma_wait3A_285, %dma_wait3A_286] : memref<32x128x1x80xi32, #tpu.memory_space<hbm>> -> memref<1x1x1x80xi32, #tpu.memory_space<hbm>>
      %dma_wait3A_288 = tpu.memref_squeeze %dma_wait3A_287 : memref<1x1x1x80xi32, #tpu.memory_space<hbm>> -> memref<1x80xi32, #tpu.memory_space<hbm>>
      tpu.wait_dma2 semaphore(%arg27 : memref<!tpu.dma_semaphore, #tpu.memory_space<semaphore_mem>>) src(%dma_wait3A_288 : memref<1x80xi32, #tpu.memory_space<hbm>>) dst(%arg14 : memref<1x80xi32, #tpu.memory_space<vmem>>)
      %dma_start3A_289 = arith.constant 0 : i32
      %dma_start3A_290 = arith.constant 0 : i32
      %dma_start3A_291 = tpu.memref_slice %arg14[%dma_start3A_289, %dma_start3A_290] : memref<1x80xi32, #tpu.memory_space<vmem>> -> memref<1x80xi32, #tpu.memory_space<vmem>>
      %dma_start3A_292 = tpu.memref_squeeze %dma_start3A_291 : memref<1x80xi32, #tpu.memory_space<vmem>> -> memref<80xi32, #tpu.memory_space<vmem>>
      %dma_start3A_293 = arith.constant 0 : i32
      %dma_start3A_294 = arith.constant 0 : i32
      %dma_start3A_295 = tpu.memref_slice %arg19[%dma_start3A_293, %dma_start3A_294] : memref<10240x128xf32, #tpu.memory_space<vmem_shared>> -> memref<10240x128xf32, #tpu.memory_space<vmem_shared>>
      tpu.enqueue_indirect_dma source(%arg18 : memref<80x128xf32, #tpu.memory_space<vmem>>) target(%dma_start3A_295 : memref<10240x128xf32, #tpu.memory_space<vmem_shared>>) offsets(%dma_start3A_292 : memref<80xi32, #tpu.memory_space<vmem>>) semaphore(%arg35 : memref<!tpu.dma_semaphore, #tpu.memory_space<semaphore_mem>>) {add = true}
    }
    %scan3A_70 = arith.constant 32 : i32
    %dma_wait3A = arith.constant 0 : i32
    %dma_wait3A_71 = arith.constant 0 : i32
    %dma_wait3A_72 = tpu.memref_slice %arg11[%dma_wait3A, %dma_wait3A_71] : memref<1x80xi32, #tpu.memory_space<vmem>> -> memref<1x80xi32, #tpu.memory_space<vmem>>
    %dma_wait3A_73 = tpu.memref_squeeze %dma_wait3A_72 : memref<1x80xi32, #tpu.memory_space<vmem>> -> memref<80xi32, #tpu.memory_space<vmem>>
    %dma_wait3A_74 = arith.constant 0 : i32
    %dma_wait3A_75 = arith.constant 0 : i32
    %dma_wait3A_76 = tpu.memref_slice %arg19[%dma_wait3A_74, %dma_wait3A_75] : memref<10240x128xf32, #tpu.memory_space<vmem_shared>> -> memref<10240x128xf32, #tpu.memory_space<vmem_shared>>
    tpu.wait_indirect_dma semaphore(%arg32 : memref<!tpu.dma_semaphore, #tpu.memory_space<semaphore_mem>>) src(%arg15 : memref<80x128xf32, #tpu.memory_space<vmem>>) dst(%dma_wait3A_76 : memref<10240x128xf32, #tpu.memory_space<vmem_shared>>)
    %dma_wait3A_77 = arith.constant 0 : i32
    %dma_wait3A_78 = arith.constant 0 : i32
    %dma_wait3A_79 = tpu.memref_slice %arg12[%dma_wait3A_77, %dma_wait3A_78] : memref<1x80xi32, #tpu.memory_space<vmem>> -> memref<1x80xi32, #tpu.memory_space<vmem>>
    %dma_wait3A_80 = tpu.memref_squeeze %dma_wait3A_79 : memref<1x80xi32, #tpu.memory_space<vmem>> -> memref<80xi32, #tpu.memory_space<vmem>>
    %dma_wait3A_81 = arith.constant 0 : i32
    %dma_wait3A_82 = arith.constant 0 : i32
    %dma_wait3A_83 = tpu.memref_slice %arg19[%dma_wait3A_81, %dma_wait3A_82] : memref<10240x128xf32, #tpu.memory_space<vmem_shared>> -> memref<10240x128xf32, #tpu.memory_space<vmem_shared>>
    tpu.wait_indirect_dma semaphore(%arg33 : memref<!tpu.dma_semaphore, #tpu.memory_space<semaphore_mem>>) src(%arg16 : memref<80x128xf32, #tpu.memory_space<vmem>>) dst(%dma_wait3A_83 : memref<10240x128xf32, #tpu.memory_space<vmem_shared>>)
    %dma_wait3A_84 = arith.constant 0 : i32
    %dma_wait3A_85 = arith.constant 0 : i32
    %dma_wait3A_86 = tpu.memref_slice %arg13[%dma_wait3A_84, %dma_wait3A_85] : memref<1x80xi32, #tpu.memory_space<vmem>> -> memref<1x80xi32, #tpu.memory_space<vmem>>
    %dma_wait3A_87 = tpu.memref_squeeze %dma_wait3A_86 : memref<1x80xi32, #tpu.memory_space<vmem>> -> memref<80xi32, #tpu.memory_space<vmem>>
    %dma_wait3A_88 = arith.constant 0 : i32
    %dma_wait3A_89 = arith.constant 0 : i32
    %dma_wait3A_90 = tpu.memref_slice %arg19[%dma_wait3A_88, %dma_wait3A_89] : memref<10240x128xf32, #tpu.memory_space<vmem_shared>> -> memref<10240x128xf32, #tpu.memory_space<vmem_shared>>
    tpu.wait_indirect_dma semaphore(%arg34 : memref<!tpu.dma_semaphore, #tpu.memory_space<semaphore_mem>>) src(%arg17 : memref<80x128xf32, #tpu.memory_space<vmem>>) dst(%dma_wait3A_90 : memref<10240x128xf32, #tpu.memory_space<vmem_shared>>)
    %dma_wait3A_91 = arith.constant 0 : i32
    %dma_wait3A_92 = arith.constant 0 : i32
    %dma_wait3A_93 = tpu.memref_slice %arg14[%dma_wait3A_91, %dma_wait3A_92] : memref<1x80xi32, #tpu.memory_space<vmem>> -> memref<1x80xi32, #tpu.memory_space<vmem>>
    %dma_wait3A_94 = tpu.memref_squeeze %dma_wait3A_93 : memref<1x80xi32, #tpu.memory_space<vmem>> -> memref<80xi32, #tpu.memory_space<vmem>>
    %dma_wait3A_95 = arith.constant 0 : i32
    %dma_wait3A_96 = arith.constant 0 : i32
    %dma_wait3A_97 = tpu.memref_slice %arg19[%dma_wait3A_95, %dma_wait3A_96] : memref<10240x128xf32, #tpu.memory_space<vmem_shared>> -> memref<10240x128xf32, #tpu.memory_space<vmem_shared>>
    tpu.wait_indirect_dma semaphore(%arg35 : memref<!tpu.dma_semaphore, #tpu.memory_space<semaphore_mem>>) src(%arg18 : memref<80x128xf32, #tpu.memory_space<vmem>>) dst(%dma_wait3A_97 : memref<10240x128xf32, #tpu.memory_space<vmem_shared>>)
    %barrier3A_98 = arith.constant 0 : index
    tpu.barrier barrier_id(%barrier3A_98)
    %mul3A_99 = arith.constant 640 : i32
    %mul3A_100 = arith.muli %arg1, %mul3A_99 : i32
    %mul3A_101 = arith.constant 640 : i32
    %mul3A_102 = arith.muli %arg1, %mul3A_101 : i32
    "tpu.region"() ({
      %run_scoped3A = tpu.sem_alloc : memref<!tpu.dma_semaphore, #tpu.memory_space<semaphore_mem>>
      %dma_start3A_103 = arith.constant 0 : i32
      %dma_start3A_104 = tpu.memref_slice %arg6[%arg0, %mul3A_102, %dma_start3A_103] : memref<2x10240x128xf32, #tpu.memory_space<hbm>> -> memref<1x640x128xf32, #tpu.memory_space<hbm>>
      %dma_start3A_105 = tpu.memref_squeeze %dma_start3A_104 : memref<1x640x128xf32, #tpu.memory_space<hbm>> -> memref<640x128xf32, #tpu.memory_space<hbm>>
      %dma_start3A_106 = arith.constant 0 : i32
      %dma_start3A_107 = tpu.memref_slice %arg19[%mul3A_100, %dma_start3A_106] : memref<10240x128xf32, #tpu.memory_space<vmem_shared>> -> memref<640x128xf32, #tpu.memory_space<vmem_shared>>
      tpu.enqueue_dma source(%dma_start3A_107 : memref<640x128xf32, #tpu.memory_space<vmem_shared>>) target(%dma_start3A_105 : memref<640x128xf32, #tpu.memory_space<hbm>>) target_semaphore(%run_scoped3A : memref<!tpu.dma_semaphore, #tpu.memory_space<semaphore_mem>>)
      %dma_wait3A_108 = arith.constant 0 : i32
      %dma_wait3A_109 = tpu.memref_slice %arg6[%arg0, %mul3A_102, %dma_wait3A_108] : memref<2x10240x128xf32, #tpu.memory_space<hbm>> -> memref<1x640x128xf32, #tpu.memory_space<hbm>>
      %dma_wait3A_110 = tpu.memref_squeeze %dma_wait3A_109 : memref<1x640x128xf32, #tpu.memory_space<hbm>> -> memref<640x128xf32, #tpu.memory_space<hbm>>
      %dma_wait3A_111 = arith.constant 0 : i32
      %dma_wait3A_112 = tpu.memref_slice %arg19[%mul3A_100, %dma_wait3A_111] : memref<10240x128xf32, #tpu.memory_space<vmem_shared>> -> memref<640x128xf32, #tpu.memory_space<vmem_shared>>
      tpu.wait_dma2 semaphore(%run_scoped3A : memref<!tpu.dma_semaphore, #tpu.memory_space<semaphore_mem>>) src(%dma_wait3A_112 : memref<640x128xf32, #tpu.memory_space<vmem_shared>>) dst(%dma_wait3A_110 : memref<640x128xf32, #tpu.memory_space<hbm>>)
      tpu.yield
    }) : () -> ()
    return
  }
}

module attributes {stable_mosaic.version = 14 : i64} {
  func.func @_mm_body(%arg0: i32, %arg1: memref<2000x128xf32, #tpu.memory_space<vmem>>, %arg2: memref<128x128xf32, #tpu.memory_space<vmem>>, %arg3: memref<2000x128xf32, #tpu.memory_space<vmem>>, %arg4: memref<2000x128xf32, #tpu.memory_space<vmem>>, %arg5: memref<2000x128xf32, #tpu.memory_space<vmem>>) attributes {dimension_semantics = [#tpu.dimension_semantics<arbitrary>], iteration_bounds = array<i64: 5>, scalar_prefetch = 0 : i64, scratch_operands = 0 : i64, tpu.core_type = #tpu.core_type<tc>, window_params = [{transform_indices = @transform_0, window_bounds = array<i64: 2000, 128>}, {pipeline_mode = #tpu.pipeline_mode<synchronous>, transform_indices = @transform_1, window_bounds = array<i64: 128, 128>}, {transform_indices = @transform_2, window_bounds = array<i64: 2000, 128>}, {transform_indices = @transform_3, window_bounds = array<i64: 2000, 128>}, {transform_indices = @transform_4, window_bounds = array<i64: 2000, 128>}]} {
    %get3A = arith.constant 0 : index
    %get3A_0 = arith.constant 0 : index
    %get3A_1 = vector.load %arg3[%get3A, %get3A_0] : memref<2000x128xf32, #tpu.memory_space<vmem>>, vector<2000x128xf32>
    %get3A_2 = arith.constant 0 : index
    %get3A_3 = arith.constant 0 : index
    %get3A_4 = vector.load %arg4[%get3A_2, %get3A_3] : memref<2000x128xf32, #tpu.memory_space<vmem>>, vector<2000x128xf32>
    %slice3A = vector.extract_strided_slice %get3A_1 {offsets = [0, 0], sizes = [2000, 1], strides = [1, 1]} : vector<2000x128xf32> to vector<2000x1xf32>
    %slice3A_5 = vector.extract_strided_slice %get3A_4 {offsets = [0, 0], sizes = [2000, 1], strides = [1, 1]} : vector<2000x128xf32> to vector<2000x1xf32>
    %add3A = arith.addf %slice3A, %slice3A_5 : vector<2000x1xf32>
    %add3A_6 = arith.constant 1.000000e+00 : f32
    %add3A_7 = vector.broadcast %add3A_6 : f32 to vector<2000x1xf32>
    %add3A_8 = arith.addf %add3A, %add3A_7 : vector<2000x1xf32>
    %rsqrt3A = math.rsqrt %add3A_8 : vector<2000x1xf32>
    %get3A_9 = arith.constant 0 : index
    %get3A_10 = arith.constant 0 : index
    %get3A_11 = vector.load %arg1[%get3A_9, %get3A_10] : memref<2000x128xf32, #tpu.memory_space<vmem>>, vector<2000x128xf32>
    %get3A_12 = arith.constant 0 : index
    %get3A_13 = arith.constant 0 : index
    %get3A_14 = vector.load %arg2[%get3A_12, %get3A_13] : memref<128x128xf32, #tpu.memory_space<vmem>>, vector<128x128xf32>
    %dot_general3A = arith.constant dense<0.000000e+00> : vector<2000x128xf32>
    %dot_general3A_15 = tpu.matmul %get3A_11, %get3A_14, %dot_general3A {dimension_numbers = #tpu.dot_dimension_numbers<[1], [0], [0], [1], [0, 0, 1, 1], [], []>, transpose_lhs_hint = false} : vector<2000x128xf32>, vector<128x128xf32>, vector<2000x128xf32> -> vector<2000x128xf32>
    %mul3A = vector.broadcast %rsqrt3A : vector<2000x1xf32> to vector<2000x128xf32>
    %mul3A_16 = arith.mulf %mul3A, %dot_general3A_15 : vector<2000x128xf32>
    %swap3A = arith.constant 0 : index
    %swap3A_17 = arith.constant 0 : index
    %swap3A_18 = vector.load %arg5[%swap3A, %swap3A_17] : memref<2000x128xf32, #tpu.memory_space<vmem>>, vector<2000x128xf32>
    tpu.vector_store %arg5[%swap3A, %swap3A_17], %mul3A_16 {strides = array<i32>} : memref<2000x128xf32, #tpu.memory_space<vmem>>, vector<2000x128xf32>,
    return
  }
  func.func @transform_0(%arg0: i32) -> (i32, i32) {
    %c0_i32 = arith.constant 0 : i32
    %c0_i32_0 = arith.constant 0 : i32
    return %arg0, %c0_i32 : i32, i32
  }
  func.func @transform_1(%arg0: i32) -> (i32, i32) {
    %c0_i32 = arith.constant 0 : i32
    %c0_i32_0 = arith.constant 0 : i32
    %c0_i32_1 = arith.constant 0 : i32
    return %c0_i32, %c0_i32_0 : i32, i32
  }
  func.func @transform_2(%arg0: i32) -> (i32, i32) {
    %c0_i32 = arith.constant 0 : i32
    %c0_i32_0 = arith.constant 0 : i32
    return %arg0, %c0_i32 : i32, i32
  }
  func.func @transform_3(%arg0: i32) -> (i32, i32) {
    %c0_i32 = arith.constant 0 : i32
    %c0_i32_0 = arith.constant 0 : i32
    return %arg0, %c0_i32 : i32, i32
  }
  func.func @transform_4(%arg0: i32) -> (i32, i32) {
    %c0_i32 = arith.constant 0 : i32
    %c0_i32_0 = arith.constant 0 : i32
    return %arg0, %c0_i32 : i32, i32
  }
}

module attributes {stable_mosaic.version = 14 : i64} {
  func.func @_comb_body(%arg0: i32, %arg1: memref<2000x128xf32, #tpu.memory_space<vmem>>, %arg2: memref<2000x128xf32, #tpu.memory_space<vmem>>, %arg3: memref<2000x128xf32, #tpu.memory_space<vmem>>, %arg4: memref<2000x128xf32, #tpu.memory_space<vmem>>, %arg5: memref<2000x128xf32, #tpu.memory_space<vmem>>, %arg6: memref<2000x128xf32, #tpu.memory_space<vmem>>) attributes {dimension_semantics = [#tpu.dimension_semantics<arbitrary>], iteration_bounds = array<i64: 5>, scalar_prefetch = 0 : i64, scratch_operands = 0 : i64, tpu.core_type = #tpu.core_type<tc>, window_params = [{transform_indices = @transform_0, window_bounds = array<i64: 2000, 128>}, {transform_indices = @transform_1, window_bounds = array<i64: 2000, 128>}, {transform_indices = @transform_2, window_bounds = array<i64: 2000, 128>}, {transform_indices = @transform_3, window_bounds = array<i64: 2000, 128>}, {transform_indices = @transform_4, window_bounds = array<i64: 2000, 128>}, {transform_indices = @transform_5, window_bounds = array<i64: 2000, 128>}]} {
    %get3A = arith.constant 0 : index
    %get3A_0 = arith.constant 0 : index
    %get3A_1 = vector.load %arg4[%get3A, %get3A_0] : memref<2000x128xf32, #tpu.memory_space<vmem>>, vector<2000x128xf32>
    %get3A_2 = arith.constant 0 : index
    %get3A_3 = arith.constant 0 : index
    %get3A_4 = vector.load %arg5[%get3A_2, %get3A_3] : memref<2000x128xf32, #tpu.memory_space<vmem>>, vector<2000x128xf32>
    %slice3A = vector.extract_strided_slice %get3A_1 {offsets = [0, 0], sizes = [2000, 1], strides = [1, 1]} : vector<2000x128xf32> to vector<2000x1xf32>
    %slice3A_5 = vector.extract_strided_slice %get3A_4 {offsets = [0, 0], sizes = [2000, 1], strides = [1, 1]} : vector<2000x128xf32> to vector<2000x1xf32>
    %add3A = arith.addf %slice3A, %slice3A_5 : vector<2000x1xf32>
    %add3A_6 = arith.constant 1.000000e+00 : f32
    %add3A_7 = vector.broadcast %add3A_6 : f32 to vector<2000x1xf32>
    %add3A_8 = arith.addf %add3A, %add3A_7 : vector<2000x1xf32>
    %get3A_9 = arith.constant 0 : index
    %get3A_10 = arith.constant 0 : index
    %get3A_11 = vector.load %arg1[%get3A_9, %get3A_10] : memref<2000x128xf32, #tpu.memory_space<vmem>>, vector<2000x128xf32>
    %get3A_12 = arith.constant 0 : index
    %get3A_13 = arith.constant 0 : index
    %get3A_14 = vector.load %arg2[%get3A_12, %get3A_13] : memref<2000x128xf32, #tpu.memory_space<vmem>>, vector<2000x128xf32>
    %add3A_15 = arith.addf %get3A_11, %get3A_14 : vector<2000x128xf32>
    %get3A_16 = arith.constant 0 : index
    %get3A_17 = arith.constant 0 : index
    %get3A_18 = vector.load %arg3[%get3A_16, %get3A_17] : memref<2000x128xf32, #tpu.memory_space<vmem>>, vector<2000x128xf32>
    %add3A_19 = arith.addf %add3A_15, %get3A_18 : vector<2000x128xf32>
    %div3A = vector.broadcast %add3A_8 : vector<2000x1xf32> to vector<2000x128xf32>
    %div3A_20 = arith.divf %add3A_19, %div3A : vector<2000x128xf32>
    %swap3A = arith.constant 0 : index
    %swap3A_21 = arith.constant 0 : index
    %swap3A_22 = vector.load %arg6[%swap3A, %swap3A_21] : memref<2000x128xf32, #tpu.memory_space<vmem>>, vector<2000x128xf32>
    tpu.vector_store %arg6[%swap3A, %swap3A_21], %div3A_20 {strides = array<i32>} : memref<2000x128xf32, #tpu.memory_space<vmem>>, vector<2000x128xf32>,
    return
  }
  func.func @transform_0(%arg0: i32) -> (i32, i32) {
    %c0_i32 = arith.constant 0 : i32
    %c0_i32_0 = arith.constant 0 : i32
    return %arg0, %c0_i32 : i32, i32
  }
  func.func @transform_1(%arg0: i32) -> (i32, i32) {
    %c0_i32 = arith.constant 0 : i32
    %c0_i32_0 = arith.constant 0 : i32
    return %arg0, %c0_i32 : i32, i32
  }
  func.func @transform_2(%arg0: i32) -> (i32, i32) {
    %c0_i32 = arith.constant 0 : i32
    %c0_i32_0 = arith.constant 0 : i32
    return %arg0, %c0_i32 : i32, i32
  }
  func.func @transform_3(%arg0: i32) -> (i32, i32) {
    %c0_i32 = arith.constant 0 : i32
    %c0_i32_0 = arith.constant 0 : i32
    return %arg0, %c0_i32 : i32, i32
  }
  func.func @transform_4(%arg0: i32) -> (i32, i32) {
    %c0_i32 = arith.constant 0 : i32
    %c0_i32_0 = arith.constant 0 : i32
    return %arg0, %c0_i32 : i32, i32
  }
  func.func @transform_5(%arg0: i32) -> (i32, i32) {
    %c0_i32 = arith.constant 0 : i32
    %c0_i32_0 = arith.constant 0 : i32
    return %arg0, %c0_i32 : i32, i32
  }
}

module attributes {stable_mosaic.version = 14 : i64} {
  func.func @_final_body(%arg0: i32, %arg1: memref<2000x128xf32, #tpu.memory_space<vmem>>, %arg2: memref<2000x128xf32, #tpu.memory_space<vmem>>, %arg3: memref<2000x128xf32, #tpu.memory_space<vmem>>, %arg4: memref<2000x128xf32, #tpu.memory_space<vmem>>, %arg5: memref<2000x128xf32, #tpu.memory_space<vmem>>, %arg6: memref<1x128xf32, #tpu.memory_space<vmem>>, %arg7: memref<2000x128xf32, #tpu.memory_space<vmem>>) attributes {dimension_semantics = [#tpu.dimension_semantics<arbitrary>], iteration_bounds = array<i64: 5>, scalar_prefetch = 0 : i64, scratch_operands = 0 : i64, tpu.core_type = #tpu.core_type<tc>, window_params = [{transform_indices = @transform_0, window_bounds = array<i64: 2000, 128>}, {transform_indices = @transform_1, window_bounds = array<i64: 2000, 128>}, {transform_indices = @transform_2, window_bounds = array<i64: 2000, 128>}, {transform_indices = @transform_3, window_bounds = array<i64: 2000, 128>}, {transform_indices = @transform_4, window_bounds = array<i64: 2000, 128>}, {pipeline_mode = #tpu.pipeline_mode<synchronous>, transform_indices = @transform_5, window_bounds = array<i64: 1, 128>}, {transform_indices = @transform_6, window_bounds = array<i64: 2000, 128>}]} {
    %get3A = arith.constant 0 : index
    %get3A_0 = arith.constant 0 : index
    %get3A_1 = vector.load %arg4[%get3A, %get3A_0] : memref<2000x128xf32, #tpu.memory_space<vmem>>, vector<2000x128xf32>
    %get3A_2 = arith.constant 0 : index
    %get3A_3 = arith.constant 0 : index
    %get3A_4 = vector.load %arg5[%get3A_2, %get3A_3] : memref<2000x128xf32, #tpu.memory_space<vmem>>, vector<2000x128xf32>
    %slice3A = vector.extract_strided_slice %get3A_1 {offsets = [0, 0], sizes = [2000, 1], strides = [1, 1]} : vector<2000x128xf32> to vector<2000x1xf32>
    %slice3A_5 = vector.extract_strided_slice %get3A_4 {offsets = [0, 0], sizes = [2000, 1], strides = [1, 1]} : vector<2000x128xf32> to vector<2000x1xf32>
    %add3A = arith.addf %slice3A, %slice3A_5 : vector<2000x1xf32>
    %add3A_6 = arith.constant 1.000000e+00 : f32
    %add3A_7 = vector.broadcast %add3A_6 : f32 to vector<2000x1xf32>
    %add3A_8 = arith.addf %add3A, %add3A_7 : vector<2000x1xf32>
    %rsqrt3A = math.rsqrt %add3A_8 : vector<2000x1xf32>
    %get3A_9 = arith.constant 0 : index
    %get3A_10 = arith.constant 0 : index
    %get3A_11 = vector.load %arg1[%get3A_9, %get3A_10] : memref<2000x128xf32, #tpu.memory_space<vmem>>, vector<2000x128xf32>
    %get3A_12 = arith.constant 0 : index
    %get3A_13 = arith.constant 0 : index
    %get3A_14 = vector.load %arg2[%get3A_12, %get3A_13] : memref<2000x128xf32, #tpu.memory_space<vmem>>, vector<2000x128xf32>
    %add3A_15 = arith.addf %get3A_11, %get3A_14 : vector<2000x128xf32>
    %get3A_16 = arith.constant 0 : index
    %get3A_17 = arith.constant 0 : index
    %get3A_18 = vector.load %arg3[%get3A_16, %get3A_17] : memref<2000x128xf32, #tpu.memory_space<vmem>>, vector<2000x128xf32>
    %add3A_19 = arith.addf %add3A_15, %get3A_18 : vector<2000x128xf32>
    %mul3A = vector.broadcast %rsqrt3A : vector<2000x1xf32> to vector<2000x128xf32>
    %mul3A_20 = arith.mulf %add3A_19, %mul3A : vector<2000x128xf32>
    %get3A_21 = arith.constant 0 : index
    %get3A_22 = arith.constant 0 : index
    %get3A_23 = vector.load %arg6[%get3A_21, %get3A_22] : memref<1x128xf32, #tpu.memory_space<vmem>>, vector<1x128xf32>
    %add3A_24 = vector.broadcast %get3A_23 : vector<1x128xf32> to vector<2000x128xf32>
    %add3A_25 = arith.addf %mul3A_20, %add3A_24 : vector<2000x128xf32>
    %swap3A = arith.constant 0 : index
    %swap3A_26 = arith.constant 0 : index
    %swap3A_27 = vector.load %arg7[%swap3A, %swap3A_26] : memref<2000x128xf32, #tpu.memory_space<vmem>>, vector<2000x128xf32>
    tpu.vector_store %arg7[%swap3A, %swap3A_26], %add3A_25 {strides = array<i32>} : memref<2000x128xf32, #tpu.memory_space<vmem>>, vector<2000x128xf32>,
    return
  }
  func.func @transform_0(%arg0: i32) -> (i32, i32) {
    %c0_i32 = arith.constant 0 : i32
    %c0_i32_0 = arith.constant 0 : i32
    return %arg0, %c0_i32 : i32, i32
  }
  func.func @transform_1(%arg0: i32) -> (i32, i32) {
    %c0_i32 = arith.constant 0 : i32
    %c0_i32_0 = arith.constant 0 : i32
    return %arg0, %c0_i32 : i32, i32
  }
  func.func @transform_2(%arg0: i32) -> (i32, i32) {
    %c0_i32 = arith.constant 0 : i32
    %c0_i32_0 = arith.constant 0 : i32
    return %arg0, %c0_i32 : i32, i32
  }
  func.func @transform_3(%arg0: i32) -> (i32, i32) {
    %c0_i32 = arith.constant 0 : i32
    %c0_i32_0 = arith.constant 0 : i32
    return %arg0, %c0_i32 : i32, i32
  }
  func.func @transform_4(%arg0: i32) -> (i32, i32) {
    %c0_i32 = arith.constant 0 : i32
    %c0_i32_0 = arith.constant 0 : i32
    return %arg0, %c0_i32 : i32, i32
  }
  func.func @transform_5(%arg0: i32) -> (i32, i32) {
    %c0_i32 = arith.constant 0 : i32
    %c0_i32_0 = arith.constant 0 : i32
    %c0_i32_1 = arith.constant 0 : i32
    return %c0_i32, %c0_i32_0 : i32, i32
  }
  func.func @transform_6(%arg0: i32) -> (i32, i32) {
    %c0_i32 = arith.constant 0 : i32
    %c0_i32_0 = arith.constant 0 : i32
    return %arg0, %c0_i32 : i32, i32
  }
}

</mosaic_0001>

<sc_bundles>
// kernel: kernel.11.cloned.1.call-start
scs
__scs_entry_jumppad:
0x0: {  	(pc) =	sbr.rel $0x88, $3  }
0x1: {  	(tag) =	ssettag $0x0;
	lr =	simm.s32 $0x1  }
0x2: {  	[smem:$0x3F9D] =	sst lr;
	_ =	strace $0xD0000000  }
0x3: {  	_ = 	snop  }
0x4: {  	_ = 	snop  }
0x5: {  	_ = 	snop  }
0x6: {  	_ = 	snop  }
0x7: {  	_ = 	snop  }
__scs_overlays_trampoline_lowered:
0x8: {  	[smem:$0x3FAC] =	sst s0  }
0x9: {  	[smem:$0x3FAD] =	sst s1  }
0xa: {  	[smem:$0x3FAE] =	sst s2  }
0xb: {  	[smem:$0x3FAF] =	sst s3  }
0xc: {  	[smem:$0x3FB0] =	sst s4  }
0xd: {  	[smem:$0x3FB1] =	sst s5  }
0xe: {  	[smem:$0x3FB2] =	sst s6  }
0xf: {  	[smem:$0x3FB3] =	sst s7  }
0x10: {  	[smem:$0x3FB4] =	sst s8  }
0x11: {  	[smem:$0x3FB5] =	sst s9;
	s0 =	simm.s32 @!p0 $0x0  }
0x12: {  	s1 =	sld [smem:$0x3F9B];
	s0 =	simm.s32 @p0 $0x1  }
0x13: {  	[smem:$0x3FB6] =	sst s0;
	s0 =	simm.s32 @!p1 $0x0  }
0x14: {  	s2 =	sld [smem:$0x3F9A];
	s0 =	simm.s32 @p1 $0x1  }
0x15: {  	[smem:$0x3FB7] =	sst s0;
	s0 =	simm.s32 @!p2 $0x0  }
0x16: {  	s3 =	sld [smem:$0x3FDB];
	s0 =	simm.s32 @p2 $0x1  }
0x17: {  	s4 =	simm.s32 $0x1BF5;
	[smem:$0x3FB9] =	sst s0  }
0x18: {  	s0 =	sld [smem:$0x3F9C];
	_ =	swait.ge [sflag:s4], $0x0  }
0x19: {  	s7 =	sld [smem:$0x3F9D]  }
0x1a: {  	s8 =	sadd.s32 $0xFFFFE003, lr  }
0x1b: {  	s9 =	sadd.s32 $0xFFFFFEF7, lr;
	s5 =	simm.s32 $0xFFFFFFFF;
	p2 =	slt.u32 s8, $0xFFFFF086  }
0x1c: {  	p1 =	slt.u32 s9, $0xF7A;
	s5 =	simm.s32 @!p2 $0x0  }
0x1d: {  	s5 =	simm.s32 @p1 $0x1;
	p0 =	seq.s32 s7, s2  }
0x1e: {  	s7 =	smul.u32 @!p0 $0xF7A, s2;
	p2 =	seq.s32 @!p0 s5, $0x0  }
0x1f: {  	s9 =	smul.u32 $0xF7A, s1;
	s8 =	simm.s32 @!p0 $0x1BF5;
	p2 =	por !p2, p0  }
0x20: {  	[sflag:s8] =	ssyncset.s32 @!p0 $0xFFFFF086;
	s6 =	sadd.s32 @!p0 s3, s7;
	s7 =	simm.s32 @!p0 $0x108  }
0x21: {  	s3 =	sadd.s32 s3, s9;
	s6 =	sadd.s32 @!p0 $0x88, s6;
	s7 =	simm.s32 @p2 $0x1082  }
0x22: {  	[simem:s7], [sflag:s8] =	dma.local @!p0 [hbm:s6], $0xF7A  }
0x23: {  	s9 =	sor.u32 $0xD0000000, s2;
	s6 =	simm.s32 $0x108;
	_ =	swait.ge @!p0 [sflag:s8], $0x0  }
0x24: {  	s3 =	sadd.s32 $0x88, s3;
	s6 =	simm.s32 @!p1 $0x1082;
	[sflag:s4] =	ssyncset.s32 $0xFFFFF086  }
0x25: {  	[simem:s6], [sflag:s4] =	dma.local [hbm:s3], $0xF7A  }
0x26: {  	[smem:$0x3F9D] =	sst s1;
	(tag) =	ssettag s2;
	_ =	strace s9  }
0x27: {  	s1 =	sld [smem:$0x3FAD]  }
0x28: {  	s2 =	sld [smem:$0x3FAE]  }
0x29: {  	s4 =	sld [smem:$0x3FB0]  }
0x2a: {  	p0 =	seq.s32 s5, $0x0;
	s5 =	sld [smem:$0x3FB1]  }
0x2b: {  	s6 =	sld [smem:$0x3FB2]  }
0x2c: {  	s7 =	sld [smem:$0x3FB3]  }
0x2d: {  	s3 =	simm.s32 $0x108;
	s8 =	sld [smem:$0x3FB4]  }
0x2e: {  	s3 =	simm.s32 @!p0 $0x1082;
	s9 =	sld [smem:$0x3FB5]  }
0x2f: {  	lr =	sadd.s32 s0, s3;
	s0 =	sld [smem:$0x3FAC]  }
0x30: {  	s3 =	sld [smem:$0x3FAF]  }
0x31: {  	[smem:$0x3FB8] =	sst s10  }
0x32: {  	s10 =	sld [smem:$0x3FB6];
	_ =	sdelay $0x3  }
0x33: {  	p0 =	seq.s32 s10, $0x1;
	s10 =	sld [smem:$0x3FB8];
	_ =	sdelay $0x3  }
0x34: {  	[smem:$0x3FB8] =	sst s10  }
0x35: {  	s10 =	sld [smem:$0x3FB7];
	_ =	sdelay $0x3  }
0x36: {  	p1 =	seq.s32 s10, $0x1;
	s10 =	sld [smem:$0x3FB8];
	_ =	sdelay $0x3  }
0x37: {  	[smem:$0x3FB8] =	sst s10  }
0x38: {  	s10 =	sld [smem:$0x3FB9]  }
0x39: {  	_ = 	snop;
	(pc) =	sbr.ind lr, $3  }
0x3a: {  	_ = 	snop  }
0x3b: {  	_ = 	snop  }
0x3c: {  	p2 =	seq.s32 s10, $0x1;
	s10 =	sld [smem:$0x3FB8]  }
0x3d: {  	_ =	shalt  }
0x3e: {  	_ =	shalt  }
0x3f: {  	_ =	shalt  }
0x40: {  	_ =	shalt  }
0x41: {  	_ =	shalt  }
0x42: {  	_ =	shalt  }
0x43: {  	_ =	shalt  }
0x44: {  	_ =	shalt  }
0x45: {  	_ =	shalt  }
0x46: {  	_ =	shalt  }
0x47: {  	_ =	shalt  }
0x48: {  	_ =	shalt  }
0x49: {  	_ =	shalt  }
0x4a: {  	_ =	shalt  }
0x4b: {  	_ =	shalt  }
0x4c: {  	_ =	shalt  }
0x4d: {  	_ =	shalt  }
0x4e: {  	_ =	shalt  }
0x4f: {  	_ =	shalt  }
0x50: {  	_ =	shalt  }
0x51: {  	_ =	shalt  }
0x52: {  	_ =	shalt  }
0x53: {  	_ =	shalt  }
0x54: {  	_ =	shalt  }
0x55: {  	_ =	shalt  }
0x56: {  	_ =	shalt  }
0x57: {  	_ =	shalt  }
0x58: {  	_ =	shalt  }
0x59: {  	_ =	shalt  }
0x5a: {  	_ =	shalt  }
0x5b: {  	_ =	shalt  }
0x5c: {  	_ =	shalt  }
0x5d: {  	_ =	shalt  }
0x5e: {  	_ =	shalt  }
0x5f: {  	_ =	shalt  }
0x60: {  	_ =	shalt  }
0x61: {  	_ =	shalt  }
0x62: {  	_ =	shalt  }
0x63: {  	_ =	shalt  }
0x64: {  	_ =	shalt  }
0x65: {  	_ =	shalt  }
0x66: {  	_ =	shalt  }
0x67: {  	_ =	shalt  }
0x68: {  	_ =	shalt  }
0x69: {  	_ =	shalt  }
0x6a: {  	_ =	shalt  }
0x6b: {  	_ =	shalt  }
0x6c: {  	_ =	shalt  }
0x6d: {  	_ =	shalt  }
0x6e: {  	_ =	shalt  }
0x6f: {  	_ =	shalt  }
0x70: {  	_ =	shalt  }
0x71: {  	_ =	shalt  }
0x72: {  	_ =	shalt  }
0x73: {  	_ =	shalt  }
0x74: {  	_ =	shalt  }
0x75: {  	_ =	shalt  }
0x76: {  	_ =	shalt  }
0x77: {  	_ =	shalt  }
0x78: {  	_ =	shalt  }
0x79: {  	_ =	shalt  }
0x7a: {  	_ =	shalt  }
0x7b: {  	_ =	shalt  }
0x7c: {  	_ =	shalt  }
0x7d: {  	_ =	shalt  }
0x7e: {  	_ =	shalt  }
0x7f: {  	_ =	shalt  }
0x80: {  	_ =	shalt  }
0x81: {  	_ =	shalt  }
0x82: {  	_ =	shalt  }
0x83: {  	_ =	shalt  }
0x84: {  	_ =	shalt  }
0x85: {  	_ =	shalt  }
0x86: {  	_ =	shalt  }
0x87: {  	_ =	shalt  }
.Lfunc_end0:
.L_simem_size_0:
called_computation.1_lowered:
.L_overlay_start_0:
0x88: {  	s2 =	sld [smem:$0x3FD9]  }
0x89: {  	s3 =	sld [smem:$0x3FFE];
	_ =	sdelay $0x1  }
0x8a: {  	s1 =	srdreg.scid  }
0x8b: {  	s0 =	sand.u32 $0x1, s1  }
0x8c: {  	s14 =	sshll.u32 s0, $0xA;
	s2 =	sadd.s32 s3, s2  }
0x8d: {  	s2 =	sadd.s32 s2, s14  }
0x8e: {  	[smem:$0x3FC4] =	sst s2  }
0x8f: {  	_ = 	snop  }
0x90: {  	s2 =	sld [smem:$0x3FD0];
	_ =	sdelay $0x2  }
0x91: {  	s15 =	simm.s32 $0xA;
	s4 =	simm.s32 $0x10  }
0x92: {  	[smem:s4], [sflag:s15] =	dma.local [hbm:s2], $0x1  }
0x93: {  	_ =	swait.eq [sflag:s15], $0x1  }
0x94: {  	[sflag:s15] =	ssyncset.done $0x0  }
0x95: {  	s16 =	sld [smem:$0x10];
	[sflag:s15] =	ssyncadd.s32 $0xFFFFFFFF  }
0x96: {  	s17 =	sld [smem:$0x11];
	(tm) =	ssettm $0x1  }
0x97: {  	s18 =	sld [smem:$0x3FFB];
	_ =	sdelay $0x3  }
0x98: {  	_ =	strace s18  }
0x99: {  	s4 =	sld [smem:$0x3FFC];
	_ =	sdelay $0x3  }
0x9a: {  	_ =	strace s4  }
0x9b: {  	s4 =	sld [smem:$0x3FFD];
	_ =	sdelay $0x3  }
0x9c: {  	_ =	strace s4  }
0x9d: {  	_ =	strace $0x8FFFFFFF  }
0x9e: {  	s19 =	sld [smem:$0x3FDB];
	_ =	sdelay $0x1  }
0x9f: {  	s5 =	simm.s32 $_scs_section_size  }
0xa0: {  	s6 =	simm.s32 $_size__tile_overlayer_lowered;
	s7 =	simm.s32 $_tile_overlayer_lowered  }
0xa1: {  	s22 =	simm.s32 $0x1BFF;
	s21 =	sshll.u32 s7, $0x1;
	s4 =	sadd.s32 s5, s19  }
0xa2: {  	s8 =	simm.s32 $0x0;
	s20 =	sshll.u32 s6, $0x1;
	s6 =	sadd.s32 s21, s4  }
0xa3: {  	[timem:s8], [sflag:s22] =	dma.local [hbm:s6], s20  }
0xa4: {  	_ =	swait.ge [sflag:s22], s20  }
0xa5: {  	s5 =	ssub.s32 $0x0, s20;
	[sflag:s22] =	ssyncset.done $0x0  }
0xa6: {  	[sflag:s22] =	ssyncadd.s32 s5;
	_ =	sdelay $0x1  }
0xa7: {  	s23 =	simm.s32 $0x1B8B  }
0xa8: {  	_ =	swait.ge [sflag:s23], $0x1  }
0xa9: {  	[sflag:s23] =	ssyncset.done $0x0  }
0xaa: {  	s25 =	simm.s32 $0x1B8E;
	s24 =	sld [smem:$0x3FFE];
	[sflag:s23] =	ssyncadd.s32 $0xFFFFFFFF  }
0xab: {  	s26 =	simm.s32 $execute0_lowered;
	[smem:$0x3FD2] =	sst s25  }
0xac: {  	s6 =	sshll.u32 s26, $0x1;
	_ =	strace $0x80000049;
	[dreg:$0x1] =	wrdreg $0xFFFFFFFF  }
0xad: {  	s28 =	simm.s32 $_size_execute0_lowered;
	s4 =	sadd.s32 s4, s6;
	[dreg:$0x0] =	wrdreg $0x0  }
0xae: {  	s6 =	sshll.u32 s28, $0x1;
	[dreg:$0x2] =	wrdreg s4  }
0xaf: {  	[dreg:$0x3] =	wrdreg s6  }
0xb0: {  	[dreg:$0x4] =	wrdreg $0xC0  }
0xb1: {  	_ =	task [dreg:s8], $0x5FFFF  }
0xb2: {  	[dreg:$0x1] =	wrdreg $0xFFFFFFFF  }
0xb3: {  	[dreg:$0x0] =	wrdreg $0x60  }
0xb4: {  	[dreg:$0x2] =	wrdreg s17  }
0xb5: {  	[dreg:$0x3] =	wrdreg s16  }
0xb6: {  	[dreg:$0x4] =	wrdreg s24  }
0xb7: {  	[dreg:$0x5] =	wrdreg $0xA4000  }
0xb8: {  	[dreg:$0x6] =	wrdreg $0x9  }
0xb9: {  	_ =	task.clear_ibuf [dreg:s8], $0x7FFFF;
	_ =	strace $0x90000049  }
0xba: {  	s29 =	simm.s32 $0x9;
	_ =	strace $0x8000004B  }
0xbb: {  	_ =	swait.ge [sflag:s29], $0x1  }
0xbc: {  	[sflag:s29] =	ssyncadd.s32 $0xFFFFFFFF  }
0xbd: {  	_ =	strace $0x9000004B  }
0xbe: {  	_ =	sfence  }
0xbf: {  	s30 =	sld [smem:$0x0];
	_ =	sdelay $0x2  }
0xc0: {  	s31 =	sshll.u32 s1, $0xD;
	s1 =	sshrl.u32 s1, $0x2  }
0xc1: {  	s3 =	sand.u32 $0x4000, s31;
	s1 =	sadd.s32 s1, s30  }
0xc2: {  	s0 =	sor.u32 s3, s0;
	s1 =	sshll.u32 s1, $0x11  }
0xc3: {  	s0 =	sor.u32 s1, s0  }
0xc4: {  	s0 =	sadd.s32 $0x8F2B, s0  }
0xc5: {  	[sflag:s0] =	ssyncadd.remote.s32 $0x1  }
0xc6: {  	_ =	sfence.sel $0xFFFF  }
0xc7: {  	[dreg:$0x0] =	wrdreg $0xFFFFFFFF;
	(pc) =	sbr.abs _section_cstart, $3  }
0xc8: {  	[dreg:$0x1] =	wrdreg $0xFFFFFFFF  }
0xc9: {  	_ =	task.clear_ibuf [dreg:s8], $0x2FFFF;
	_ =	strace $0x9FFFFFFF  }
0xca: {  	(tm) =	ssettm $0x7FFFFFFF  }
0xcb: {  	_ =	shalt  }
tec
execute0_lowered:
.L_overlay_start_1:
0x0: {  	(tag) =	ssettag $0x1  }
0x1: {  	s1 =	rddreg [dreg:$0x0]  }
0x2: {  	s2 =	rddreg [dreg:$0x1]  }
0x3: {  	s0 =	rddreg [dreg:$0x2]  }
0x4: {  	s3 =	rddreg [dreg:$0x3]  }
0x5: {  	s4 =	srdreg.scid;
	s7 =	simm.s32 $0x0;
	s5 =	stileid.u32  }
0x6: {  	s28 =	simm.s32 $0x180;
	s29 =	simm.s32 $0x2;
	s30 =	simm.s32 $0x50  }
0x7: {  	s31 =	simm.s32 $0x2C00;
	s4 =	sand.u32 $0x1, s4;
	[smem:$0x7FF] =	sst s7  }
0x8: {  	s12 =	smul.u32 $0x14000, s5;
	s8 =	sadd.s32 $0x56400, s0;
	s9 =	sadd.s32 $0x3C00, s0  }
0x9: {  	s10 =	smul.u32 $0x50000, s5;
	s11 =	sshll.u32 s5, $0xE;
	s17 =	sshll.u32 s5, $0x6  }
0xa: {  	s6 =	smul.u32 $0x140000, s4;
	_ =	strace $0x8000004A;
	s13 =	ssub.s32 $0x2, s4  }
0xb: {  	[dreg:$0x5] =	wrdreg s9;
	s4 =	sshll.u32 s4, $0x12;
	s14 =	sshrl.u32 s13, $0x1  }
0xc: {  	s7 =	sor.u32 s11, s4;
	s16 =	sshrl.u32 s10, $0x2;
	s11 =	sor.u32 $0x1C11, s17  }
0xd: {  	s6 =	sadd.s32 s12, s6;
	s15 =	ssub.s32 s13, s14;
	s18 =	sshrl.u32 s7, $0x3  }
0xe: {  	s4 =	sadd.s32 s16, s3;
	[dreg:$0x6] =	wrdreg s11;
	s6 =	sshrl.u32 s6, $0x3  }
0xf: {  	s19 =	sor.u32 $0x10, s18;
	s20 =	sadd.s32 s2, s18;
	s21 =	sadd.s32 s18, s8  }
0x10: {  	s22 =	sor.u32 $0x20, s18;
	s25 =	smax.u32 s15, $0x1;
	[dreg:$0x7] =	wrdreg s20  }
0x11: {  	s10 =	sor.u32 $0x30, s18;
	s0 =	sadd.s32 s6, s0;
	[dreg:$0x10] =	wrdreg s25  }
0x12: {  	s12 =	sadd.s32 s2, s19;
	s9 =	sadd.s32 s8, s19;
	[dreg:$0x8] =	wrdreg s21  }
0x13: {  	s23 =	sadd.s32 s2, s22;
	s24 =	sadd.s32 s2, s10;
	[dreg:$0x9] =	wrdreg s12  }
0x14: {  	s26 =	sadd.s32 $0x30, s21;
	s25 =	simm.s32 $0x6;
	[dreg:$0xa] =	wrdreg s9  }
0x15: {  	s6 =	simm.s32 $0x8;
	[dreg:$0xb] =	wrdreg s23;
	s9 =	sadd.s32 s8, s22  }
0x16: {  	[dreg:$0xd] =	wrdreg s24;
	s8 =	sadd.s32 s8, s10;
	s0 =	sadd.s32 $0x66400, s0  }
0x17: {  	[dreg:$0x11] =	wrdreg s26;
	s10 =	simm.s32 $0x11;
	s23 =	simm.s32 $0x80  }
0x18: {  	s24 =	simm.s32 $0x280;
	s22 =	simm.s32 $0x9;
	[dreg:$0xc] =	wrdreg s9  }
0x19: {  	s26 =	simm.s32 $0xB;
	s12 =	simm.s32 $0x0;
	[dreg:$0xe] =	wrdreg s8  }
0x1a: {  	[dreg:$0xf] =	wrdreg s0;
	s8 =	sshrl.u32 s4, $0x3;
	s0 =	simm.s32 $0x4  }
0x1b: {  	s4 =	simm.s32 $0x7C00;
	s9 =	simm.s32 $0x380;
	[dreg:$0x12] =	wrdreg s8  }
.LBB2_1:
0x1c: {  	[dreg:$0x13] =	wrdreg s12  }
0x1d: {  	s5 =	rddreg [dreg:$0x5]  }
0x1e: {  	[spmem:s8], [sflag:s11] =	dma.local [hbm:s5], $0x2800  }
0x1f: {  	_ =	swait.ge [sflag:s10], $0x2800  }
0x20: {  	[sflag:s10] =	ssyncset.done $0x0  }
0x21: {  	s5 =	simm.s32 $0x0;
	s11 =	rddreg [dreg:$0x7];
	[sflag:s10] =	ssyncadd.s32 $0xFFFFD800  }
0x22: {  	[tilespmem:s5], [sflag:$0x1] =	stream.linear.gather [hbm4b:s11+s5], $0x80, $0x38;
	[tilespmem:$0x1E400] =	vst v63  }
0x23: {  	s13 =	simm.s32 $0x200;
	s12 =	rddreg [dreg:$0x8]  }
0x24: {  	[tilespmem:s13], [sflag:$0x5] =	stream.linear.gather [hbm4b:s12+s5], $0x80, $0x38;
	[tilespmem:$0x1E400] =	vst v63  }
0x25: {  	s14 =	rddreg [dreg:$0x9]  }
0x26: {  	[tilespmem:s23], [sflag:$0x2] =	stream.linear.gather [hbm4b:s14+s5], $0x80, $0x38;
	[tilespmem:$0x1E400] =	vst v63  }
0x27: {  	s15 =	rddreg [dreg:$0xa]  }
0x28: {  	[tilespmem:s24], [sflag:$0x6] =	stream.linear.gather [hbm4b:s15+s5], $0x80, $0x38;
	[tilespmem:$0x1E400] =	vst v63  }
0x29: {  	s17 =	simm.s32 $0x100;
	s16 =	rddreg [dreg:$0xb]  }
0x2a: {  	[tilespmem:s17], [sflag:$0x3] =	stream.linear.gather [hbm4b:s16+s5], $0x80, $0x38;
	[tilespmem:$0x1E400] =	vst v63  }
0x2b: {  	s19 =	simm.s32 $0x300;
	s18 =	rddreg [dreg:$0xc]  }
0x2c: {  	[tilespmem:s19], [sflag:$0x7] =	stream.linear.gather [hbm4b:s18+s5], $0x80, $0x38;
	[tilespmem:$0x1E400] =	vst v63  }
0x2d: {  	s20 =	rddreg [dreg:$0xd]  }
0x2e: {  	[tilespmem:s28], [sflag:$0x4] =	stream.linear.gather [hbm4b:s20+s5], $0x80, $0x38;
	[tilespmem:$0x1E400] =	vst v63  }
0x2f: {  	p0 =	por $0x1, $0x1;
	s21 =	rddreg [dreg:$0xe]  }
0x30: {  	[tilespmem:s9], [sflag:$0x8] =	stream.linear.gather [hbm4b:s21+s5], $0x80, $0x38;
	[tilespmem:$0x1E400] =	vst v63  }
0x31: {  	s8 =	simm.s32 @p0 $0x1;
	[bflag:$0x0] =	sbarrier.arrive $0xFFFF  }
0x32: {  	_ =	swait.ge @p0 [sflag:s8], $0x80  }
0x33: {  	s10 =	simm.s32 @p0 $0x50;
	s11 =	simm.s32 @p0 $0x0;
	[sflag:s8] =	ssyncset.done @p0 $0x0  }
0x34: {  	s12 =	simm.s32 @!p0 $0xD;
	[sflag:s8] =	ssyncadd.s32 @p0 $0xFFFFFF80;
	s8 =	simm.s32 @p0 $0x400  }
0x35: {  	[tilespmem:s8], [sflag:$0x9] =	stream.indirect.gather @p0 [hbm4b:s1+s10], $0x80, s11, s10, $0xb8;
	[tilespmem:$0x1E400] =	vst v63  }
0x36: {  	s13 =	simm.s32 @!p0 $0x1;
	_ =	swait.ge @!p0 [sflag:s12], $0x2800  }
0x37: {  	s11 =	simm.s32 @!p0 $0x0;
	s5 =	rddreg [dreg:$0x11];
	[sflag:s12] =	ssyncset.done @!p0 $0x0  }
0x38: {  	s8 =	sadd.s32 @!p0 $0xFFFFFFD0, s5;
	[sflag:s12] =	ssyncadd.s32 @!p0 $0xFFFFD800;
	s12 =	simm.s32 @!p0 $0x200  }
0x39: {  	[tilespmem:s12], [sflag:$0x5] =	stream.linear.gather @!p0 [hbm4b:s8+s11], $0x80, $0x38;
	[tilespmem:$0x1E400] =	vst v63  }
0x3a: {  	_ =	swait.ge @!p0 [sflag:s13], $0x80  }
0x3b: {  	s8 =	simm.s32 @!p0 $0x50;
	[sflag:s13] =	ssyncset.done @!p0 $0x0  }
0x3c: {  	s12 =	simm.s32 @!p0 $0x400;
	[sflag:s13] =	ssyncadd.s32 @!p0 $0xFFFFFF80;
	s13 =	simm.s32 @!p0 $0xE  }
0x3d: {  	[tilespmem:s12], [sflag:$0x9] =	stream.indirect.gather @!p0 [hbm4b:s1+s8], $0x80, s11, s8, $0xb8;
	[tilespmem:$0x1E400] =	vst v63  }
0x3e: {  	_ =	swait.ge @!p0 [sflag:s13], $0x2800  }
0x3f: {  	[sflag:s13] =	ssyncset.done @!p0 $0x0  }
0x40: {  	s14 =	simm.s32 @!p0 $0x280;
	s12 =	sadd.s32 @!p0 $0xFFFFFFE0, s5;
	[sflag:s13] =	ssyncadd.s32 @!p0 $0xFFFFD800  }
0x41: {  	[tilespmem:s14], [sflag:$0x6] =	stream.linear.gather @!p0 [hbm4b:s12+s11], $0x80, $0x38;
	[tilespmem:$0x1E400] =	vst v63  }
0x42: {  	_ =	swait.ge [sflag:s29], $0x80  }
0x43: {  	[sflag:s29] =	ssyncset.done $0x0  }
0x44: {  	s12 =	simm.s32 @p0 $0x3;
	[sflag:s29] =	ssyncadd.s32 $0xFFFFFF80  }
0x45: {  	[tilespmem:s31], [sflag:$0xA] =	stream.indirect.gather [hbm4b:s1+s30], $0x80, s23, s30, $0xb8;
	[tilespmem:$0x1E400] =	vst v63  }
0x46: {  	_ =	swait.ge @p0 [sflag:s12], $0x80  }
0x47: {  	s13 =	simm.s32 @p0 $0x100;
	[sflag:s12] =	ssyncset.done @p0 $0x0  }
0x48: {  	s14 =	simm.s32 @p0 $0x5400;
	[sflag:s12] =	ssyncadd.s32 @p0 $0xFFFFFF80;
	s12 =	simm.s32 @!p0 $0xF  }
0x49: {  	[tilespmem:s14], [sflag:$0xB] =	stream.indirect.gather @p0 [hbm4b:s1+s10], $0x80, s13, s10, $0xb8;
	[tilespmem:$0x1E400] =	vst v63  }
0x4a: {  	_ =	swait.ge @!p0 [sflag:s12], $0x2800  }
0x4b: {  	s10 =	sadd.s32 @!p0 $0xFFFFFFF0, s5;
	[sflag:s12] =	ssyncset.done @!p0 $0x0  }
0x4c: {  	s13 =	simm.s32 @!p0 $0x300;
	[sflag:s12] =	ssyncadd.s32 @!p0 $0xFFFFD800;
	s12 =	simm.s32 @!p0 $0x3  }
0x4d: {  	[tilespmem:s13], [sflag:$0x7] =	stream.linear.gather @!p0 [hbm4b:s10+s11], $0x80, $0x38;
	[tilespmem:$0x1E400] =	vst v63  }
0x4e: {  	_ =	swait.ge @!p0 [sflag:s12], $0x80  }
0x4f: {  	s10 =	simm.s32 @!p0 $0x100;
	[sflag:s12] =	ssyncset.done @!p0 $0x0  }
0x50: {  	s13 =	simm.s32 @!p0 $0x5400;
	[sflag:s12] =	ssyncadd.s32 @!p0 $0xFFFFFF80;
	s12 =	simm.s32 @!p0 $0x10  }
0x51: {  	[tilespmem:s13], [sflag:$0xB] =	stream.indirect.gather @!p0 [hbm4b:s1+s8], $0x80, s10, s8, $0xb8;
	[tilespmem:$0x1E400] =	vst v63  }
0x52: {  	_ =	swait.ge @!p0 [sflag:s12], $0x2800  }
0x53: {  	[sflag:s12] =	ssyncset.done @!p0 $0x0  }
0x54: {  	s8 =	simm.s32 @!p0 $0x380;
	[sflag:s12] =	ssyncadd.s32 @!p0 $0xFFFFD800  }
0x55: {  	[tilespmem:s8], [sflag:$0x8] =	stream.linear.gather @!p0 [hbm4b:s5+s11], $0x80, $0x38;
	[tilespmem:$0x1E400] =	vst v63  }
0x56: {  	_ =	swait.ge [sflag:s0], $0x80  }
0x57: {  	[sflag:s0] =	ssyncset.done $0x0  }
0x58: {  	[sflag:s0] =	ssyncadd.s32 $0xFFFFFF80  }
0x59: {  	[tilespmem:s4], [sflag:$0xC] =	stream.indirect.gather [hbm4b:s1+s30], $0x80, s28, s30, $0xb8;
	[tilespmem:$0x1E400] =	vst v63  }
0x5a: {  	p0 =	por $0x0, $0x0;
	_ =	swait.ge [sflag:s22], $0x2800  }
0x5b: {  	s10 =	simm.s32 @p0 $0x50;
	s8 =	simm.s32 @!p0 $0x200;
	[sflag:s22] =	ssyncset.done $0x0  }
0x5c: {  	s12 =	simm.s32 @p0 $0x5;
	s13 =	simm.s32 @p0 $0xA;
	[sflag:s22] =	ssyncadd.s32 $0xFFFFD800  }
0x5d: {  	s14 =	simm.s32 @p0 $0x400;
	s11 =	sand.u32 @!p0 $0x7C00, s8;
	_ =	swait.ge @p0 [sflag:s12], $0x80  }
0x5e: {  	s8 =	sand.u32 @!p0 $0x200, s8;
	s11 =	sadd.s32 @!p0 s7, s11;
	[sflag:s12] =	ssyncset.done @p0 $0x0  }
0x5f: {  	s8 =	sor.u32 @!p0 s8, s11;
	s11 =	simm.s32 @p0 $0x200;
	[sflag:s12] =	ssyncadd.s32 @p0 $0xFFFFFF80  }
0x60: {  	[spmem:s3] =	stream.indirect.scatter.add.f32 @p0 [tilespmem:s14], [sflag:$0xD], $0x80, s11, s10, $0xb8;
	[tilespmem:$0x1E400] =	vst v63  }
0x61: {  	s16 =	simm.s32 @!p0 $0x200;
	s8 =	sshrl.u32 @!p0 s8, $0x3;
	_ =	swait.ge @p0 [sflag:s13], $0x2800  }
0x62: {  	s8 =	sadd.s32 @!p0 s2, s8;
	s12 =	simm.s32 @!p0 $0x280;
	[sflag:s13] =	ssyncset.done @p0 $0x0  }
0x63: {  	s11 =	simm.s32 @!p0 $0x0;
	[sflag:s13] =	ssyncadd.s32 @p0 $0xFFFFD800;
	s13 =	simm.s32 @!p0 $0x5  }
0x64: {  	[tilespmem:s11], [sflag:$0x1] =	stream.linear.gather @!p0 [hbm4b:s8+s11], $0x80, $0x38;
	[tilespmem:$0x1E400] =	vst v63  }
0x65: {  	s17 =	simm.s32 @!p0 $0xA;
	s14 =	sand.u32 @!p0 $0x7C00, s12;
	_ =	swait.ge @!p0 [sflag:s13], $0x80  }
0x66: {  	s14 =	sadd.s32 @!p0 s7, s14;
	s8 =	sand.u32 @!p0 $0x280, s12;
	[sflag:s13] =	ssyncset.done @!p0 $0x0  }
0x67: {  	s12 =	simm.s32 @!p0 $0x50;
	[sflag:s13] =	ssyncadd.s32 @!p0 $0xFFFFFF80;
	s13 =	simm.s32 @!p0 $0x400  }
0x68: {  	[spmem:s3] =	stream.indirect.scatter.add.f32 @!p0 [tilespmem:s13], [sflag:$0xD], $0x80, s16, s12, $0xb8;
	[tilespmem:$0x1E400] =	vst v63  }
0x69: {  	s8 =	sor.u32 @!p0 s8, s14;
	_ =	swait.ge @!p0 [sflag:s17], $0x2800  }
0x6a: {  	s8 =	sshrl.u32 @!p0 s8, $0x3;
	[sflag:s17] =	ssyncset.done @!p0 $0x0  }
0x6b: {  	s8 =	sadd.s32 @!p0 s2, s8;
	s13 =	simm.s32 @!p0 $0x80;
	[sflag:s17] =	ssyncadd.s32 @!p0 $0xFFFFD800  }
0x6c: {  	[tilespmem:s13], [sflag:$0x2] =	stream.linear.gather @!p0 [hbm4b:s8+s11], $0x80, $0x38;
	[tilespmem:$0x1E400] =	vst v63  }
0x6d: {  	_ =	swait.ge [sflag:s25], $0x80  }
0x6e: {  	[sflag:s25] =	ssyncset.done $0x0  }
0x6f: {  	[sflag:s25] =	ssyncadd.s32 $0xFFFFFF80  }
0x70: {  	[spmem:s3] =	stream.indirect.scatter.add.f32 [tilespmem:s31], [sflag:$0xE], $0x80, s24, s30, $0xb8;
	[tilespmem:$0x1E400] =	vst v63  }
0x71: {  	_ =	swait.ge [sflag:s26], $0x2800  }
0x72: {  	s19 =	simm.s32 @p0 $0x5400;
	s20 =	simm.s32 @!p0 $0x5400;
	[sflag:s26] =	ssyncset.done $0x0  }
0x73: {  	s16 =	simm.s32 $0x580;
	s13 =	simm.s32 @p0 $0x7;
	[sflag:s26] =	ssyncadd.s32 $0xFFFFD800  }
0x74: {  	s17 =	simm.s32 $0x780;
	s8 =	simm.s32 @!p0 $0x300;
	_ =	swait.ge @p0 [sflag:s13], $0x80  }
0x75: {  	s14 =	sand.u32 @!p0 $0x7C00, s8;
	s8 =	sand.u32 @!p0 $0x300, s8;
	[sflag:s13] =	ssyncset.done @p0 $0x0  }
0x76: {  	s14 =	sadd.s32 @!p0 s7, s14;
	[sflag:s13] =	ssyncadd.s32 @p0 $0xFFFFFF80;
	s13 =	simm.s32 @p0 $0x300  }
0x77: {  	[spmem:s3] =	stream.indirect.scatter.add.f32 @p0 [tilespmem:s19], [sflag:$0xF], $0x80, s13, s10, $0xb8;
	[tilespmem:$0x1E400] =	vst v63  }
0x78: {  	s8 =	sor.u32 @!p0 s8, s14;
	s14 =	sand.u32 @!p0 $0x380, s9;
	s13 =	simm.s32 @p0 $0xC  }
0x79: {  	s8 =	sshrl.u32 @!p0 s8, $0x3;
	s10 =	sand.u32 @!p0 $0x7C00, s9;
	_ =	swait.ge @p0 [sflag:s13], $0x2800  }
0x7a: {  	s8 =	sadd.s32 @!p0 s2, s8;
	s10 =	sadd.s32 @!p0 s7, s10;
	[sflag:s13] =	ssyncset.done @p0 $0x0  }
0x7b: {  	s10 =	sor.u32 @!p0 s14, s10;
	s14 =	simm.s32 @!p0 $0x100;
	[sflag:s13] =	ssyncadd.s32 @p0 $0xFFFFD800  }
0x7c: {  	[tilespmem:s14], [sflag:$0x3] =	stream.linear.gather @!p0 [hbm4b:s8+s11], $0x80, $0x38;
	[tilespmem:$0x1E400] =	vst v63  }
0x7d: {  	s19 =	smov.u32 s5;
	s10 =	sshrl.u32 @!p0 s10, $0x3;
	s14 =	simm.s32 @!p0 $0x7  }
0x7e: {  	s8 =	simm.s32 @!p0 $0x300;
	s13 =	sadd.s32 @!p0 s2, s10;
	_ =	swait.ge @!p0 [sflag:s14], $0x80  }
.LBB2_2:
0x7f: {  	[sflag:s14] =	ssyncset.done @!p0 $0x0  }
0x80: {  	s19 =	sadd.s32 $0x40, s19;
	s10 =	smov.u32 s17;
	s17 =	sadd.s32 $0x200, s17  }
0x81: {  	p2 =	seq.s32 s16, $0x380;
	[sflag:s14] =	ssyncadd.s32 @!p0 $0xFFFFFF80;
	s14 =	simm.s32 @!p0 $0xC  }
0x82: {  	[spmem:s3] =	stream.indirect.scatter.add.f32 @!p0 [tilespmem:s20], [sflag:$0xF], $0x80, s8, s12, $0xb8;
	[tilespmem:$0x1E400] =	vst v63  }
0x83: {  	p1 =	sne.s32 s17, $0x4380;
	s8 =	simm.s32 @p2 $0x1;
	_ =	swait.ge @!p0 [sflag:s14], $0x2800  }
0x84: {  	s12 =	simm.s32 @!p0 $0x180;
	[sflag:s14] =	ssyncset.done @!p0 $0x0  }
0x85: {  	[sflag:s14] =	ssyncadd.s32 @!p0 $0xFFFFD800  }
0x86: {  	[tilespmem:s12], [sflag:$0x4] =	stream.linear.gather @!p0 [hbm4b:s13+s11], $0x80, $0x38;
	[tilespmem:$0x1E400] =	vst v63  }
0x87: {  	s12 =	simm.s32 @p2 $0x50;
	s13 =	simm.s32 @p2 $0x0;
	_ =	swait.ge [sflag:s6], $0x80  }
0x88: {  	[sflag:s6] =	ssyncset.done $0x0  }
0x89: {  	[sflag:s6] =	ssyncadd.s32 $0xFFFFFF80  }
0x8a: {  	[spmem:s3] =	stream.indirect.scatter.add.f32 [tilespmem:s4], [sflag:$0x10], $0x80, s9, s30, $0xb8;
	[tilespmem:$0x1E400] =	vst v63  }
0x8b: {  	s14 =	sadd.s32 @!p2 $0xFFFFFFD0, s19;
	s11 =	simm.s32 @!p2 $0x0;
	_ =	swait.ge @p2 [sflag:s8], $0x80  }
0x8c: {  	[sflag:s8] =	ssyncset.done @p2 $0x0  }
0x8d: {  	s20 =	simm.s32 @!p2 $0xD;
	[sflag:s8] =	ssyncadd.s32 @p2 $0xFFFFFF80;
	s8 =	simm.s32 @p2 $0x400  }
0x8e: {  	[tilespmem:s8], [sflag:$0x9] =	stream.indirect.gather @p2 [hbm4b:s1+s12], $0x80, s13, s12, $0xb8;
	[tilespmem:$0x1E400] =	vst v63  }
0x8f: {  	s13 =	simm.s32 @!p2 $0x50;
	s8 =	simm.s32 @!p2 $0x400;
	_ =	swait.ge @!p2 [sflag:s20], $0x2800  }
0x90: {  	[sflag:s20] =	ssyncset.done @!p2 $0x0  }
0x91: {  	s21 =	simm.s32 @!p2 $0x1;
	[sflag:s20] =	ssyncadd.s32 @!p2 $0xFFFFD800;
	s20 =	simm.s32 @!p2 $0x200  }
0x92: {  	[tilespmem:s20], [sflag:$0x5] =	stream.linear.gather @!p2 [hbm4b:s14+s11], $0x80, $0x38;
	[tilespmem:$0x1E400] =	vst v63  }
0x93: {  	s14 =	sadd.s32 @!p2 $0xFFFFFFE0, s19;
	s20 =	simm.s32 @!p2 $0x280;
	_ =	swait.ge @!p2 [sflag:s21], $0x80  }
0x94: {  	[sflag:s21] =	ssyncset.done @!p2 $0x0  }
0x95: {  	[sflag:s21] =	ssyncadd.s32 @!p2 $0xFFFFFF80;
	s21 =	simm.s32 @!p2 $0xE  }
0x96: {  	[tilespmem:s8], [sflag:$0x9] =	stream.indirect.gather @!p2 [hbm4b:s1+s13], $0x80, s11, s13, $0xb8;
	[tilespmem:$0x1E400] =	vst v63  }
0x97: {  	s8 =	simm.s32 @p2 $0x3;
	_ =	swait.ge @!p2 [sflag:s21], $0x2800  }
0x98: {  	[sflag:s21] =	ssyncset.done @!p2 $0x0  }
0x99: {  	[sflag:s21] =	ssyncadd.s32 @!p2 $0xFFFFD800  }
0x9a: {  	[tilespmem:s20], [sflag:$0x6] =	stream.linear.gather @!p2 [hbm4b:s14+s11], $0x80, $0x38;
	[tilespmem:$0x1E400] =	vst v63  }
0x9b: {  	s14 =	simm.s32 @p2 $0x100;
	s20 =	simm.s32 @p2 $0x5400;
	_ =	swait.ge [sflag:s29], $0x80  }
0x9c: {  	[sflag:s29] =	ssyncset.done $0x0  }
0x9d: {  	[sflag:s29] =	ssyncadd.s32 $0xFFFFFF80  }
0x9e: {  	[tilespmem:s31], [sflag:$0xA] =	stream.indirect.gather [hbm4b:s1+s30], $0x80, s23, s30, $0xb8;
	[tilespmem:$0x1E400] =	vst v63  }
0x9f: {  	s5 =	simm.s32 @!p2 $0x300;
	s21 =	sadd.s32 @!p2 $0xFFFFFFF0, s19;
	_ =	swait.ge @p2 [sflag:s8], $0x80  }
0xa0: {  	[sflag:s8] =	ssyncset.done @p2 $0x0  }
0xa1: {  	[sflag:s8] =	ssyncadd.s32 @p2 $0xFFFFFF80;
	s8 =	simm.s32 @!p2 $0xF  }
0xa2: {  	[tilespmem:s20], [sflag:$0xB] =	stream.indirect.gather @p2 [hbm4b:s1+s12], $0x80, s14, s12, $0xb8;
	[tilespmem:$0x1E400] =	vst v63  }
0xa3: {  	s12 =	simm.s32 @!p2 $0x100;
	s14 =	simm.s32 @!p2 $0x5400;
	_ =	swait.ge @!p2 [sflag:s8], $0x2800  }
0xa4: {  	[sflag:s8] =	ssyncset.done @!p2 $0x0  }
0xa5: {  	[sflag:s8] =	ssyncadd.s32 @!p2 $0xFFFFD800;
	s8 =	simm.s32 @!p2 $0x3  }
0xa6: {  	[tilespmem:s5], [sflag:$0x7] =	stream.linear.gather @!p2 [hbm4b:s21+s11], $0x80, $0x38;
	[tilespmem:$0x1E400] =	vst v63  }
0xa7: {  	s5 =	simm.s32 @!p2 $0x380;
	_ =	swait.ge @!p2 [sflag:s8], $0x80  }
0xa8: {  	[sflag:s8] =	ssyncset.done @!p2 $0x0  }
0xa9: {  	[sflag:s8] =	ssyncadd.s32 @!p2 $0xFFFFFF80;
	s8 =	simm.s32 @!p2 $0x10  }
0xaa: {  	[tilespmem:s14], [sflag:$0xB] =	stream.indirect.gather @!p2 [hbm4b:s1+s13], $0x80, s12, s13, $0xb8;
	[tilespmem:$0x1E400] =	vst v63  }
0xab: {  	p0 =	seq.s32 s16, $0x4180;
	_ =	swait.ge @!p2 [sflag:s8], $0x2800  }
0xac: {  	s12 =	sadd.s32 @!p0 $0xFFFFFF80, s16;
	s14 =	sand.u32 @!p0 $0x7C00, s16;
	[sflag:s8] =	ssyncset.done @!p2 $0x0  }
0xad: {  	s20 =	sand.u32 @!p0 $0x7C00, s12;
	[sflag:s8] =	ssyncadd.s32 @!p2 $0xFFFFD800;
	s8 =	sadd.s32 @!p0 $0xFFFFFF00, s16  }
0xae: {  	[tilespmem:s5], [sflag:$0x8] =	stream.linear.gather @!p2 [hbm4b:s19+s11], $0x80, $0x38;
	[tilespmem:$0x1E400] =	vst v63  }
0xaf: {  	s13 =	simm.s32 @p0 $0x50;
	s5 =	simm.s32 @p0 $0xA;
	_ =	swait.ge [sflag:s0], $0x80  }
0xb0: {  	s11 =	sand.u32 @!p0 $0x7C00, s8;
	s8 =	sand.u32 @!p0 $0x280, s8;
	[sflag:s0] =	ssyncset.done $0x0  }
0xb1: {  	s21 =	sadd.s32 @!p0 $0xFFFFFE80, s16;
	s11 =	sadd.s32 @!p0 s7, s11;
	[sflag:s0] =	ssyncadd.s32 $0xFFFFFF80  }
0xb2: {  	s18 =	sand.u32 @!p0 $0x7C00, s21;
	s12 =	sand.u32 @!p0 $0x300, s12;
	s20 =	sadd.s32 @!p0 s7, s20  }
0xb3: {  	[tilespmem:s4], [sflag:$0xC] =	stream.indirect.gather [hbm4b:s1+s30], $0x80, s28, s30, $0xb8;
	[tilespmem:$0x1E400] =	vst v63  }
0xb4: {  	s21 =	sand.u32 @!p0 $0x200, s21;
	s18 =	sadd.s32 @!p0 s7, s18;
	_ =	swait.ge [sflag:s22], $0x2800  }
0xb5: {  	s15 =	simm.s32 @p0 $0x5;
	s18 =	sor.u32 @!p0 s21, s18;
	[sflag:s22] =	ssyncset.done $0x0  }
0xb6: {  	s18 =	sshrl.u32 @!p0 s18, $0x3;
	s20 =	sor.u32 @!p0 s12, s20;
	[sflag:s22] =	ssyncadd.s32 $0xFFFFD800  }
0xb7: {  	s18 =	sadd.s32 @!p0 s2, s18;
	s8 =	sor.u32 @!p0 s8, s11;
	_ =	swait.ge @p0 [sflag:s15], $0x80  }
0xb8: {  	s12 =	simm.s32 @p0 $0x400;
	s11 =	simm.s32 @p0 $0x200;
	[sflag:s15] =	ssyncset.done @p0 $0x0  }
0xb9: {  	s14 =	sadd.s32 @!p0 s7, s14;
	s8 =	sshrl.u32 @!p0 s8, $0x3;
	[sflag:s15] =	ssyncadd.s32 @p0 $0xFFFFFF80  }
0xba: {  	[spmem:s3] =	stream.indirect.scatter.add.f32 @p0 [tilespmem:s12], [sflag:$0xD], $0x80, s11, s13, $0xb8;
	[tilespmem:$0x1E400] =	vst v63  }
0xbb: {  	s15 =	simm.s32 @!p0 $0x200;
	s12 =	simm.s32 @!p0 $0x50;
	_ =	swait.ge @p0 [sflag:s5], $0x2800  }
0xbc: {  	s8 =	sadd.s32 @!p0 s2, s8;
	s11 =	simm.s32 @!p0 $0x0;
	[sflag:s5] =	ssyncset.done @p0 $0x0  }
0xbd: {  	s16 =	sand.u32 @!p0 $0x380, s16;
	[sflag:s5] =	ssyncadd.s32 @p0 $0xFFFFD800;
	s5 =	simm.s32 @!p0 $0x5  }
0xbe: {  	[tilespmem:s11], [sflag:$0x1] =	stream.linear.gather @!p0 [hbm4b:s18+s11], $0x80, $0x38;
	[tilespmem:$0x1E400] =	vst v63  }
0xbf: {  	s20 =	sshrl.u32 @!p0 s20, $0x3;
	s18 =	simm.s32 @!p0 $0x80;
	_ =	swait.ge @!p0 [sflag:s5], $0x80  }
0xc0: {  	s14 =	sor.u32 @!p0 s16, s14;
	s21 =	sadd.s32 @!p0 s2, s20;
	[sflag:s5] =	ssyncset.done @!p0 $0x0  }
0xc1: {  	s20 =	simm.s32 @!p0 $0xA;
	[sflag:s5] =	ssyncadd.s32 @!p0 $0xFFFFFF80;
	s5 =	simm.s32 @!p0 $0x400  }
0xc2: {  	[spmem:s3] =	stream.indirect.scatter.add.f32 @!p0 [tilespmem:s5], [sflag:$0xD], $0x80, s15, s12, $0xb8;
	[tilespmem:$0x1E400] =	vst v63  }
0xc3: {  	s16 =	smov.u32 s10;
	s5 =	sshrl.u32 @!p0 s14, $0x3;
	_ =	swait.ge @!p0 [sflag:s20], $0x2800  }
0xc4: {  	[sflag:s20] =	ssyncset.done @!p0 $0x0  }
0xc5: {  	[sflag:s20] =	ssyncadd.s32 @!p0 $0xFFFFD800  }
0xc6: {  	[tilespmem:s18], [sflag:$0x2] =	stream.linear.gather @!p0 [hbm4b:s8+s11], $0x80, $0x38;
	[tilespmem:$0x1E400] =	vst v63  }
0xc7: {  	s8 =	simm.s32 @p0 $0x7;
	_ =	swait.ge [sflag:s25], $0x80  }
0xc8: {  	[sflag:s25] =	ssyncset.done $0x0  }
0xc9: {  	[sflag:s25] =	ssyncadd.s32 $0xFFFFFF80  }
0xca: {  	[spmem:s3] =	stream.indirect.scatter.add.f32 [tilespmem:s31], [sflag:$0xE], $0x80, s24, s30, $0xb8;
	[tilespmem:$0x1E400] =	vst v63  }
0xcb: {  	_ =	swait.ge [sflag:s26], $0x2800  }
0xcc: {  	[sflag:s26] =	ssyncset.done $0x0  }
0xcd: {  	[sflag:s26] =	ssyncadd.s32 $0xFFFFD800  }
0xce: {  	s10 =	simm.s32 @!p0 $0x100;
	s14 =	simm.s32 @!p0 $0x7;
	_ =	swait.ge @p0 [sflag:s8], $0x80  }
0xcf: {  	s15 =	simm.s32 @p0 $0xC;
	s20 =	simm.s32 @!p0 $0x5400;
	[sflag:s8] =	ssyncset.done @p0 $0x0  }
0xd0: {  	s18 =	simm.s32 @p0 $0x5400;
	[sflag:s8] =	ssyncadd.s32 @p0 $0xFFFFFF80;
	s8 =	simm.s32 @p0 $0x300  }
0xd1: {  	[spmem:s3] =	stream.indirect.scatter.add.f32 @p0 [tilespmem:s18], [sflag:$0xF], $0x80, s8, s13, $0xb8;
	[tilespmem:$0x1E400] =	vst v63  }
.Ltmp0:
0xd2: {  	s8 =	simm.s32 @!p0 $0x300;
	_ =	swait.ge @p0 [sflag:s15], $0x2800;
	(pc) =	sbr.rel @p1 .LBB2_2-.Ltmp0, $4  }
0xd3: {  	[sflag:s15] =	ssyncset.done @p0 $0x0  }
0xd4: {  	[sflag:s15] =	ssyncadd.s32 @p0 $0xFFFFD800  }
0xd5: {  	[tilespmem:s10], [sflag:$0x3] =	stream.linear.gather @!p0 [hbm4b:s21+s11], $0x80, $0x38;
	[tilespmem:$0x1E400] =	vst v63  }
0xd6: {  	s13 =	sadd.s32 @!p0 s2, s5;
	_ =	swait.ge @!p0 [sflag:s14], $0x80  }
0xd7: {  	[sflag:s14] =	ssyncset.done @!p0 $0x0  }
0xd8: {  	s5 =	simm.s32 @!p0 $0xC;
	[sflag:s14] =	ssyncadd.s32 @!p0 $0xFFFFFF80  }
0xd9: {  	[spmem:s3] =	stream.indirect.scatter.add.f32 @!p0 [tilespmem:s20], [sflag:$0xF], $0x80, s8, s12, $0xb8;
	[tilespmem:$0x1E400] =	vst v63  }
0xda: {  	_ =	swait.ge @!p0 [sflag:s5], $0x2800  }
0xdb: {  	[sflag:s5] =	ssyncset.done @!p0 $0x0  }
0xdc: {  	s8 =	simm.s32 @!p0 $0x180;
	[sflag:s5] =	ssyncadd.s32 @!p0 $0xFFFFD800  }
0xdd: {  	[tilespmem:s8], [sflag:$0x4] =	stream.linear.gather @!p0 [hbm4b:s13+s11], $0x80, $0x38;
	[tilespmem:$0x1E400] =	vst v63  }
0xde: {  	_ =	swait.ge [sflag:s6], $0x80  }
0xdf: {  	p0 =	seq.s32 s16, $0x380;
	[sflag:s6] =	ssyncset.done $0x0  }
0xe0: {  	s5 =	simm.s32 @p0 $0x1;
	[sflag:s6] =	ssyncadd.s32 $0xFFFFFF80  }
0xe1: {  	[spmem:s3] =	stream.indirect.scatter.add.f32 [tilespmem:s4], [sflag:$0x10], $0x80, s9, s30, $0xb8;
	[tilespmem:$0x1E400] =	vst v63  }
0xe2: {  	_ =	swait.ge @p0 [sflag:s5], $0x80  }
0xe3: {  	s8 =	simm.s32 @p0 $0x50;
	s10 =	simm.s32 @p0 $0x0;
	[sflag:s5] =	ssyncset.done @p0 $0x0  }
0xe4: {  	s11 =	simm.s32 @!p0 $0xD;
	[sflag:s5] =	ssyncadd.s32 @p0 $0xFFFFFF80;
	s5 =	simm.s32 @p0 $0x400  }
0xe5: {  	[tilespmem:s5], [sflag:$0x9] =	stream.indirect.gather @p0 [hbm4b:s1+s8], $0x80, s10, s8, $0xb8;
	[tilespmem:$0x1E400] =	vst v63  }
0xe6: {  	s12 =	simm.s32 @!p0 $0x0;
	_ =	swait.ge @!p0 [sflag:s11], $0x2800  }
0xe7: {  	s13 =	simm.s32 @!p0 $0x1;
	s5 =	sadd.s32 $0x40, s19;
	[sflag:s11] =	ssyncset.done @!p0 $0x0  }
0xe8: {  	s10 =	sadd.s32 @!p0 $0xFFFFFFD0, s5;
	[sflag:s11] =	ssyncadd.s32 @!p0 $0xFFFFD800;
	s11 =	simm.s32 @!p0 $0x200  }
0xe9: {  	[tilespmem:s11], [sflag:$0x5] =	stream.linear.gather @!p0 [hbm4b:s10+s12], $0x80, $0x38;
	[tilespmem:$0x1E400] =	vst v63  }
0xea: {  	_ =	swait.ge @!p0 [sflag:s13], $0x80  }
0xeb: {  	s10 =	simm.s32 @!p0 $0x50;
	[sflag:s13] =	ssyncset.done @!p0 $0x0  }
0xec: {  	s11 =	simm.s32 @!p0 $0x400;
	[sflag:s13] =	ssyncadd.s32 @!p0 $0xFFFFFF80;
	s13 =	simm.s32 @!p0 $0xE  }
0xed: {  	[tilespmem:s11], [sflag:$0x9] =	stream.indirect.gather @!p0 [hbm4b:s1+s10], $0x80, s12, s10, $0xb8;
	[tilespmem:$0x1E400] =	vst v63  }
0xee: {  	_ =	swait.ge @!p0 [sflag:s13], $0x2800  }
0xef: {  	[sflag:s13] =	ssyncset.done @!p0 $0x0  }
0xf0: {  	s11 =	sadd.s32 @!p0 $0xFFFFFFE0, s5;
	[sflag:s13] =	ssyncadd.s32 @!p0 $0xFFFFD800;
	s13 =	simm.s32 @!p0 $0x280  }
0xf1: {  	[tilespmem:s13], [sflag:$0x6] =	stream.linear.gather @!p0 [hbm4b:s11+s12], $0x80, $0x38;
	[tilespmem:$0x1E400] =	vst v63  }
0xf2: {  	_ =	swait.ge [sflag:s29], $0x80  }
0xf3: {  	[sflag:s29] =	ssyncset.done $0x0  }
0xf4: {  	s11 =	simm.s32 @p0 $0x3;
	[sflag:s29] =	ssyncadd.s32 $0xFFFFFF80  }
0xf5: {  	[tilespmem:s31], [sflag:$0xA] =	stream.indirect.gather [hbm4b:s1+s30], $0x80, s23, s30, $0xb8;
	[tilespmem:$0x1E400] =	vst v63  }
0xf6: {  	_ =	swait.ge @p0 [sflag:s11], $0x80  }
0xf7: {  	[sflag:s11] =	ssyncset.done @p0 $0x0  }
0xf8: {  	s13 =	simm.s32 @p0 $0x100;
	[sflag:s11] =	ssyncadd.s32 @p0 $0xFFFFFF80;
	s11 =	simm.s32 @p0 $0x5400  }
0xf9: {  	[tilespmem:s11], [sflag:$0xB] =	stream.indirect.gather @p0 [hbm4b:s1+s8], $0x80, s13, s8, $0xb8;
	[tilespmem:$0x1E400] =	vst v63  }
0xfa: {  	s8 =	simm.s32 @!p0 $0xF  }
0xfb: {  	_ =	swait.ge @!p0 [sflag:s8], $0x2800  }
0xfc: {  	s11 =	sadd.s32 @!p0 $0xFFFFFFF0, s5;
	[sflag:s8] =	ssyncset.done @!p0 $0x0  }
0xfd: {  	s13 =	simm.s32 @!p0 $0x300;
	[sflag:s8] =	ssyncadd.s32 @!p0 $0xFFFFD800;
	s8 =	simm.s32 @!p0 $0x3  }
0xfe: {  	[tilespmem:s13], [sflag:$0x7] =	stream.linear.gather @!p0 [hbm4b:s11+s12], $0x80, $0x38;
	[tilespmem:$0x1E400] =	vst v63  }
0xff: {  	_ =	swait.ge @!p0 [sflag:s8], $0x80  }
0x100: {  	s11 =	simm.s32 @!p0 $0x100;
	[sflag:s8] =	ssyncset.done @!p0 $0x0  }
0x101: {  	s13 =	simm.s32 @!p0 $0x5400;
	[sflag:s8] =	ssyncadd.s32 @!p0 $0xFFFFFF80;
	s8 =	simm.s32 @!p0 $0x10  }
0x102: {  	[tilespmem:s13], [sflag:$0xB] =	stream.indirect.gather @!p0 [hbm4b:s1+s10], $0x80, s11, s10, $0xb8;
	[tilespmem:$0x1E400] =	vst v63  }
0x103: {  	_ =	swait.ge @!p0 [sflag:s8], $0x2800  }
0x104: {  	[sflag:s8] =	ssyncset.done @!p0 $0x0  }
0x105: {  	s10 =	simm.s32 @!p0 $0x380;
	[sflag:s8] =	ssyncadd.s32 @!p0 $0xFFFFD800  }
0x106: {  	[tilespmem:s10], [sflag:$0x8] =	stream.linear.gather @!p0 [hbm4b:s5+s12], $0x80, $0x38;
	[tilespmem:$0x1E400] =	vst v63  }
0x107: {  	_ =	swait.ge [sflag:s0], $0x80  }
0x108: {  	[sflag:s0] =	ssyncset.done $0x0  }
0x109: {  	[sflag:s0] =	ssyncadd.s32 $0xFFFFFF80  }
0x10a: {  	[tilespmem:s4], [sflag:$0xC] =	stream.indirect.gather [hbm4b:s1+s30], $0x80, s28, s30, $0xb8;
	[tilespmem:$0x1E400] =	vst v63  }
0x10b: {  	p0 =	seq.s32 s16, $0x4180;
	_ =	swait.ge [sflag:s22], $0x2800  }
0x10c: {  	s5 =	simm.s32 @p0 $0x50;
	s8 =	sadd.s32 @!p0 $0xFFFFFE80, s16;
	[sflag:s22] =	ssyncset.done $0x0  }
0x10d: {  	s11 =	simm.s32 @p0 $0x5;
	s12 =	simm.s32 @p0 $0xA;
	[sflag:s22] =	ssyncadd.s32 $0xFFFFD800  }
0x10e: {  	s13 =	simm.s32 @p0 $0x400;
	s10 =	sand.u32 @!p0 $0x7C00, s8;
	_ =	swait.ge @p0 [sflag:s11], $0x80  }
0x10f: {  	s8 =	sand.u32 @!p0 $0x200, s8;
	s10 =	sadd.s32 @!p0 s7, s10;
	[sflag:s11] =	ssyncset.done @p0 $0x0  }
0x110: {  	s8 =	sor.u32 @!p0 s8, s10;
	s10 =	simm.s32 @p0 $0x200;
	[sflag:s11] =	ssyncadd.s32 @p0 $0xFFFFFF80  }
0x111: {  	[spmem:s3] =	stream.indirect.scatter.add.f32 @p0 [tilespmem:s13], [sflag:$0xD], $0x80, s10, s5, $0xb8;
	[tilespmem:$0x1E400] =	vst v63  }
0x112: {  	s8 =	sshrl.u32 @!p0 s8, $0x3;
	_ =	swait.ge @p0 [sflag:s12], $0x2800  }
0x113: {  	s8 =	sadd.s32 @!p0 s2, s8;
	[sflag:s12] =	ssyncset.done @p0 $0x0  }
0x114: {  	s11 =	simm.s32 @!p0 $0x5;
	s10 =	simm.s32 @!p0 $0x0;
	[sflag:s12] =	ssyncadd.s32 @p0 $0xFFFFD800  }
0x115: {  	[tilespmem:s10], [sflag:$0x1] =	stream.linear.gather @!p0 [hbm4b:s8+s10], $0x80, $0x38;
	[tilespmem:$0x1E400] =	vst v63  }
0x116: {  	_ =	swait.ge @!p0 [sflag:s11], $0x80  }
0x117: {  	s13 =	simm.s32 @!p0 $0x200;
	s12 =	simm.s32 @!p0 $0x50;
	[sflag:s11] =	ssyncset.done @!p0 $0x0  }
0x118: {  	s8 =	sadd.s32 @!p0 $0xFFFFFF00, s16;
	[sflag:s11] =	ssyncadd.s32 @!p0 $0xFFFFFF80;
	s11 =	simm.s32 @!p0 $0x400  }
0x119: {  	[spmem:s3] =	stream.indirect.scatter.add.f32 @!p0 [tilespmem:s11], [sflag:$0xD], $0x80, s13, s12, $0xb8;
	[tilespmem:$0x1E400] =	vst v63  }
0x11a: {  	s11 =	sand.u32 @!p0 $0x7C00, s8  }
0x11b: {  	s8 =	sand.u32 @!p0 $0x280, s8;
	s13 =	simm.s32 @!p0 $0xA;
	s11 =	sadd.s32 @!p0 s7, s11  }
0x11c: {  	_ =	swait.ge @!p0 [sflag:s13], $0x2800;
	s8 =	sor.u32 @!p0 s8, s11  }
0x11d: {  	[sflag:s13] =	ssyncset.done @!p0 $0x0;
	s8 =	sshrl.u32 @!p0 s8, $0x3  }
0x11e: {  	s11 =	simm.s32 @!p0 $0x80;
	[sflag:s13] =	ssyncadd.s32 @!p0 $0xFFFFD800;
	s8 =	sadd.s32 @!p0 s2, s8  }
0x11f: {  	[tilespmem:s11], [sflag:$0x2] =	stream.linear.gather @!p0 [hbm4b:s8+s10], $0x80, $0x38;
	[tilespmem:$0x1E400] =	vst v63  }
0x120: {  	_ =	swait.ge [sflag:s25], $0x80  }
0x121: {  	[sflag:s25] =	ssyncset.done $0x0  }
0x122: {  	[sflag:s25] =	ssyncadd.s32 $0xFFFFFF80  }
0x123: {  	[spmem:s3] =	stream.indirect.scatter.add.f32 [tilespmem:s31], [sflag:$0xE], $0x80, s24, s30, $0xb8;
	[tilespmem:$0x1E400] =	vst v63  }
0x124: {  	_ =	swait.ge [sflag:s26], $0x2800  }
0x125: {  	[sflag:s26] =	ssyncset.done $0x0  }
0x126: {  	s8 =	simm.s32 @p0 $0x7;
	[sflag:s26] =	ssyncadd.s32 $0xFFFFD800  }
0x127: {  	_ =	swait.ge @p0 [sflag:s8], $0x80  }
0x128: {  	[sflag:s8] =	ssyncset.done @p0 $0x0  }
0x129: {  	s11 =	simm.s32 @p0 $0x5400;
	[sflag:s8] =	ssyncadd.s32 @p0 $0xFFFFFF80;
	s8 =	simm.s32 @p0 $0x300  }
0x12a: {  	[spmem:s3] =	stream.indirect.scatter.add.f32 @p0 [tilespmem:s11], [sflag:$0xF], $0x80, s8, s5, $0xb8;
	[tilespmem:$0x1E400] =	vst v63  }
0x12b: {  	s5 =	sadd.s32 @!p0 $0xFFFFFF80, s16  }
0x12c: {  	s8 =	sand.u32 @!p0 $0x7C00, s5  }
0x12d: {  	s11 =	simm.s32 @p0 $0xC;
	s5 =	sand.u32 @!p0 $0x300, s5;
	s8 =	sadd.s32 @!p0 s7, s8  }
0x12e: {  	_ =	swait.ge @p0 [sflag:s11], $0x2800;
	s5 =	sor.u32 @!p0 s5, s8  }
0x12f: {  	[sflag:s11] =	ssyncset.done @p0 $0x0;
	s5 =	sshrl.u32 @!p0 s5, $0x3  }
0x130: {  	[sflag:s11] =	ssyncadd.s32 @p0 $0xFFFFD800;
	s8 =	simm.s32 @!p0 $0x100;
	s5 =	sadd.s32 @!p0 s2, s5  }
0x131: {  	[tilespmem:s8], [sflag:$0x3] =	stream.linear.gather @!p0 [hbm4b:s5+s10], $0x80, $0x38;
	[tilespmem:$0x1E400] =	vst v63  }
0x132: {  	s5 =	simm.s32 @!p0 $0x7  }
0x133: {  	_ =	swait.ge @!p0 [sflag:s5], $0x80  }
0x134: {  	[sflag:s5] =	ssyncset.done @!p0 $0x0  }
0x135: {  	s8 =	simm.s32 @!p0 $0x300;
	[sflag:s5] =	ssyncadd.s32 @!p0 $0xFFFFFF80;
	s5 =	simm.s32 @!p0 $0x5400  }
0x136: {  	[spmem:s3] =	stream.indirect.scatter.add.f32 @!p0 [tilespmem:s5], [sflag:$0xF], $0x80, s8, s12, $0xb8;
	[tilespmem:$0x1E400] =	vst v63  }
0x137: {  	s5 =	sand.u32 @!p0 $0x7C00, s16  }
0x138: {  	s11 =	simm.s32 @!p0 $0xC;
	s8 =	sand.u32 @!p0 $0x380, s16;
	s5 =	sadd.s32 @!p0 s7, s5  }
0x139: {  	_ =	swait.ge @!p0 [sflag:s11], $0x2800;
	s5 =	sor.u32 @!p0 s8, s5  }
0x13a: {  	[sflag:s11] =	ssyncset.done @!p0 $0x0;
	s5 =	sshrl.u32 @!p0 s5, $0x3  }
0x13b: {  	s8 =	simm.s32 @!p0 $0x180;
	[sflag:s11] =	ssyncadd.s32 @!p0 $0xFFFFD800;
	s5 =	sadd.s32 @!p0 s2, s5  }
0x13c: {  	[tilespmem:s8], [sflag:$0x4] =	stream.linear.gather @!p0 [hbm4b:s5+s10], $0x80, $0x38;
	[tilespmem:$0x1E400] =	vst v63  }
0x13d: {  	_ =	swait.ge [sflag:s6], $0x80  }
0x13e: {  	[sflag:s6] =	ssyncset.done $0x0  }
0x13f: {  	s15 =	simm.s32 $0xD;
	[sflag:s6] =	ssyncadd.s32 $0xFFFFFF80  }
0x140: {  	[spmem:s3] =	stream.indirect.scatter.add.f32 [tilespmem:s4], [sflag:$0x10], $0x80, s9, s30, $0xb8;
	[tilespmem:$0x1E400] =	vst v63  }
0x141: {  	_ =	swait.ge [sflag:s15], $0x2800  }
0x142: {  	[sflag:s15] =	ssyncset.done $0x0  }
0x143: {  	s16 =	simm.s32 $0xE;
	[sflag:s15] =	ssyncadd.s32 $0xFFFFD800  }
0x144: {  	_ =	swait.ge [sflag:s16], $0x2800  }
0x145: {  	[sflag:s16] =	ssyncset.done $0x0  }
0x146: {  	s17 =	simm.s32 $0xF;
	[sflag:s16] =	ssyncadd.s32 $0xFFFFD800  }
0x147: {  	_ =	swait.ge [sflag:s17], $0x2800  }
0x148: {  	[sflag:s17] =	ssyncset.done $0x0  }
0x149: {  	s18 =	simm.s32 $0x10;
	[sflag:s17] =	ssyncadd.s32 $0xFFFFD800  }
0x14a: {  	_ =	swait.ge [sflag:s18], $0x2800  }
0x14b: {  	[sflag:s18] =	ssyncset.done $0x0  }
0x14c: {  	[sflag:s18] =	ssyncadd.s32 $0xFFFFD800  }
0x14d: {  	[bflag:$0x0] =	sbarrier.arrive $0xFFFF  }
0x14e: {  	s11 =	rddreg [dreg:$0x6]  }
0x14f: {  	s19 =	rddreg [dreg:$0xf]  }
0x150: {  	s10 =	simm.s32 $0x11;
	s8 =	rddreg [dreg:$0x12]  }
0x151: {  	[hbm:s19], [sflag:s11] =	dma.local [spmem:s8], $0x2800  }
0x152: {  	_ =	swait.ge [sflag:s10], $0x2800  }
0x153: {  	s20 =	rddreg [dreg:$0x13]  }
0x154: {  	s21 =	rddreg [dreg:$0x10];
	s12 =	sadd.s32 $0x1, s20  }
0x155: {  	p0 =	sne.s32 s12, s21  }
.Ltmp1:
0x156: {  	_ = 	snop;
	(pc) =	sbr.rel @p0 .LBB2_1-.Ltmp1, $3  }
0x157: {  	_ =	sdelay $0x1  }
0x158: {  	[sflag:s10] =	ssyncset.done $0x0  }
0x159: {  	[sflag:s10] =	ssyncadd.s32 $0xFFFFD800  }
0x15a: {  	_ =	sfence.sel $0x180000  }
0x15b: {  	[bflag:$0x0] =	sbarrier.arrive $0xFFFF  }
0x15c: {  	_ =	strace $0x9000004A  }
0x15d: {  	s0 =	stileid.u32;
	[bflag:$0x2] =	sbarrier.arrive $0xFFFF  }
0x15e: {  	p0 =	sne.s32 s0, $0x0;
	s0 =	rddreg [dreg:$0x4]  }
0x15f: {  	s0 =	sadd.s32 @!p0 $0x100000, s0  }
0x160: {  	[sflag:s0] =	ssyncadd.tile.s32 @!p0 $0x1;
	_ =	shalt  }
.Lfunc_end2:
_tile_overlayer_lowered:
.L_overlay_start_2:
0x161: {  	(tag) =	ssettag $0x2  }
0x162: {  	s0 =	rddreg [dreg:$0x0];
	s2 =	stileid.u32  }
0x163: {  	s1 =	rddreg [dreg:$0x1];
	p0 =	sne.s32 s2, $0x0  }
0x164: {  	s3 =	rddreg [dreg:$0x2];
	[bflag:$0x3] =	sbarrier.arrive $0xFFFF;
	s2 =	simm.s32 @!p0 $0x1C11  }
0x165: {  	[timem:s3], [sflag:s2] =	dma.local @!p0 [hbm:s0], s1  }
0x166: {  	s0 =	simm.s32 @!p0 $0x11  }
0x167: {  	_ =	swait.ge @!p0 [sflag:s0], s1  }
0x168: {  	s1 =	ssub.s32 @!p0 $0x0, s1;
	[sflag:s0] =	ssyncset.done @!p0 $0x0  }
0x169: {  	[sflag:s0] =	ssyncadd.s32 @!p0 s1  }
0x16a: {  	[bflag:$0x3] =	sbarrier.arrive $0xFFFF  }
0x16b: {  	_ =	shalt  }

// kernel: kernel.14.cloned.1.call-start
scs
__scs_entry_jumppad:
0x0: {  	(pc) =	sbr.rel $0x88, $3  }
0x1: {  	(tag) =	ssettag $0x0;
	lr =	simm.s32 $0x1  }
0x2: {  	[smem:$0x3F9D] =	sst lr;
	_ =	strace $0xD0000000  }
0x3: {  	_ = 	snop  }
0x4: {  	_ = 	snop  }
0x5: {  	_ = 	snop  }
0x6: {  	_ = 	snop  }
0x7: {  	_ = 	snop  }
__scs_overlays_trampoline_lowered:
0x8: {  	[smem:$0x3FAC] =	sst s0  }
0x9: {  	[smem:$0x3FAD] =	sst s1  }
0xa: {  	[smem:$0x3FAE] =	sst s2  }
0xb: {  	[smem:$0x3FAF] =	sst s3  }
0xc: {  	[smem:$0x3FB0] =	sst s4  }
0xd: {  	[smem:$0x3FB1] =	sst s5  }
0xe: {  	[smem:$0x3FB2] =	sst s6  }
0xf: {  	[smem:$0x3FB3] =	sst s7  }
0x10: {  	[smem:$0x3FB4] =	sst s8  }
0x11: {  	[smem:$0x3FB5] =	sst s9;
	s0 =	simm.s32 @!p0 $0x0  }
0x12: {  	s1 =	sld [smem:$0x3F9B];
	s0 =	simm.s32 @p0 $0x1  }
0x13: {  	[smem:$0x3FB6] =	sst s0;
	s0 =	simm.s32 @!p1 $0x0  }
0x14: {  	s2 =	sld [smem:$0x3F9A];
	s0 =	simm.s32 @p1 $0x1  }
0x15: {  	[smem:$0x3FB7] =	sst s0;
	s0 =	simm.s32 @!p2 $0x0  }
0x16: {  	s3 =	sld [smem:$0x3FDB];
	s0 =	simm.s32 @p2 $0x1  }
0x17: {  	s4 =	simm.s32 $0x1BF5;
	[smem:$0x3FB9] =	sst s0  }
0x18: {  	s0 =	sld [smem:$0x3F9C];
	_ =	swait.ge [sflag:s4], $0x0  }
0x19: {  	s7 =	sld [smem:$0x3F9D]  }
0x1a: {  	s8 =	sadd.s32 $0xFFFFE003, lr  }
0x1b: {  	s9 =	sadd.s32 $0xFFFFFEF7, lr;
	s5 =	simm.s32 $0xFFFFFFFF;
	p2 =	slt.u32 s8, $0xFFFFF086  }
0x1c: {  	p1 =	slt.u32 s9, $0xF7A;
	s5 =	simm.s32 @!p2 $0x0  }
0x1d: {  	s5 =	simm.s32 @p1 $0x1;
	p0 =	seq.s32 s7, s2  }
0x1e: {  	s7 =	smul.u32 @!p0 $0xF7A, s2;
	p2 =	seq.s32 @!p0 s5, $0x0  }
0x1f: {  	s9 =	smul.u32 $0xF7A, s1;
	s8 =	simm.s32 @!p0 $0x1BF5;
	p2 =	por !p2, p0  }
0x20: {  	[sflag:s8] =	ssyncset.s32 @!p0 $0xFFFFF086;
	s6 =	sadd.s32 @!p0 s3, s7;
	s7 =	simm.s32 @!p0 $0x108  }
0x21: {  	s3 =	sadd.s32 s3, s9;
	s6 =	sadd.s32 @!p0 $0x88, s6;
	s7 =	simm.s32 @p2 $0x1082  }
0x22: {  	[simem:s7], [sflag:s8] =	dma.local @!p0 [hbm:s6], $0xF7A  }
0x23: {  	s9 =	sor.u32 $0xD0000000, s2;
	s6 =	simm.s32 $0x108;
	_ =	swait.ge @!p0 [sflag:s8], $0x0  }
0x24: {  	s3 =	sadd.s32 $0x88, s3;
	s6 =	simm.s32 @!p1 $0x1082;
	[sflag:s4] =	ssyncset.s32 $0xFFFFF086  }
0x25: {  	[simem:s6], [sflag:s4] =	dma.local [hbm:s3], $0xF7A  }
0x26: {  	[smem:$0x3F9D] =	sst s1;
	(tag) =	ssettag s2;
	_ =	strace s9  }
0x27: {  	s1 =	sld [smem:$0x3FAD]  }
0x28: {  	s2 =	sld [smem:$0x3FAE]  }
0x29: {  	s4 =	sld [smem:$0x3FB0]  }
0x2a: {  	p0 =	seq.s32 s5, $0x0;
	s5 =	sld [smem:$0x3FB1]  }
0x2b: {  	s6 =	sld [smem:$0x3FB2]  }
0x2c: {  	s7 =	sld [smem:$0x3FB3]  }
0x2d: {  	s3 =	simm.s32 $0x108;
	s8 =	sld [smem:$0x3FB4]  }
0x2e: {  	s3 =	simm.s32 @!p0 $0x1082;
	s9 =	sld [smem:$0x3FB5]  }
0x2f: {  	lr =	sadd.s32 s0, s3;
	s0 =	sld [smem:$0x3FAC]  }
0x30: {  	s3 =	sld [smem:$0x3FAF]  }
0x31: {  	[smem:$0x3FB8] =	sst s10  }
0x32: {  	s10 =	sld [smem:$0x3FB6];
	_ =	sdelay $0x3  }
0x33: {  	p0 =	seq.s32 s10, $0x1;
	s10 =	sld [smem:$0x3FB8];
	_ =	sdelay $0x3  }
0x34: {  	[smem:$0x3FB8] =	sst s10  }
0x35: {  	s10 =	sld [smem:$0x3FB7];
	_ =	sdelay $0x3  }
0x36: {  	p1 =	seq.s32 s10, $0x1;
	s10 =	sld [smem:$0x3FB8];
	_ =	sdelay $0x3  }
0x37: {  	[smem:$0x3FB8] =	sst s10  }
0x38: {  	s10 =	sld [smem:$0x3FB9]  }
0x39: {  	_ = 	snop;
	(pc) =	sbr.ind lr, $3  }
0x3a: {  	_ = 	snop  }
0x3b: {  	_ = 	snop  }
0x3c: {  	p2 =	seq.s32 s10, $0x1;
	s10 =	sld [smem:$0x3FB8]  }
0x3d: {  	_ =	shalt  }
0x3e: {  	_ =	shalt  }
0x3f: {  	_ =	shalt  }
0x40: {  	_ =	shalt  }
0x41: {  	_ =	shalt  }
0x42: {  	_ =	shalt  }
0x43: {  	_ =	shalt  }
0x44: {  	_ =	shalt  }
0x45: {  	_ =	shalt  }
0x46: {  	_ =	shalt  }
0x47: {  	_ =	shalt  }
0x48: {  	_ =	shalt  }
0x49: {  	_ =	shalt  }
0x4a: {  	_ =	shalt  }
0x4b: {  	_ =	shalt  }
0x4c: {  	_ =	shalt  }
0x4d: {  	_ =	shalt  }
0x4e: {  	_ =	shalt  }
0x4f: {  	_ =	shalt  }
0x50: {  	_ =	shalt  }
0x51: {  	_ =	shalt  }
0x52: {  	_ =	shalt  }
0x53: {  	_ =	shalt  }
0x54: {  	_ =	shalt  }
0x55: {  	_ =	shalt  }
0x56: {  	_ =	shalt  }
0x57: {  	_ =	shalt  }
0x58: {  	_ =	shalt  }
0x59: {  	_ =	shalt  }
0x5a: {  	_ =	shalt  }
0x5b: {  	_ =	shalt  }
0x5c: {  	_ =	shalt  }
0x5d: {  	_ =	shalt  }
0x5e: {  	_ =	shalt  }
0x5f: {  	_ =	shalt  }
0x60: {  	_ =	shalt  }
0x61: {  	_ =	shalt  }
0x62: {  	_ =	shalt  }
0x63: {  	_ =	shalt  }
0x64: {  	_ =	shalt  }
0x65: {  	_ =	shalt  }
0x66: {  	_ =	shalt  }
0x67: {  	_ =	shalt  }
0x68: {  	_ =	shalt  }
0x69: {  	_ =	shalt  }
0x6a: {  	_ =	shalt  }
0x6b: {  	_ =	shalt  }
0x6c: {  	_ =	shalt  }
0x6d: {  	_ =	shalt  }
0x6e: {  	_ =	shalt  }
0x6f: {  	_ =	shalt  }
0x70: {  	_ =	shalt  }
0x71: {  	_ =	shalt  }
0x72: {  	_ =	shalt  }
0x73: {  	_ =	shalt  }
0x74: {  	_ =	shalt  }
0x75: {  	_ =	shalt  }
0x76: {  	_ =	shalt  }
0x77: {  	_ =	shalt  }
0x78: {  	_ =	shalt  }
0x79: {  	_ =	shalt  }
0x7a: {  	_ =	shalt  }
0x7b: {  	_ =	shalt  }
0x7c: {  	_ =	shalt  }
0x7d: {  	_ =	shalt  }
0x7e: {  	_ =	shalt  }
0x7f: {  	_ =	shalt  }
0x80: {  	_ =	shalt  }
0x81: {  	_ =	shalt  }
0x82: {  	_ =	shalt  }
0x83: {  	_ =	shalt  }
0x84: {  	_ =	shalt  }
0x85: {  	_ =	shalt  }
0x86: {  	_ =	shalt  }
0x87: {  	_ =	shalt  }
.Lfunc_end0:
.L_simem_size_0:
called_computation.2_lowered:
.L_overlay_start_0:
0x88: {  	s2 =	sld [smem:$0x3FD9]  }
0x89: {  	s3 =	sld [smem:$0x3FFE];
	_ =	sdelay $0x1  }
0x8a: {  	s1 =	srdreg.scid  }
0x8b: {  	s0 =	sand.u32 $0x1, s1  }
0x8c: {  	s14 =	sshll.u32 s0, $0xA;
	s2 =	sadd.s32 s3, s2  }
0x8d: {  	s2 =	sadd.s32 s2, s14  }
0x8e: {  	[smem:$0x3FC4] =	sst s2  }
0x8f: {  	_ = 	snop  }
0x90: {  	s2 =	sld [smem:$0x3FD0];
	_ =	sdelay $0x2  }
0x91: {  	s15 =	simm.s32 $0xA;
	s4 =	simm.s32 $0x10  }
0x92: {  	[smem:s4], [sflag:s15] =	dma.local [hbm:s2], $0x1  }
0x93: {  	_ =	swait.eq [sflag:s15], $0x1  }
0x94: {  	[sflag:s15] =	ssyncset.done $0x0  }
0x95: {  	s16 =	sld [smem:$0x10];
	[sflag:s15] =	ssyncadd.s32 $0xFFFFFFFF  }
0x96: {  	s17 =	sld [smem:$0x11];
	(tm) =	ssettm $0x1  }
0x97: {  	s18 =	sld [smem:$0x3FFB];
	_ =	sdelay $0x3  }
0x98: {  	_ =	strace s18  }
0x99: {  	s4 =	sld [smem:$0x3FFC];
	_ =	sdelay $0x3  }
0x9a: {  	_ =	strace s4  }
0x9b: {  	s4 =	sld [smem:$0x3FFD];
	_ =	sdelay $0x3  }
0x9c: {  	_ =	strace s4  }
0x9d: {  	_ =	strace $0x8FFFFFFF  }
0x9e: {  	s19 =	sld [smem:$0x3FDB];
	_ =	sdelay $0x1  }
0x9f: {  	s5 =	simm.s32 $_scs_section_size  }
0xa0: {  	s6 =	simm.s32 $_size__tile_overlayer_lowered;
	s7 =	simm.s32 $_tile_overlayer_lowered  }
0xa1: {  	s22 =	simm.s32 $0x1BFF;
	s21 =	sshll.u32 s7, $0x1;
	s4 =	sadd.s32 s5, s19  }
0xa2: {  	s8 =	simm.s32 $0x0;
	s20 =	sshll.u32 s6, $0x1;
	s6 =	sadd.s32 s21, s4  }
0xa3: {  	[timem:s8], [sflag:s22] =	dma.local [hbm:s6], s20  }
0xa4: {  	_ =	swait.ge [sflag:s22], s20  }
0xa5: {  	s5 =	ssub.s32 $0x0, s20;
	[sflag:s22] =	ssyncset.done $0x0  }
0xa6: {  	[sflag:s22] =	ssyncadd.s32 s5;
	_ =	sdelay $0x1  }
0xa7: {  	s23 =	simm.s32 $0x1B8B  }
0xa8: {  	_ =	swait.ge [sflag:s23], $0x1  }
0xa9: {  	[sflag:s23] =	ssyncset.done $0x0  }
0xaa: {  	s25 =	simm.s32 $0x1B8E;
	s24 =	sld [smem:$0x3FFE];
	[sflag:s23] =	ssyncadd.s32 $0xFFFFFFFF  }
0xab: {  	s26 =	simm.s32 $execute0_lowered;
	[smem:$0x3FD2] =	sst s25  }
0xac: {  	s6 =	sshll.u32 s26, $0x1;
	_ =	strace $0x8000004C;
	[dreg:$0x1] =	wrdreg $0xFFFFFFFF  }
0xad: {  	s28 =	simm.s32 $_size_execute0_lowered;
	s4 =	sadd.s32 s4, s6;
	[dreg:$0x0] =	wrdreg $0x0  }
0xae: {  	s6 =	sshll.u32 s28, $0x1;
	[dreg:$0x2] =	wrdreg s4  }
0xaf: {  	[dreg:$0x3] =	wrdreg s6  }
0xb0: {  	[dreg:$0x4] =	wrdreg $0xC0  }
0xb1: {  	_ =	task [dreg:s8], $0x5FFFF  }
0xb2: {  	[dreg:$0x1] =	wrdreg $0xFFFFFFFF  }
0xb3: {  	[dreg:$0x0] =	wrdreg $0x60  }
0xb4: {  	[dreg:$0x2] =	wrdreg s17  }
0xb5: {  	[dreg:$0x3] =	wrdreg s16  }
0xb6: {  	[dreg:$0x4] =	wrdreg s24  }
0xb7: {  	[dreg:$0x5] =	wrdreg $0xA4000  }
0xb8: {  	[dreg:$0x6] =	wrdreg $0x9  }
0xb9: {  	_ =	task.clear_ibuf [dreg:s8], $0x7FFFF;
	_ =	strace $0x9000004C  }
0xba: {  	s29 =	simm.s32 $0x9;
	_ =	strace $0x8000004E  }
0xbb: {  	_ =	swait.ge [sflag:s29], $0x1  }
0xbc: {  	[sflag:s29] =	ssyncadd.s32 $0xFFFFFFFF  }
0xbd: {  	_ =	strace $0x9000004E  }
0xbe: {  	_ =	sfence  }
0xbf: {  	s30 =	sld [smem:$0x0];
	_ =	sdelay $0x2  }
0xc0: {  	s31 =	sshll.u32 s1, $0xD;
	s1 =	sshrl.u32 s1, $0x2  }
0xc1: {  	s3 =	sand.u32 $0x4000, s31;
	s1 =	sadd.s32 s1, s30  }
0xc2: {  	s0 =	sor.u32 s3, s0;
	s1 =	sshll.u32 s1, $0x11  }
0xc3: {  	s0 =	sor.u32 s1, s0  }
0xc4: {  	s0 =	sadd.s32 $0x8F2B, s0  }
0xc5: {  	[sflag:s0] =	ssyncadd.remote.s32 $0x1  }
0xc6: {  	_ =	sfence.sel $0xFFFF  }
0xc7: {  	[dreg:$0x0] =	wrdreg $0xFFFFFFFF;
	(pc) =	sbr.abs _section_cstart, $3  }
0xc8: {  	[dreg:$0x1] =	wrdreg $0xFFFFFFFF  }
0xc9: {  	_ =	task.clear_ibuf [dreg:s8], $0x2FFFF;
	_ =	strace $0x9FFFFFFF  }
0xca: {  	(tm) =	ssettm $0x7FFFFFFF  }
0xcb: {  	_ =	shalt  }
tec
execute0_lowered:
.L_overlay_start_1:
0x0: {  	(tag) =	ssettag $0x1  }
0x1: {  	s1 =	rddreg [dreg:$0x0]  }
0x2: {  	s2 =	rddreg [dreg:$0x1]  }
0x3: {  	s0 =	rddreg [dreg:$0x2]  }
0x4: {  	s3 =	rddreg [dreg:$0x3]  }
0x5: {  	s4 =	srdreg.scid;
	s7 =	simm.s32 $0x0;
	s5 =	stileid.u32  }
0x6: {  	s28 =	simm.s32 $0x180;
	s29 =	simm.s32 $0x2;
	s30 =	simm.s32 $0x50  }
0x7: {  	s31 =	simm.s32 $0x2C00;
	s4 =	sand.u32 $0x1, s4;
	[smem:$0x7FF] =	sst s7  }
0x8: {  	s12 =	smul.u32 $0x14000, s5;
	s8 =	sadd.s32 $0x56400, s0;
	s9 =	sadd.s32 $0x3C00, s0  }
0x9: {  	s10 =	smul.u32 $0x50000, s5;
	s11 =	sshll.u32 s5, $0xE;
	s17 =	sshll.u32 s5, $0x6  }
0xa: {  	s6 =	smul.u32 $0x140000, s4;
	_ =	strace $0x8000004D;
	s13 =	ssub.s32 $0x2, s4  }
0xb: {  	[dreg:$0x5] =	wrdreg s9;
	s4 =	sshll.u32 s4, $0x12;
	s14 =	sshrl.u32 s13, $0x1  }
0xc: {  	s7 =	sor.u32 s11, s4;
	s16 =	sshrl.u32 s10, $0x2;
	s11 =	sor.u32 $0x1C11, s17  }
0xd: {  	s6 =	sadd.s32 s12, s6;
	s15 =	ssub.s32 s13, s14;
	s18 =	sshrl.u32 s7, $0x3  }
0xe: {  	s4 =	sadd.s32 s16, s3;
	[dreg:$0x6] =	wrdreg s11;
	s6 =	sshrl.u32 s6, $0x3  }
0xf: {  	s19 =	sor.u32 $0x10, s18;
	s20 =	sadd.s32 s2, s18;
	s21 =	sadd.s32 s18, s8  }
0x10: {  	s22 =	sor.u32 $0x20, s18;
	s25 =	smax.u32 s15, $0x1;
	[dreg:$0x7] =	wrdreg s20  }
0x11: {  	s10 =	sor.u32 $0x30, s18;
	s0 =	sadd.s32 s6, s0;
	[dreg:$0x10] =	wrdreg s25  }
0x12: {  	s12 =	sadd.s32 s2, s19;
	s9 =	sadd.s32 s8, s19;
	[dreg:$0x8] =	wrdreg s21  }
0x13: {  	s23 =	sadd.s32 s2, s22;
	s24 =	sadd.s32 s2, s10;
	[dreg:$0x9] =	wrdreg s12  }
0x14: {  	s26 =	sadd.s32 $0x30, s21;
	s25 =	simm.s32 $0x6;
	[dreg:$0xa] =	wrdreg s9  }
0x15: {  	s6 =	simm.s32 $0x8;
	[dreg:$0xb] =	wrdreg s23;
	s9 =	sadd.s32 s8, s22  }
0x16: {  	[dreg:$0xd] =	wrdreg s24;
	s8 =	sadd.s32 s8, s10;
	s0 =	sadd.s32 $0x66400, s0  }
0x17: {  	[dreg:$0x11] =	wrdreg s26;
	s10 =	simm.s32 $0x11;
	s23 =	simm.s32 $0x80  }
0x18: {  	s24 =	simm.s32 $0x280;
	s22 =	simm.s32 $0x9;
	[dreg:$0xc] =	wrdreg s9  }
0x19: {  	s26 =	simm.s32 $0xB;
	s12 =	simm.s32 $0x0;
	[dreg:$0xe] =	wrdreg s8  }
0x1a: {  	[dreg:$0xf] =	wrdreg s0;
	s8 =	sshrl.u32 s4, $0x3;
	s0 =	simm.s32 $0x4  }
0x1b: {  	s4 =	simm.s32 $0x7C00;
	s9 =	simm.s32 $0x380;
	[dreg:$0x12] =	wrdreg s8  }
.LBB2_1:
0x1c: {  	[dreg:$0x13] =	wrdreg s12  }
0x1d: {  	s5 =	rddreg [dreg:$0x5]  }
0x1e: {  	[spmem:s8], [sflag:s11] =	dma.local [hbm:s5], $0x2800  }
0x1f: {  	_ =	swait.ge [sflag:s10], $0x2800  }
0x20: {  	[sflag:s10] =	ssyncset.done $0x0  }
0x21: {  	s5 =	simm.s32 $0x0;
	s11 =	rddreg [dreg:$0x7];
	[sflag:s10] =	ssyncadd.s32 $0xFFFFD800  }
0x22: {  	[tilespmem:s5], [sflag:$0x1] =	stream.linear.gather [hbm4b:s11+s5], $0x80, $0x38;
	[tilespmem:$0x1E400] =	vst v63  }
0x23: {  	s13 =	simm.s32 $0x200;
	s12 =	rddreg [dreg:$0x8]  }
0x24: {  	[tilespmem:s13], [sflag:$0x5] =	stream.linear.gather [hbm4b:s12+s5], $0x80, $0x38;
	[tilespmem:$0x1E400] =	vst v63  }
0x25: {  	s14 =	rddreg [dreg:$0x9]  }
0x26: {  	[tilespmem:s23], [sflag:$0x2] =	stream.linear.gather [hbm4b:s14+s5], $0x80, $0x38;
	[tilespmem:$0x1E400] =	vst v63  }
0x27: {  	s15 =	rddreg [dreg:$0xa]  }
0x28: {  	[tilespmem:s24], [sflag:$0x6] =	stream.linear.gather [hbm4b:s15+s5], $0x80, $0x38;
	[tilespmem:$0x1E400] =	vst v63  }
0x29: {  	s17 =	simm.s32 $0x100;
	s16 =	rddreg [dreg:$0xb]  }
0x2a: {  	[tilespmem:s17], [sflag:$0x3] =	stream.linear.gather [hbm4b:s16+s5], $0x80, $0x38;
	[tilespmem:$0x1E400] =	vst v63  }
0x2b: {  	s19 =	simm.s32 $0x300;
	s18 =	rddreg [dreg:$0xc]  }
0x2c: {  	[tilespmem:s19], [sflag:$0x7] =	stream.linear.gather [hbm4b:s18+s5], $0x80, $0x38;
	[tilespmem:$0x1E400] =	vst v63  }
0x2d: {  	s20 =	rddreg [dreg:$0xd]  }
0x2e: {  	[tilespmem:s28], [sflag:$0x4] =	stream.linear.gather [hbm4b:s20+s5], $0x80, $0x38;
	[tilespmem:$0x1E400] =	vst v63  }
0x2f: {  	p0 =	por $0x1, $0x1;
	s21 =	rddreg [dreg:$0xe]  }
0x30: {  	[tilespmem:s9], [sflag:$0x8] =	stream.linear.gather [hbm4b:s21+s5], $0x80, $0x38;
	[tilespmem:$0x1E400] =	vst v63  }
0x31: {  	s8 =	simm.s32 @p0 $0x1;
	[bflag:$0x0] =	sbarrier.arrive $0xFFFF  }
0x32: {  	_ =	swait.ge @p0 [sflag:s8], $0x80  }
0x33: {  	s10 =	simm.s32 @p0 $0x50;
	s11 =	simm.s32 @p0 $0x0;
	[sflag:s8] =	ssyncset.done @p0 $0x0  }
0x34: {  	s12 =	simm.s32 @!p0 $0xD;
	[sflag:s8] =	ssyncadd.s32 @p0 $0xFFFFFF80;
	s8 =	simm.s32 @p0 $0x400  }
0x35: {  	[tilespmem:s8], [sflag:$0x9] =	stream.indirect.gather @p0 [hbm4b:s1+s10], $0x80, s11, s10, $0xb8;
	[tilespmem:$0x1E400] =	vst v63  }
0x36: {  	s13 =	simm.s32 @!p0 $0x1;
	_ =	swait.ge @!p0 [sflag:s12], $0x2800  }
0x37: {  	s11 =	simm.s32 @!p0 $0x0;
	s5 =	rddreg [dreg:$0x11];
	[sflag:s12] =	ssyncset.done @!p0 $0x0  }
0x38: {  	s8 =	sadd.s32 @!p0 $0xFFFFFFD0, s5;
	[sflag:s12] =	ssyncadd.s32 @!p0 $0xFFFFD800;
	s12 =	simm.s32 @!p0 $0x200  }
0x39: {  	[tilespmem:s12], [sflag:$0x5] =	stream.linear.gather @!p0 [hbm4b:s8+s11], $0x80, $0x38;
	[tilespmem:$0x1E400] =	vst v63  }
0x3a: {  	_ =	swait.ge @!p0 [sflag:s13], $0x80  }
0x3b: {  	s8 =	simm.s32 @!p0 $0x50;
	[sflag:s13] =	ssyncset.done @!p0 $0x0  }
0x3c: {  	s12 =	simm.s32 @!p0 $0x400;
	[sflag:s13] =	ssyncadd.s32 @!p0 $0xFFFFFF80;
	s13 =	simm.s32 @!p0 $0xE  }
0x3d: {  	[tilespmem:s12], [sflag:$0x9] =	stream.indirect.gather @!p0 [hbm4b:s1+s8], $0x80, s11, s8, $0xb8;
	[tilespmem:$0x1E400] =	vst v63  }
0x3e: {  	_ =	swait.ge @!p0 [sflag:s13], $0x2800  }
0x3f: {  	[sflag:s13] =	ssyncset.done @!p0 $0x0  }
0x40: {  	s14 =	simm.s32 @!p0 $0x280;
	s12 =	sadd.s32 @!p0 $0xFFFFFFE0, s5;
	[sflag:s13] =	ssyncadd.s32 @!p0 $0xFFFFD800  }
0x41: {  	[tilespmem:s14], [sflag:$0x6] =	stream.linear.gather @!p0 [hbm4b:s12+s11], $0x80, $0x38;
	[tilespmem:$0x1E400] =	vst v63  }
0x42: {  	_ =	swait.ge [sflag:s29], $0x80  }
0x43: {  	[sflag:s29] =	ssyncset.done $0x0  }
0x44: {  	s12 =	simm.s32 @p0 $0x3;
	[sflag:s29] =	ssyncadd.s32 $0xFFFFFF80  }
0x45: {  	[tilespmem:s31], [sflag:$0xA] =	stream.indirect.gather [hbm4b:s1+s30], $0x80, s23, s30, $0xb8;
	[tilespmem:$0x1E400] =	vst v63  }
0x46: {  	_ =	swait.ge @p0 [sflag:s12], $0x80  }
0x47: {  	s13 =	simm.s32 @p0 $0x100;
	[sflag:s12] =	ssyncset.done @p0 $0x0  }
0x48: {  	s14 =	simm.s32 @p0 $0x5400;
	[sflag:s12] =	ssyncadd.s32 @p0 $0xFFFFFF80;
	s12 =	simm.s32 @!p0 $0xF  }
0x49: {  	[tilespmem:s14], [sflag:$0xB] =	stream.indirect.gather @p0 [hbm4b:s1+s10], $0x80, s13, s10, $0xb8;
	[tilespmem:$0x1E400] =	vst v63  }
0x4a: {  	_ =	swait.ge @!p0 [sflag:s12], $0x2800  }
0x4b: {  	s10 =	sadd.s32 @!p0 $0xFFFFFFF0, s5;
	[sflag:s12] =	ssyncset.done @!p0 $0x0  }
0x4c: {  	s13 =	simm.s32 @!p0 $0x300;
	[sflag:s12] =	ssyncadd.s32 @!p0 $0xFFFFD800;
	s12 =	simm.s32 @!p0 $0x3  }
0x4d: {  	[tilespmem:s13], [sflag:$0x7] =	stream.linear.gather @!p0 [hbm4b:s10+s11], $0x80, $0x38;
	[tilespmem:$0x1E400] =	vst v63  }
0x4e: {  	_ =	swait.ge @!p0 [sflag:s12], $0x80  }
0x4f: {  	s10 =	simm.s32 @!p0 $0x100;
	[sflag:s12] =	ssyncset.done @!p0 $0x0  }
0x50: {  	s13 =	simm.s32 @!p0 $0x5400;
	[sflag:s12] =	ssyncadd.s32 @!p0 $0xFFFFFF80;
	s12 =	simm.s32 @!p0 $0x10  }
0x51: {  	[tilespmem:s13], [sflag:$0xB] =	stream.indirect.gather @!p0 [hbm4b:s1+s8], $0x80, s10, s8, $0xb8;
	[tilespmem:$0x1E400] =	vst v63  }
0x52: {  	_ =	swait.ge @!p0 [sflag:s12], $0x2800  }
0x53: {  	[sflag:s12] =	ssyncset.done @!p0 $0x0  }
0x54: {  	s8 =	simm.s32 @!p0 $0x380;
	[sflag:s12] =	ssyncadd.s32 @!p0 $0xFFFFD800  }
0x55: {  	[tilespmem:s8], [sflag:$0x8] =	stream.linear.gather @!p0 [hbm4b:s5+s11], $0x80, $0x38;
	[tilespmem:$0x1E400] =	vst v63  }
0x56: {  	_ =	swait.ge [sflag:s0], $0x80  }
0x57: {  	[sflag:s0] =	ssyncset.done $0x0  }
0x58: {  	[sflag:s0] =	ssyncadd.s32 $0xFFFFFF80  }
0x59: {  	[tilespmem:s4], [sflag:$0xC] =	stream.indirect.gather [hbm4b:s1+s30], $0x80, s28, s30, $0xb8;
	[tilespmem:$0x1E400] =	vst v63  }
0x5a: {  	p0 =	por $0x0, $0x0;
	_ =	swait.ge [sflag:s22], $0x2800  }
0x5b: {  	s10 =	simm.s32 @p0 $0x50;
	s8 =	simm.s32 @!p0 $0x200;
	[sflag:s22] =	ssyncset.done $0x0  }
0x5c: {  	s12 =	simm.s32 @p0 $0x5;
	s13 =	simm.s32 @p0 $0xA;
	[sflag:s22] =	ssyncadd.s32 $0xFFFFD800  }
0x5d: {  	s14 =	simm.s32 @p0 $0x400;
	s11 =	sand.u32 @!p0 $0x7C00, s8;
	_ =	swait.ge @p0 [sflag:s12], $0x80  }
0x5e: {  	s8 =	sand.u32 @!p0 $0x200, s8;
	s11 =	sadd.s32 @!p0 s7, s11;
	[sflag:s12] =	ssyncset.done @p0 $0x0  }
0x5f: {  	s8 =	sor.u32 @!p0 s8, s11;
	s11 =	simm.s32 @p0 $0x200;
	[sflag:s12] =	ssyncadd.s32 @p0 $0xFFFFFF80  }
0x60: {  	[spmem:s3] =	stream.indirect.scatter.add.f32 @p0 [tilespmem:s14], [sflag:$0xD], $0x80, s11, s10, $0xb8;
	[tilespmem:$0x1E400] =	vst v63  }
0x61: {  	s16 =	simm.s32 @!p0 $0x200;
	s8 =	sshrl.u32 @!p0 s8, $0x3;
	_ =	swait.ge @p0 [sflag:s13], $0x2800  }
0x62: {  	s8 =	sadd.s32 @!p0 s2, s8;
	s12 =	simm.s32 @!p0 $0x280;
	[sflag:s13] =	ssyncset.done @p0 $0x0  }
0x63: {  	s11 =	simm.s32 @!p0 $0x0;
	[sflag:s13] =	ssyncadd.s32 @p0 $0xFFFFD800;
	s13 =	simm.s32 @!p0 $0x5  }
0x64: {  	[tilespmem:s11], [sflag:$0x1] =	stream.linear.gather @!p0 [hbm4b:s8+s11], $0x80, $0x38;
	[tilespmem:$0x1E400] =	vst v63  }
0x65: {  	s17 =	simm.s32 @!p0 $0xA;
	s14 =	sand.u32 @!p0 $0x7C00, s12;
	_ =	swait.ge @!p0 [sflag:s13], $0x80  }
0x66: {  	s14 =	sadd.s32 @!p0 s7, s14;
	s8 =	sand.u32 @!p0 $0x280, s12;
	[sflag:s13] =	ssyncset.done @!p0 $0x0  }
0x67: {  	s12 =	simm.s32 @!p0 $0x50;
	[sflag:s13] =	ssyncadd.s32 @!p0 $0xFFFFFF80;
	s13 =	simm.s32 @!p0 $0x400  }
0x68: {  	[spmem:s3] =	stream.indirect.scatter.add.f32 @!p0 [tilespmem:s13], [sflag:$0xD], $0x80, s16, s12, $0xb8;
	[tilespmem:$0x1E400] =	vst v63  }
0x69: {  	s8 =	sor.u32 @!p0 s8, s14;
	_ =	swait.ge @!p0 [sflag:s17], $0x2800  }
0x6a: {  	s8 =	sshrl.u32 @!p0 s8, $0x3;
	[sflag:s17] =	ssyncset.done @!p0 $0x0  }
0x6b: {  	s8 =	sadd.s32 @!p0 s2, s8;
	s13 =	simm.s32 @!p0 $0x80;
	[sflag:s17] =	ssyncadd.s32 @!p0 $0xFFFFD800  }
0x6c: {  	[tilespmem:s13], [sflag:$0x2] =	stream.linear.gather @!p0 [hbm4b:s8+s11], $0x80, $0x38;
	[tilespmem:$0x1E400] =	vst v63  }
0x6d: {  	_ =	swait.ge [sflag:s25], $0x80  }
0x6e: {  	[sflag:s25] =	ssyncset.done $0x0  }
0x6f: {  	[sflag:s25] =	ssyncadd.s32 $0xFFFFFF80  }
0x70: {  	[spmem:s3] =	stream.indirect.scatter.add.f32 [tilespmem:s31], [sflag:$0xE], $0x80, s24, s30, $0xb8;
	[tilespmem:$0x1E400] =	vst v63  }
0x71: {  	_ =	swait.ge [sflag:s26], $0x2800  }
0x72: {  	s19 =	simm.s32 @p0 $0x5400;
	s20 =	simm.s32 @!p0 $0x5400;
	[sflag:s26] =	ssyncset.done $0x0  }
0x73: {  	s16 =	simm.s32 $0x580;
	s13 =	simm.s32 @p0 $0x7;
	[sflag:s26] =	ssyncadd.s32 $0xFFFFD800  }
0x74: {  	s17 =	simm.s32 $0x780;
	s8 =	simm.s32 @!p0 $0x300;
	_ =	swait.ge @p0 [sflag:s13], $0x80  }
0x75: {  	s14 =	sand.u32 @!p0 $0x7C00, s8;
	s8 =	sand.u32 @!p0 $0x300, s8;
	[sflag:s13] =	ssyncset.done @p0 $0x0  }
0x76: {  	s14 =	sadd.s32 @!p0 s7, s14;
	[sflag:s13] =	ssyncadd.s32 @p0 $0xFFFFFF80;
	s13 =	simm.s32 @p0 $0x300  }
0x77: {  	[spmem:s3] =	stream.indirect.scatter.add.f32 @p0 [tilespmem:s19], [sflag:$0xF], $0x80, s13, s10, $0xb8;
	[tilespmem:$0x1E400] =	vst v63  }
0x78: {  	s8 =	sor.u32 @!p0 s8, s14;
	s14 =	sand.u32 @!p0 $0x380, s9;
	s13 =	simm.s32 @p0 $0xC  }
0x79: {  	s8 =	sshrl.u32 @!p0 s8, $0x3;
	s10 =	sand.u32 @!p0 $0x7C00, s9;
	_ =	swait.ge @p0 [sflag:s13], $0x2800  }
0x7a: {  	s8 =	sadd.s32 @!p0 s2, s8;
	s10 =	sadd.s32 @!p0 s7, s10;
	[sflag:s13] =	ssyncset.done @p0 $0x0  }
0x7b: {  	s10 =	sor.u32 @!p0 s14, s10;
	s14 =	simm.s32 @!p0 $0x100;
	[sflag:s13] =	ssyncadd.s32 @p0 $0xFFFFD800  }
0x7c: {  	[tilespmem:s14], [sflag:$0x3] =	stream.linear.gather @!p0 [hbm4b:s8+s11], $0x80, $0x38;
	[tilespmem:$0x1E400] =	vst v63  }
0x7d: {  	s19 =	smov.u32 s5;
	s10 =	sshrl.u32 @!p0 s10, $0x3;
	s14 =	simm.s32 @!p0 $0x7  }
0x7e: {  	s8 =	simm.s32 @!p0 $0x300;
	s13 =	sadd.s32 @!p0 s2, s10;
	_ =	swait.ge @!p0 [sflag:s14], $0x80  }
.LBB2_2:
0x7f: {  	[sflag:s14] =	ssyncset.done @!p0 $0x0  }
0x80: {  	s19 =	sadd.s32 $0x40, s19;
	s10 =	smov.u32 s17;
	s17 =	sadd.s32 $0x200, s17  }
0x81: {  	p2 =	seq.s32 s16, $0x380;
	[sflag:s14] =	ssyncadd.s32 @!p0 $0xFFFFFF80;
	s14 =	simm.s32 @!p0 $0xC  }
0x82: {  	[spmem:s3] =	stream.indirect.scatter.add.f32 @!p0 [tilespmem:s20], [sflag:$0xF], $0x80, s8, s12, $0xb8;
	[tilespmem:$0x1E400] =	vst v63  }
0x83: {  	p1 =	sne.s32 s17, $0x4380;
	s8 =	simm.s32 @p2 $0x1;
	_ =	swait.ge @!p0 [sflag:s14], $0x2800  }
0x84: {  	s12 =	simm.s32 @!p0 $0x180;
	[sflag:s14] =	ssyncset.done @!p0 $0x0  }
0x85: {  	[sflag:s14] =	ssyncadd.s32 @!p0 $0xFFFFD800  }
0x86: {  	[tilespmem:s12], [sflag:$0x4] =	stream.linear.gather @!p0 [hbm4b:s13+s11], $0x80, $0x38;
	[tilespmem:$0x1E400] =	vst v63  }
0x87: {  	s12 =	simm.s32 @p2 $0x50;
	s13 =	simm.s32 @p2 $0x0;
	_ =	swait.ge [sflag:s6], $0x80  }
0x88: {  	[sflag:s6] =	ssyncset.done $0x0  }
0x89: {  	[sflag:s6] =	ssyncadd.s32 $0xFFFFFF80  }
0x8a: {  	[spmem:s3] =	stream.indirect.scatter.add.f32 [tilespmem:s4], [sflag:$0x10], $0x80, s9, s30, $0xb8;
	[tilespmem:$0x1E400] =	vst v63  }
0x8b: {  	s14 =	sadd.s32 @!p2 $0xFFFFFFD0, s19;
	s11 =	simm.s32 @!p2 $0x0;
	_ =	swait.ge @p2 [sflag:s8], $0x80  }
0x8c: {  	[sflag:s8] =	ssyncset.done @p2 $0x0  }
0x8d: {  	s20 =	simm.s32 @!p2 $0xD;
	[sflag:s8] =	ssyncadd.s32 @p2 $0xFFFFFF80;
	s8 =	simm.s32 @p2 $0x400  }
0x8e: {  	[tilespmem:s8], [sflag:$0x9] =	stream.indirect.gather @p2 [hbm4b:s1+s12], $0x80, s13, s12, $0xb8;
	[tilespmem:$0x1E400] =	vst v63  }
0x8f: {  	s13 =	simm.s32 @!p2 $0x50;
	s8 =	simm.s32 @!p2 $0x400;
	_ =	swait.ge @!p2 [sflag:s20], $0x2800  }
0x90: {  	[sflag:s20] =	ssyncset.done @!p2 $0x0  }
0x91: {  	s21 =	simm.s32 @!p2 $0x1;
	[sflag:s20] =	ssyncadd.s32 @!p2 $0xFFFFD800;
	s20 =	simm.s32 @!p2 $0x200  }
0x92: {  	[tilespmem:s20], [sflag:$0x5] =	stream.linear.gather @!p2 [hbm4b:s14+s11], $0x80, $0x38;
	[tilespmem:$0x1E400] =	vst v63  }
0x93: {  	s14 =	sadd.s32 @!p2 $0xFFFFFFE0, s19;
	s20 =	simm.s32 @!p2 $0x280;
	_ =	swait.ge @!p2 [sflag:s21], $0x80  }
0x94: {  	[sflag:s21] =	ssyncset.done @!p2 $0x0  }
0x95: {  	[sflag:s21] =	ssyncadd.s32 @!p2 $0xFFFFFF80;
	s21 =	simm.s32 @!p2 $0xE  }
0x96: {  	[tilespmem:s8], [sflag:$0x9] =	stream.indirect.gather @!p2 [hbm4b:s1+s13], $0x80, s11, s13, $0xb8;
	[tilespmem:$0x1E400] =	vst v63  }
0x97: {  	s8 =	simm.s32 @p2 $0x3;
	_ =	swait.ge @!p2 [sflag:s21], $0x2800  }
0x98: {  	[sflag:s21] =	ssyncset.done @!p2 $0x0  }
0x99: {  	[sflag:s21] =	ssyncadd.s32 @!p2 $0xFFFFD800  }
0x9a: {  	[tilespmem:s20], [sflag:$0x6] =	stream.linear.gather @!p2 [hbm4b:s14+s11], $0x80, $0x38;
	[tilespmem:$0x1E400] =	vst v63  }
0x9b: {  	s14 =	simm.s32 @p2 $0x100;
	s20 =	simm.s32 @p2 $0x5400;
	_ =	swait.ge [sflag:s29], $0x80  }
0x9c: {  	[sflag:s29] =	ssyncset.done $0x0  }
0x9d: {  	[sflag:s29] =	ssyncadd.s32 $0xFFFFFF80  }
0x9e: {  	[tilespmem:s31], [sflag:$0xA] =	stream.indirect.gather [hbm4b:s1+s30], $0x80, s23, s30, $0xb8;
	[tilespmem:$0x1E400] =	vst v63  }
0x9f: {  	s5 =	simm.s32 @!p2 $0x300;
	s21 =	sadd.s32 @!p2 $0xFFFFFFF0, s19;
	_ =	swait.ge @p2 [sflag:s8], $0x80  }
0xa0: {  	[sflag:s8] =	ssyncset.done @p2 $0x0  }
0xa1: {  	[sflag:s8] =	ssyncadd.s32 @p2 $0xFFFFFF80;
	s8 =	simm.s32 @!p2 $0xF  }
0xa2: {  	[tilespmem:s20], [sflag:$0xB] =	stream.indirect.gather @p2 [hbm4b:s1+s12], $0x80, s14, s12, $0xb8;
	[tilespmem:$0x1E400] =	vst v63  }
0xa3: {  	s12 =	simm.s32 @!p2 $0x100;
	s14 =	simm.s32 @!p2 $0x5400;
	_ =	swait.ge @!p2 [sflag:s8], $0x2800  }
0xa4: {  	[sflag:s8] =	ssyncset.done @!p2 $0x0  }
0xa5: {  	[sflag:s8] =	ssyncadd.s32 @!p2 $0xFFFFD800;
	s8 =	simm.s32 @!p2 $0x3  }
0xa6: {  	[tilespmem:s5], [sflag:$0x7] =	stream.linear.gather @!p2 [hbm4b:s21+s11], $0x80, $0x38;
	[tilespmem:$0x1E400] =	vst v63  }
0xa7: {  	s5 =	simm.s32 @!p2 $0x380;
	_ =	swait.ge @!p2 [sflag:s8], $0x80  }
0xa8: {  	[sflag:s8] =	ssyncset.done @!p2 $0x0  }
0xa9: {  	[sflag:s8] =	ssyncadd.s32 @!p2 $0xFFFFFF80;
	s8 =	simm.s32 @!p2 $0x10  }
0xaa: {  	[tilespmem:s14], [sflag:$0xB] =	stream.indirect.gather @!p2 [hbm4b:s1+s13], $0x80, s12, s13, $0xb8;
	[tilespmem:$0x1E400] =	vst v63  }
0xab: {  	p0 =	seq.s32 s16, $0x4180;
	_ =	swait.ge @!p2 [sflag:s8], $0x2800  }
0xac: {  	s12 =	sadd.s32 @!p0 $0xFFFFFF80, s16;
	s14 =	sand.u32 @!p0 $0x7C00, s16;
	[sflag:s8] =	ssyncset.done @!p2 $0x0  }
0xad: {  	s20 =	sand.u32 @!p0 $0x7C00, s12;
	[sflag:s8] =	ssyncadd.s32 @!p2 $0xFFFFD800;
	s8 =	sadd.s32 @!p0 $0xFFFFFF00, s16  }
0xae: {  	[tilespmem:s5], [sflag:$0x8] =	stream.linear.gather @!p2 [hbm4b:s19+s11], $0x80, $0x38;
	[tilespmem:$0x1E400] =	vst v63  }
0xaf: {  	s13 =	simm.s32 @p0 $0x50;
	s5 =	simm.s32 @p0 $0xA;
	_ =	swait.ge [sflag:s0], $0x80  }
0xb0: {  	s11 =	sand.u32 @!p0 $0x7C00, s8;
	s8 =	sand.u32 @!p0 $0x280, s8;
	[sflag:s0] =	ssyncset.done $0x0  }
0xb1: {  	s21 =	sadd.s32 @!p0 $0xFFFFFE80, s16;
	s11 =	sadd.s32 @!p0 s7, s11;
	[sflag:s0] =	ssyncadd.s32 $0xFFFFFF80  }
0xb2: {  	s18 =	sand.u32 @!p0 $0x7C00, s21;
	s12 =	sand.u32 @!p0 $0x300, s12;
	s20 =	sadd.s32 @!p0 s7, s20  }
0xb3: {  	[tilespmem:s4], [sflag:$0xC] =	stream.indirect.gather [hbm4b:s1+s30], $0x80, s28, s30, $0xb8;
	[tilespmem:$0x1E400] =	vst v63  }
0xb4: {  	s21 =	sand.u32 @!p0 $0x200, s21;
	s18 =	sadd.s32 @!p0 s7, s18;
	_ =	swait.ge [sflag:s22], $0x2800  }
0xb5: {  	s15 =	simm.s32 @p0 $0x5;
	s18 =	sor.u32 @!p0 s21, s18;
	[sflag:s22] =	ssyncset.done $0x0  }
0xb6: {  	s18 =	sshrl.u32 @!p0 s18, $0x3;
	s20 =	sor.u32 @!p0 s12, s20;
	[sflag:s22] =	ssyncadd.s32 $0xFFFFD800  }
0xb7: {  	s18 =	sadd.s32 @!p0 s2, s18;
	s8 =	sor.u32 @!p0 s8, s11;
	_ =	swait.ge @p0 [sflag:s15], $0x80  }
0xb8: {  	s12 =	simm.s32 @p0 $0x400;
	s11 =	simm.s32 @p0 $0x200;
	[sflag:s15] =	ssyncset.done @p0 $0x0  }
0xb9: {  	s14 =	sadd.s32 @!p0 s7, s14;
	s8 =	sshrl.u32 @!p0 s8, $0x3;
	[sflag:s15] =	ssyncadd.s32 @p0 $0xFFFFFF80  }
0xba: {  	[spmem:s3] =	stream.indirect.scatter.add.f32 @p0 [tilespmem:s12], [sflag:$0xD], $0x80, s11, s13, $0xb8;
	[tilespmem:$0x1E400] =	vst v63  }
0xbb: {  	s15 =	simm.s32 @!p0 $0x200;
	s12 =	simm.s32 @!p0 $0x50;
	_ =	swait.ge @p0 [sflag:s5], $0x2800  }
0xbc: {  	s8 =	sadd.s32 @!p0 s2, s8;
	s11 =	simm.s32 @!p0 $0x0;
	[sflag:s5] =	ssyncset.done @p0 $0x0  }
0xbd: {  	s16 =	sand.u32 @!p0 $0x380, s16;
	[sflag:s5] =	ssyncadd.s32 @p0 $0xFFFFD800;
	s5 =	simm.s32 @!p0 $0x5  }
0xbe: {  	[tilespmem:s11], [sflag:$0x1] =	stream.linear.gather @!p0 [hbm4b:s18+s11], $0x80, $0x38;
	[tilespmem:$0x1E400] =	vst v63  }
0xbf: {  	s20 =	sshrl.u32 @!p0 s20, $0x3;
	s18 =	simm.s32 @!p0 $0x80;
	_ =	swait.ge @!p0 [sflag:s5], $0x80  }
0xc0: {  	s14 =	sor.u32 @!p0 s16, s14;
	s21 =	sadd.s32 @!p0 s2, s20;
	[sflag:s5] =	ssyncset.done @!p0 $0x0  }
0xc1: {  	s20 =	simm.s32 @!p0 $0xA;
	[sflag:s5] =	ssyncadd.s32 @!p0 $0xFFFFFF80;
	s5 =	simm.s32 @!p0 $0x400  }
0xc2: {  	[spmem:s3] =	stream.indirect.scatter.add.f32 @!p0 [tilespmem:s5], [sflag:$0xD], $0x80, s15, s12, $0xb8;
	[tilespmem:$0x1E400] =	vst v63  }
0xc3: {  	s16 =	smov.u32 s10;
	s5 =	sshrl.u32 @!p0 s14, $0x3;
	_ =	swait.ge @!p0 [sflag:s20], $0x2800  }
0xc4: {  	[sflag:s20] =	ssyncset.done @!p0 $0x0  }
0xc5: {  	[sflag:s20] =	ssyncadd.s32 @!p0 $0xFFFFD800  }
0xc6: {  	[tilespmem:s18], [sflag:$0x2] =	stream.linear.gather @!p0 [hbm4b:s8+s11], $0x80, $0x38;
	[tilespmem:$0x1E400] =	vst v63  }
0xc7: {  	s8 =	simm.s32 @p0 $0x7;
	_ =	swait.ge [sflag:s25], $0x80  }
0xc8: {  	[sflag:s25] =	ssyncset.done $0x0  }
0xc9: {  	[sflag:s25] =	ssyncadd.s32 $0xFFFFFF80  }
0xca: {  	[spmem:s3] =	stream.indirect.scatter.add.f32 [tilespmem:s31], [sflag:$0xE], $0x80, s24, s30, $0xb8;
	[tilespmem:$0x1E400] =	vst v63  }
0xcb: {  	_ =	swait.ge [sflag:s26], $0x2800  }
0xcc: {  	[sflag:s26] =	ssyncset.done $0x0  }
0xcd: {  	[sflag:s26] =	ssyncadd.s32 $0xFFFFD800  }
0xce: {  	s10 =	simm.s32 @!p0 $0x100;
	s14 =	simm.s32 @!p0 $0x7;
	_ =	swait.ge @p0 [sflag:s8], $0x80  }
0xcf: {  	s15 =	simm.s32 @p0 $0xC;
	s20 =	simm.s32 @!p0 $0x5400;
	[sflag:s8] =	ssyncset.done @p0 $0x0  }
0xd0: {  	s18 =	simm.s32 @p0 $0x5400;
	[sflag:s8] =	ssyncadd.s32 @p0 $0xFFFFFF80;
	s8 =	simm.s32 @p0 $0x300  }
0xd1: {  	[spmem:s3] =	stream.indirect.scatter.add.f32 @p0 [tilespmem:s18], [sflag:$0xF], $0x80, s8, s13, $0xb8;
	[tilespmem:$0x1E400] =	vst v63  }
.Ltmp0:
0xd2: {  	s8 =	simm.s32 @!p0 $0x300;
	_ =	swait.ge @p0 [sflag:s15], $0x2800;
	(pc) =	sbr.rel @p1 .LBB2_2-.Ltmp0, $4  }
0xd3: {  	[sflag:s15] =	ssyncset.done @p0 $0x0  }
0xd4: {  	[sflag:s15] =	ssyncadd.s32 @p0 $0xFFFFD800  }
0xd5: {  	[tilespmem:s10], [sflag:$0x3] =	stream.linear.gather @!p0 [hbm4b:s21+s11], $0x80, $0x38;
	[tilespmem:$0x1E400] =	vst v63  }
0xd6: {  	s13 =	sadd.s32 @!p0 s2, s5;
	_ =	swait.ge @!p0 [sflag:s14], $0x80  }
0xd7: {  	[sflag:s14] =	ssyncset.done @!p0 $0x0  }
0xd8: {  	s5 =	simm.s32 @!p0 $0xC;
	[sflag:s14] =	ssyncadd.s32 @!p0 $0xFFFFFF80  }
0xd9: {  	[spmem:s3] =	stream.indirect.scatter.add.f32 @!p0 [tilespmem:s20], [sflag:$0xF], $0x80, s8, s12, $0xb8;
	[tilespmem:$0x1E400] =	vst v63  }
0xda: {  	_ =	swait.ge @!p0 [sflag:s5], $0x2800  }
0xdb: {  	[sflag:s5] =	ssyncset.done @!p0 $0x0  }
0xdc: {  	s8 =	simm.s32 @!p0 $0x180;
	[sflag:s5] =	ssyncadd.s32 @!p0 $0xFFFFD800  }
0xdd: {  	[tilespmem:s8], [sflag:$0x4] =	stream.linear.gather @!p0 [hbm4b:s13+s11], $0x80, $0x38;
	[tilespmem:$0x1E400] =	vst v63  }
0xde: {  	_ =	swait.ge [sflag:s6], $0x80  }
0xdf: {  	p0 =	seq.s32 s16, $0x380;
	[sflag:s6] =	ssyncset.done $0x0  }
0xe0: {  	s5 =	simm.s32 @p0 $0x1;
	[sflag:s6] =	ssyncadd.s32 $0xFFFFFF80  }
0xe1: {  	[spmem:s3] =	stream.indirect.scatter.add.f32 [tilespmem:s4], [sflag:$0x10], $0x80, s9, s30, $0xb8;
	[tilespmem:$0x1E400] =	vst v63  }
0xe2: {  	_ =	swait.ge @p0 [sflag:s5], $0x80  }
0xe3: {  	s8 =	simm.s32 @p0 $0x50;
	s10 =	simm.s32 @p0 $0x0;
	[sflag:s5] =	ssyncset.done @p0 $0x0  }
0xe4: {  	s11 =	simm.s32 @!p0 $0xD;
	[sflag:s5] =	ssyncadd.s32 @p0 $0xFFFFFF80;
	s5 =	simm.s32 @p0 $0x400  }
0xe5: {  	[tilespmem:s5], [sflag:$0x9] =	stream.indirect.gather @p0 [hbm4b:s1+s8], $0x80, s10, s8, $0xb8;
	[tilespmem:$0x1E400] =	vst v63  }
0xe6: {  	s12 =	simm.s32 @!p0 $0x0;
	_ =	swait.ge @!p0 [sflag:s11], $0x2800  }
0xe7: {  	s13 =	simm.s32 @!p0 $0x1;
	s5 =	sadd.s32 $0x40, s19;
	[sflag:s11] =	ssyncset.done @!p0 $0x0  }
0xe8: {  	s10 =	sadd.s32 @!p0 $0xFFFFFFD0, s5;
	[sflag:s11] =	ssyncadd.s32 @!p0 $0xFFFFD800;
	s11 =	simm.s32 @!p0 $0x200  }
0xe9: {  	[tilespmem:s11], [sflag:$0x5] =	stream.linear.gather @!p0 [hbm4b:s10+s12], $0x80, $0x38;
	[tilespmem:$0x1E400] =	vst v63  }
0xea: {  	_ =	swait.ge @!p0 [sflag:s13], $0x80  }
0xeb: {  	s10 =	simm.s32 @!p0 $0x50;
	[sflag:s13] =	ssyncset.done @!p0 $0x0  }
0xec: {  	s11 =	simm.s32 @!p0 $0x400;
	[sflag:s13] =	ssyncadd.s32 @!p0 $0xFFFFFF80;
	s13 =	simm.s32 @!p0 $0xE  }
0xed: {  	[tilespmem:s11], [sflag:$0x9] =	stream.indirect.gather @!p0 [hbm4b:s1+s10], $0x80, s12, s10, $0xb8;
	[tilespmem:$0x1E400] =	vst v63  }
0xee: {  	_ =	swait.ge @!p0 [sflag:s13], $0x2800  }
0xef: {  	[sflag:s13] =	ssyncset.done @!p0 $0x0  }
0xf0: {  	s11 =	sadd.s32 @!p0 $0xFFFFFFE0, s5;
	[sflag:s13] =	ssyncadd.s32 @!p0 $0xFFFFD800;
	s13 =	simm.s32 @!p0 $0x280  }
0xf1: {  	[tilespmem:s13], [sflag:$0x6] =	stream.linear.gather @!p0 [hbm4b:s11+s12], $0x80, $0x38;
	[tilespmem:$0x1E400] =	vst v63  }
0xf2: {  	_ =	swait.ge [sflag:s29], $0x80  }
0xf3: {  	[sflag:s29] =	ssyncset.done $0x0  }
0xf4: {  	s11 =	simm.s32 @p0 $0x3;
	[sflag:s29] =	ssyncadd.s32 $0xFFFFFF80  }
0xf5: {  	[tilespmem:s31], [sflag:$0xA] =	stream.indirect.gather [hbm4b:s1+s30], $0x80, s23, s30, $0xb8;
	[tilespmem:$0x1E400] =	vst v63  }
0xf6: {  	_ =	swait.ge @p0 [sflag:s11], $0x80  }
0xf7: {  	[sflag:s11] =	ssyncset.done @p0 $0x0  }
0xf8: {  	s13 =	simm.s32 @p0 $0x100;
	[sflag:s11] =	ssyncadd.s32 @p0 $0xFFFFFF80;
	s11 =	simm.s32 @p0 $0x5400  }
0xf9: {  	[tilespmem:s11], [sflag:$0xB] =	stream.indirect.gather @p0 [hbm4b:s1+s8], $0x80, s13, s8, $0xb8;
	[tilespmem:$0x1E400] =	vst v63  }
0xfa: {  	s8 =	simm.s32 @!p0 $0xF  }
0xfb: {  	_ =	swait.ge @!p0 [sflag:s8], $0x2800  }
0xfc: {  	s11 =	sadd.s32 @!p0 $0xFFFFFFF0, s5;
	[sflag:s8] =	ssyncset.done @!p0 $0x0  }
0xfd: {  	s13 =	simm.s32 @!p0 $0x300;
	[sflag:s8] =	ssyncadd.s32 @!p0 $0xFFFFD800;
	s8 =	simm.s32 @!p0 $0x3  }
0xfe: {  	[tilespmem:s13], [sflag:$0x7] =	stream.linear.gather @!p0 [hbm4b:s11+s12], $0x80, $0x38;
	[tilespmem:$0x1E400] =	vst v63  }
0xff: {  	_ =	swait.ge @!p0 [sflag:s8], $0x80  }
0x100: {  	s11 =	simm.s32 @!p0 $0x100;
	[sflag:s8] =	ssyncset.done @!p0 $0x0  }
0x101: {  	s13 =	simm.s32 @!p0 $0x5400;
	[sflag:s8] =	ssyncadd.s32 @!p0 $0xFFFFFF80;
	s8 =	simm.s32 @!p0 $0x10  }
0x102: {  	[tilespmem:s13], [sflag:$0xB] =	stream.indirect.gather @!p0 [hbm4b:s1+s10], $0x80, s11, s10, $0xb8;
	[tilespmem:$0x1E400] =	vst v63  }
0x103: {  	_ =	swait.ge @!p0 [sflag:s8], $0x2800  }
0x104: {  	[sflag:s8] =	ssyncset.done @!p0 $0x0  }
0x105: {  	s10 =	simm.s32 @!p0 $0x380;
	[sflag:s8] =	ssyncadd.s32 @!p0 $0xFFFFD800  }
0x106: {  	[tilespmem:s10], [sflag:$0x8] =	stream.linear.gather @!p0 [hbm4b:s5+s12], $0x80, $0x38;
	[tilespmem:$0x1E400] =	vst v63  }
0x107: {  	_ =	swait.ge [sflag:s0], $0x80  }
0x108: {  	[sflag:s0] =	ssyncset.done $0x0  }
0x109: {  	[sflag:s0] =	ssyncadd.s32 $0xFFFFFF80  }
0x10a: {  	[tilespmem:s4], [sflag:$0xC] =	stream.indirect.gather [hbm4b:s1+s30], $0x80, s28, s30, $0xb8;
	[tilespmem:$0x1E400] =	vst v63  }
0x10b: {  	p0 =	seq.s32 s16, $0x4180;
	_ =	swait.ge [sflag:s22], $0x2800  }
0x10c: {  	s5 =	simm.s32 @p0 $0x50;
	s8 =	sadd.s32 @!p0 $0xFFFFFE80, s16;
	[sflag:s22] =	ssyncset.done $0x0  }
0x10d: {  	s11 =	simm.s32 @p0 $0x5;
	s12 =	simm.s32 @p0 $0xA;
	[sflag:s22] =	ssyncadd.s32 $0xFFFFD800  }
0x10e: {  	s13 =	simm.s32 @p0 $0x400;
	s10 =	sand.u32 @!p0 $0x7C00, s8;
	_ =	swait.ge @p0 [sflag:s11], $0x80  }
0x10f: {  	s8 =	sand.u32 @!p0 $0x200, s8;
	s10 =	sadd.s32 @!p0 s7, s10;
	[sflag:s11] =	ssyncset.done @p0 $0x0  }
0x110: {  	s8 =	sor.u32 @!p0 s8, s10;
	s10 =	simm.s32 @p0 $0x200;
	[sflag:s11] =	ssyncadd.s32 @p0 $0xFFFFFF80  }
0x111: {  	[spmem:s3] =	stream.indirect.scatter.add.f32 @p0 [tilespmem:s13], [sflag:$0xD], $0x80, s10, s5, $0xb8;
	[tilespmem:$0x1E400] =	vst v63  }
0x112: {  	s8 =	sshrl.u32 @!p0 s8, $0x3;
	_ =	swait.ge @p0 [sflag:s12], $0x2800  }
0x113: {  	s8 =	sadd.s32 @!p0 s2, s8;
	[sflag:s12] =	ssyncset.done @p0 $0x0  }
0x114: {  	s11 =	simm.s32 @!p0 $0x5;
	s10 =	simm.s32 @!p0 $0x0;
	[sflag:s12] =	ssyncadd.s32 @p0 $0xFFFFD800  }
0x115: {  	[tilespmem:s10], [sflag:$0x1] =	stream.linear.gather @!p0 [hbm4b:s8+s10], $0x80, $0x38;
	[tilespmem:$0x1E400] =	vst v63  }
0x116: {  	_ =	swait.ge @!p0 [sflag:s11], $0x80  }
0x117: {  	s13 =	simm.s32 @!p0 $0x200;
	s12 =	simm.s32 @!p0 $0x50;
	[sflag:s11] =	ssyncset.done @!p0 $0x0  }
0x118: {  	s8 =	sadd.s32 @!p0 $0xFFFFFF00, s16;
	[sflag:s11] =	ssyncadd.s32 @!p0 $0xFFFFFF80;
	s11 =	simm.s32 @!p0 $0x400  }
0x119: {  	[spmem:s3] =	stream.indirect.scatter.add.f32 @!p0 [tilespmem:s11], [sflag:$0xD], $0x80, s13, s12, $0xb8;
	[tilespmem:$0x1E400] =	vst v63  }
0x11a: {  	s11 =	sand.u32 @!p0 $0x7C00, s8  }
0x11b: {  	s8 =	sand.u32 @!p0 $0x280, s8;
	s13 =	simm.s32 @!p0 $0xA;
	s11 =	sadd.s32 @!p0 s7, s11  }
0x11c: {  	_ =	swait.ge @!p0 [sflag:s13], $0x2800;
	s8 =	sor.u32 @!p0 s8, s11  }
0x11d: {  	[sflag:s13] =	ssyncset.done @!p0 $0x0;
	s8 =	sshrl.u32 @!p0 s8, $0x3  }
0x11e: {  	s11 =	simm.s32 @!p0 $0x80;
	[sflag:s13] =	ssyncadd.s32 @!p0 $0xFFFFD800;
	s8 =	sadd.s32 @!p0 s2, s8  }
0x11f: {  	[tilespmem:s11], [sflag:$0x2] =	stream.linear.gather @!p0 [hbm4b:s8+s10], $0x80, $0x38;
	[tilespmem:$0x1E400] =	vst v63  }
0x120: {  	_ =	swait.ge [sflag:s25], $0x80  }
0x121: {  	[sflag:s25] =	ssyncset.done $0x0  }
0x122: {  	[sflag:s25] =	ssyncadd.s32 $0xFFFFFF80  }
0x123: {  	[spmem:s3] =	stream.indirect.scatter.add.f32 [tilespmem:s31], [sflag:$0xE], $0x80, s24, s30, $0xb8;
	[tilespmem:$0x1E400] =	vst v63  }
0x124: {  	_ =	swait.ge [sflag:s26], $0x2800  }
0x125: {  	[sflag:s26] =	ssyncset.done $0x0  }
0x126: {  	s8 =	simm.s32 @p0 $0x7;
	[sflag:s26] =	ssyncadd.s32 $0xFFFFD800  }
0x127: {  	_ =	swait.ge @p0 [sflag:s8], $0x80  }
0x128: {  	[sflag:s8] =	ssyncset.done @p0 $0x0  }
0x129: {  	s11 =	simm.s32 @p0 $0x5400;
	[sflag:s8] =	ssyncadd.s32 @p0 $0xFFFFFF80;
	s8 =	simm.s32 @p0 $0x300  }
0x12a: {  	[spmem:s3] =	stream.indirect.scatter.add.f32 @p0 [tilespmem:s11], [sflag:$0xF], $0x80, s8, s5, $0xb8;
	[tilespmem:$0x1E400] =	vst v63  }
0x12b: {  	s5 =	sadd.s32 @!p0 $0xFFFFFF80, s16  }
0x12c: {  	s8 =	sand.u32 @!p0 $0x7C00, s5  }
0x12d: {  	s11 =	simm.s32 @p0 $0xC;
	s5 =	sand.u32 @!p0 $0x300, s5;
	s8 =	sadd.s32 @!p0 s7, s8  }
0x12e: {  	_ =	swait.ge @p0 [sflag:s11], $0x2800;
	s5 =	sor.u32 @!p0 s5, s8  }
0x12f: {  	[sflag:s11] =	ssyncset.done @p0 $0x0;
	s5 =	sshrl.u32 @!p0 s5, $0x3  }
0x130: {  	[sflag:s11] =	ssyncadd.s32 @p0 $0xFFFFD800;
	s8 =	simm.s32 @!p0 $0x100;
	s5 =	sadd.s32 @!p0 s2, s5  }
0x131: {  	[tilespmem:s8], [sflag:$0x3] =	stream.linear.gather @!p0 [hbm4b:s5+s10], $0x80, $0x38;
	[tilespmem:$0x1E400] =	vst v63  }
0x132: {  	s5 =	simm.s32 @!p0 $0x7  }
0x133: {  	_ =	swait.ge @!p0 [sflag:s5], $0x80  }
0x134: {  	[sflag:s5] =	ssyncset.done @!p0 $0x0  }
0x135: {  	s8 =	simm.s32 @!p0 $0x300;
	[sflag:s5] =	ssyncadd.s32 @!p0 $0xFFFFFF80;
	s5 =	simm.s32 @!p0 $0x5400  }
0x136: {  	[spmem:s3] =	stream.indirect.scatter.add.f32 @!p0 [tilespmem:s5], [sflag:$0xF], $0x80, s8, s12, $0xb8;
	[tilespmem:$0x1E400] =	vst v63  }
0x137: {  	s5 =	sand.u32 @!p0 $0x7C00, s16  }
0x138: {  	s11 =	simm.s32 @!p0 $0xC;
	s8 =	sand.u32 @!p0 $0x380, s16;
	s5 =	sadd.s32 @!p0 s7, s5  }
0x139: {  	_ =	swait.ge @!p0 [sflag:s11], $0x2800;
	s5 =	sor.u32 @!p0 s8, s5  }
0x13a: {  	[sflag:s11] =	ssyncset.done @!p0 $0x0;
	s5 =	sshrl.u32 @!p0 s5, $0x3  }
0x13b: {  	s8 =	simm.s32 @!p0 $0x180;
	[sflag:s11] =	ssyncadd.s32 @!p0 $0xFFFFD800;
	s5 =	sadd.s32 @!p0 s2, s5  }
0x13c: {  	[tilespmem:s8], [sflag:$0x4] =	stream.linear.gather @!p0 [hbm4b:s5+s10], $0x80, $0x38;
	[tilespmem:$0x1E400] =	vst v63  }
0x13d: {  	_ =	swait.ge [sflag:s6], $0x80  }
0x13e: {  	[sflag:s6] =	ssyncset.done $0x0  }
0x13f: {  	s15 =	simm.s32 $0xD;
	[sflag:s6] =	ssyncadd.s32 $0xFFFFFF80  }
0x140: {  	[spmem:s3] =	stream.indirect.scatter.add.f32 [tilespmem:s4], [sflag:$0x10], $0x80, s9, s30, $0xb8;
	[tilespmem:$0x1E400] =	vst v63  }
0x141: {  	_ =	swait.ge [sflag:s15], $0x2800  }
0x142: {  	[sflag:s15] =	ssyncset.done $0x0  }
0x143: {  	s16 =	simm.s32 $0xE;
	[sflag:s15] =	ssyncadd.s32 $0xFFFFD800  }
0x144: {  	_ =	swait.ge [sflag:s16], $0x2800  }
0x145: {  	[sflag:s16] =	ssyncset.done $0x0  }
0x146: {  	s17 =	simm.s32 $0xF;
	[sflag:s16] =	ssyncadd.s32 $0xFFFFD800  }
0x147: {  	_ =	swait.ge [sflag:s17], $0x2800  }
0x148: {  	[sflag:s17] =	ssyncset.done $0x0  }
0x149: {  	s18 =	simm.s32 $0x10;
	[sflag:s17] =	ssyncadd.s32 $0xFFFFD800  }
0x14a: {  	_ =	swait.ge [sflag:s18], $0x2800  }
0x14b: {  	[sflag:s18] =	ssyncset.done $0x0  }
0x14c: {  	[sflag:s18] =	ssyncadd.s32 $0xFFFFD800  }
0x14d: {  	[bflag:$0x0] =	sbarrier.arrive $0xFFFF  }
0x14e: {  	s11 =	rddreg [dreg:$0x6]  }
0x14f: {  	s19 =	rddreg [dreg:$0xf]  }
0x150: {  	s10 =	simm.s32 $0x11;
	s8 =	rddreg [dreg:$0x12]  }
0x151: {  	[hbm:s19], [sflag:s11] =	dma.local [spmem:s8], $0x2800  }
0x152: {  	_ =	swait.ge [sflag:s10], $0x2800  }
0x153: {  	s20 =	rddreg [dreg:$0x13]  }
0x154: {  	s21 =	rddreg [dreg:$0x10];
	s12 =	sadd.s32 $0x1, s20  }
0x155: {  	p0 =	sne.s32 s12, s21  }
.Ltmp1:
0x156: {  	_ = 	snop;
	(pc) =	sbr.rel @p0 .LBB2_1-.Ltmp1, $3  }
0x157: {  	_ =	sdelay $0x1  }
0x158: {  	[sflag:s10] =	ssyncset.done $0x0  }
0x159: {  	[sflag:s10] =	ssyncadd.s32 $0xFFFFD800  }
0x15a: {  	_ =	sfence.sel $0x180000  }
0x15b: {  	[bflag:$0x0] =	sbarrier.arrive $0xFFFF  }
0x15c: {  	_ =	strace $0x9000004D  }
0x15d: {  	s0 =	stileid.u32;
	[bflag:$0x2] =	sbarrier.arrive $0xFFFF  }
0x15e: {  	p0 =	sne.s32 s0, $0x0;
	s0 =	rddreg [dreg:$0x4]  }
0x15f: {  	s0 =	sadd.s32 @!p0 $0x100000, s0  }
0x160: {  	[sflag:s0] =	ssyncadd.tile.s32 @!p0 $0x1;
	_ =	shalt  }
.Lfunc_end2:
_tile_overlayer_lowered:
.L_overlay_start_2:
0x161: {  	(tag) =	ssettag $0x2  }
0x162: {  	s0 =	rddreg [dreg:$0x0];
	s2 =	stileid.u32  }
0x163: {  	s1 =	rddreg [dreg:$0x1];
	p0 =	sne.s32 s2, $0x0  }
0x164: {  	s3 =	rddreg [dreg:$0x2];
	[bflag:$0x3] =	sbarrier.arrive $0xFFFF;
	s2 =	simm.s32 @!p0 $0x1C11  }
0x165: {  	[timem:s3], [sflag:s2] =	dma.local @!p0 [hbm:s0], s1  }
0x166: {  	s0 =	simm.s32 @!p0 $0x11  }
0x167: {  	_ =	swait.ge @!p0 [sflag:s0], s1  }
0x168: {  	s1 =	ssub.s32 @!p0 $0x0, s1;
	[sflag:s0] =	ssyncset.done @!p0 $0x0  }
0x169: {  	[sflag:s0] =	ssyncadd.s32 @!p0 s1  }
0x16a: {  	[bflag:$0x3] =	sbarrier.arrive $0xFFFF  }
0x16b: {  	_ =	shalt  }

// kernel: kernel.8.cloned.1.call-start
scs
__scs_entry_jumppad:
0x0: {  	(pc) =	sbr.rel $0x88, $3  }
0x1: {  	(tag) =	ssettag $0x0;
	lr =	simm.s32 $0x1  }
0x2: {  	[smem:$0x3F9D] =	sst lr;
	_ =	strace $0xD0000000  }
0x3: {  	_ = 	snop  }
0x4: {  	_ = 	snop  }
0x5: {  	_ = 	snop  }
0x6: {  	_ = 	snop  }
0x7: {  	_ = 	snop  }
__scs_overlays_trampoline_lowered:
0x8: {  	[smem:$0x3FAC] =	sst s0  }
0x9: {  	[smem:$0x3FAD] =	sst s1  }
0xa: {  	[smem:$0x3FAE] =	sst s2  }
0xb: {  	[smem:$0x3FAF] =	sst s3  }
0xc: {  	[smem:$0x3FB0] =	sst s4  }
0xd: {  	[smem:$0x3FB1] =	sst s5  }
0xe: {  	[smem:$0x3FB2] =	sst s6  }
0xf: {  	[smem:$0x3FB3] =	sst s7  }
0x10: {  	[smem:$0x3FB4] =	sst s8  }
0x11: {  	[smem:$0x3FB5] =	sst s9;
	s0 =	simm.s32 @!p0 $0x0  }
0x12: {  	s1 =	sld [smem:$0x3F9B];
	s0 =	simm.s32 @p0 $0x1  }
0x13: {  	[smem:$0x3FB6] =	sst s0;
	s0 =	simm.s32 @!p1 $0x0  }
0x14: {  	s2 =	sld [smem:$0x3F9A];
	s0 =	simm.s32 @p1 $0x1  }
0x15: {  	[smem:$0x3FB7] =	sst s0;
	s0 =	simm.s32 @!p2 $0x0  }
0x16: {  	s3 =	sld [smem:$0x3FDB];
	s0 =	simm.s32 @p2 $0x1  }
0x17: {  	s4 =	simm.s32 $0x1BF5;
	[smem:$0x3FB9] =	sst s0  }
0x18: {  	s0 =	sld [smem:$0x3F9C];
	_ =	swait.ge [sflag:s4], $0x0  }
0x19: {  	s7 =	sld [smem:$0x3F9D]  }
0x1a: {  	s8 =	sadd.s32 $0xFFFFE003, lr  }
0x1b: {  	s9 =	sadd.s32 $0xFFFFFEF7, lr;
	s5 =	simm.s32 $0xFFFFFFFF;
	p2 =	slt.u32 s8, $0xFFFFF086  }
0x1c: {  	p1 =	slt.u32 s9, $0xF7A;
	s5 =	simm.s32 @!p2 $0x0  }
0x1d: {  	s5 =	simm.s32 @p1 $0x1;
	p0 =	seq.s32 s7, s2  }
0x1e: {  	s7 =	smul.u32 @!p0 $0xF7A, s2;
	p2 =	seq.s32 @!p0 s5, $0x0  }
0x1f: {  	s9 =	smul.u32 $0xF7A, s1;
	s8 =	simm.s32 @!p0 $0x1BF5;
	p2 =	por !p2, p0  }
0x20: {  	[sflag:s8] =	ssyncset.s32 @!p0 $0xFFFFF086;
	s6 =	sadd.s32 @!p0 s3, s7;
	s7 =	simm.s32 @!p0 $0x108  }
0x21: {  	s3 =	sadd.s32 s3, s9;
	s6 =	sadd.s32 @!p0 $0x88, s6;
	s7 =	simm.s32 @p2 $0x1082  }
0x22: {  	[simem:s7], [sflag:s8] =	dma.local @!p0 [hbm:s6], $0xF7A  }
0x23: {  	s9 =	sor.u32 $0xD0000000, s2;
	s6 =	simm.s32 $0x108;
	_ =	swait.ge @!p0 [sflag:s8], $0x0  }
0x24: {  	s3 =	sadd.s32 $0x88, s3;
	s6 =	simm.s32 @!p1 $0x1082;
	[sflag:s4] =	ssyncset.s32 $0xFFFFF086  }
0x25: {  	[simem:s6], [sflag:s4] =	dma.local [hbm:s3], $0xF7A  }
0x26: {  	[smem:$0x3F9D] =	sst s1;
	(tag) =	ssettag s2;
	_ =	strace s9  }
0x27: {  	s1 =	sld [smem:$0x3FAD]  }
0x28: {  	s2 =	sld [smem:$0x3FAE]  }
0x29: {  	s4 =	sld [smem:$0x3FB0]  }
0x2a: {  	p0 =	seq.s32 s5, $0x0;
	s5 =	sld [smem:$0x3FB1]  }
0x2b: {  	s6 =	sld [smem:$0x3FB2]  }
0x2c: {  	s7 =	sld [smem:$0x3FB3]  }
0x2d: {  	s3 =	simm.s32 $0x108;
	s8 =	sld [smem:$0x3FB4]  }
0x2e: {  	s3 =	simm.s32 @!p0 $0x1082;
	s9 =	sld [smem:$0x3FB5]  }
0x2f: {  	lr =	sadd.s32 s0, s3;
	s0 =	sld [smem:$0x3FAC]  }
0x30: {  	s3 =	sld [smem:$0x3FAF]  }
0x31: {  	[smem:$0x3FB8] =	sst s10  }
0x32: {  	s10 =	sld [smem:$0x3FB6];
	_ =	sdelay $0x3  }
0x33: {  	p0 =	seq.s32 s10, $0x1;
	s10 =	sld [smem:$0x3FB8];
	_ =	sdelay $0x3  }
0x34: {  	[smem:$0x3FB8] =	sst s10  }
0x35: {  	s10 =	sld [smem:$0x3FB7];
	_ =	sdelay $0x3  }
0x36: {  	p1 =	seq.s32 s10, $0x1;
	s10 =	sld [smem:$0x3FB8];
	_ =	sdelay $0x3  }
0x37: {  	[smem:$0x3FB8] =	sst s10  }
0x38: {  	s10 =	sld [smem:$0x3FB9]  }
0x39: {  	_ = 	snop;
	(pc) =	sbr.ind lr, $3  }
0x3a: {  	_ = 	snop  }
0x3b: {  	_ = 	snop  }
0x3c: {  	p2 =	seq.s32 s10, $0x1;
	s10 =	sld [smem:$0x3FB8]  }
0x3d: {  	_ =	shalt  }
0x3e: {  	_ =	shalt  }
0x3f: {  	_ =	shalt  }
0x40: {  	_ =	shalt  }
0x41: {  	_ =	shalt  }
0x42: {  	_ =	shalt  }
0x43: {  	_ =	shalt  }
0x44: {  	_ =	shalt  }
0x45: {  	_ =	shalt  }
0x46: {  	_ =	shalt  }
0x47: {  	_ =	shalt  }
0x48: {  	_ =	shalt  }
0x49: {  	_ =	shalt  }
0x4a: {  	_ =	shalt  }
0x4b: {  	_ =	shalt  }
0x4c: {  	_ =	shalt  }
0x4d: {  	_ =	shalt  }
0x4e: {  	_ =	shalt  }
0x4f: {  	_ =	shalt  }
0x50: {  	_ =	shalt  }
0x51: {  	_ =	shalt  }
0x52: {  	_ =	shalt  }
0x53: {  	_ =	shalt  }
0x54: {  	_ =	shalt  }
0x55: {  	_ =	shalt  }
0x56: {  	_ =	shalt  }
0x57: {  	_ =	shalt  }
0x58: {  	_ =	shalt  }
0x59: {  	_ =	shalt  }
0x5a: {  	_ =	shalt  }
0x5b: {  	_ =	shalt  }
0x5c: {  	_ =	shalt  }
0x5d: {  	_ =	shalt  }
0x5e: {  	_ =	shalt  }
0x5f: {  	_ =	shalt  }
0x60: {  	_ =	shalt  }
0x61: {  	_ =	shalt  }
0x62: {  	_ =	shalt  }
0x63: {  	_ =	shalt  }
0x64: {  	_ =	shalt  }
0x65: {  	_ =	shalt  }
0x66: {  	_ =	shalt  }
0x67: {  	_ =	shalt  }
0x68: {  	_ =	shalt  }
0x69: {  	_ =	shalt  }
0x6a: {  	_ =	shalt  }
0x6b: {  	_ =	shalt  }
0x6c: {  	_ =	shalt  }
0x6d: {  	_ =	shalt  }
0x6e: {  	_ =	shalt  }
0x6f: {  	_ =	shalt  }
0x70: {  	_ =	shalt  }
0x71: {  	_ =	shalt  }
0x72: {  	_ =	shalt  }
0x73: {  	_ =	shalt  }
0x74: {  	_ =	shalt  }
0x75: {  	_ =	shalt  }
0x76: {  	_ =	shalt  }
0x77: {  	_ =	shalt  }
0x78: {  	_ =	shalt  }
0x79: {  	_ =	shalt  }
0x7a: {  	_ =	shalt  }
0x7b: {  	_ =	shalt  }
0x7c: {  	_ =	shalt  }
0x7d: {  	_ =	shalt  }
0x7e: {  	_ =	shalt  }
0x7f: {  	_ =	shalt  }
0x80: {  	_ =	shalt  }
0x81: {  	_ =	shalt  }
0x82: {  	_ =	shalt  }
0x83: {  	_ =	shalt  }
0x84: {  	_ =	shalt  }
0x85: {  	_ =	shalt  }
0x86: {  	_ =	shalt  }
0x87: {  	_ =	shalt  }
.Lfunc_end0:
.L_simem_size_0:
called_computation_lowered:
.L_overlay_start_0:
0x88: {  	s2 =	sld [smem:$0x3FD9]  }
0x89: {  	s3 =	sld [smem:$0x3FFE];
	_ =	sdelay $0x1  }
0x8a: {  	s1 =	srdreg.scid  }
0x8b: {  	s0 =	sand.u32 $0x1, s1  }
0x8c: {  	s14 =	sshll.u32 s0, $0xA;
	s2 =	sadd.s32 s3, s2  }
0x8d: {  	s2 =	sadd.s32 s2, s14  }
0x8e: {  	[smem:$0x3FC4] =	sst s2  }
0x8f: {  	_ = 	snop  }
0x90: {  	s2 =	sld [smem:$0x3FD0];
	_ =	sdelay $0x2  }
0x91: {  	s15 =	simm.s32 $0xA;
	s4 =	simm.s32 $0x10  }
0x92: {  	[smem:s4], [sflag:s15] =	dma.local [hbm:s2], $0x1  }
0x93: {  	_ =	swait.eq [sflag:s15], $0x1  }
0x94: {  	[sflag:s15] =	ssyncset.done $0x0  }
0x95: {  	[sflag:s15] =	ssyncadd.s32 $0xFFFFFFFF  }
0x96: {  	s16 =	sld [smem:$0x11];
	(tm) =	ssettm $0x1  }
0x97: {  	s17 =	sld [smem:$0x3FFB];
	_ =	sdelay $0x3  }
0x98: {  	_ =	strace s17  }
0x99: {  	s3 =	sld [smem:$0x3FFC];
	_ =	sdelay $0x3  }
0x9a: {  	_ =	strace s3  }
0x9b: {  	s3 =	sld [smem:$0x3FFD];
	_ =	sdelay $0x3  }
0x9c: {  	_ =	strace s3  }
0x9d: {  	_ =	strace $0x8FFFFFFF  }
0x9e: {  	s18 =	sld [smem:$0x3FDB];
	_ =	sdelay $0x1  }
0x9f: {  	s19 =	simm.s32 $_scs_section_size  }
0xa0: {  	s5 =	simm.s32 $_size__tile_overlayer_lowered;
	s6 =	simm.s32 $_tile_overlayer_lowered  }
0xa1: {  	s22 =	simm.s32 $0x1BFF;
	s21 =	sshll.u32 s6, $0x1;
	s3 =	sadd.s32 s19, s18  }
0xa2: {  	s7 =	simm.s32 $0x0;
	s20 =	sshll.u32 s5, $0x1;
	s5 =	sadd.s32 s21, s3  }
0xa3: {  	[timem:s7], [sflag:s22] =	dma.local [hbm:s5], s20  }
0xa4: {  	_ =	swait.ge [sflag:s22], s20  }
0xa5: {  	s4 =	ssub.s32 $0x0, s20;
	[sflag:s22] =	ssyncset.done $0x0  }
0xa6: {  	[sflag:s22] =	ssyncadd.s32 s4;
	_ =	sdelay $0x1  }
0xa7: {  	s23 =	simm.s32 $0x1B8B  }
0xa8: {  	_ =	swait.ge [sflag:s23], $0x1  }
0xa9: {  	[sflag:s23] =	ssyncset.done $0x0  }
0xaa: {  	s25 =	simm.s32 $0x1B8E;
	s24 =	sld [smem:$0x3FFE];
	[sflag:s23] =	ssyncadd.s32 $0xFFFFFFFF  }
0xab: {  	s26 =	simm.s32 $execute0_lowered;
	[smem:$0x3FD2] =	sst s25  }
0xac: {  	s5 =	sshll.u32 s26, $0x1;
	_ =	strace $0x80000046;
	[dreg:$0x1] =	wrdreg $0xFFFFFFFF  }
0xad: {  	s28 =	simm.s32 $_size_execute0_lowered;
	s3 =	sadd.s32 s3, s5;
	[dreg:$0x0] =	wrdreg $0x0  }
0xae: {  	s5 =	sshll.u32 s28, $0x1;
	[dreg:$0x2] =	wrdreg s3  }
0xaf: {  	[dreg:$0x3] =	wrdreg s5  }
0xb0: {  	[dreg:$0x4] =	wrdreg $0xC0  }
0xb1: {  	_ =	task [dreg:s7], $0x5FFFF  }
0xb2: {  	[dreg:$0x1] =	wrdreg $0xFFFFFFFF  }
0xb3: {  	[dreg:$0x0] =	wrdreg $0x60  }
0xb4: {  	[dreg:$0x2] =	wrdreg s16  }
0xb5: {  	[dreg:$0x3] =	wrdreg s24  }
0xb6: {  	[dreg:$0x4] =	wrdreg $0x68000  }
0xb7: {  	[dreg:$0x5] =	wrdreg $0x9  }
0xb8: {  	_ =	task.clear_ibuf [dreg:s7], $0x6FFFF;
	_ =	strace $0x90000046  }
0xb9: {  	s29 =	simm.s32 $0x9;
	_ =	strace $0x80000048  }
0xba: {  	_ =	swait.ge [sflag:s29], $0x1  }
0xbb: {  	[sflag:s29] =	ssyncadd.s32 $0xFFFFFFFF  }
0xbc: {  	_ =	strace $0x90000048  }
0xbd: {  	_ =	sfence  }
0xbe: {  	s30 =	sld [smem:$0x0];
	_ =	sdelay $0x2  }
0xbf: {  	s31 =	sshll.u32 s1, $0xD;
	s1 =	sshrl.u32 s1, $0x2  }
0xc0: {  	s3 =	sand.u32 $0x4000, s31;
	s1 =	sadd.s32 s1, s30  }
0xc1: {  	s0 =	sor.u32 s3, s0;
	s1 =	sshll.u32 s1, $0x11  }
0xc2: {  	s0 =	sor.u32 s1, s0  }
0xc3: {  	s0 =	sadd.s32 $0x8F2B, s0  }
0xc4: {  	[sflag:s0] =	ssyncadd.remote.s32 $0x1  }
0xc5: {  	_ =	sfence.sel $0xFFFF  }
0xc6: {  	[dreg:$0x0] =	wrdreg $0xFFFFFFFF;
	(pc) =	sbr.abs _section_cstart, $3  }
0xc7: {  	[dreg:$0x1] =	wrdreg $0xFFFFFFFF  }
0xc8: {  	_ =	task.clear_ibuf [dreg:s7], $0x2FFFF;
	_ =	strace $0x9FFFFFFF  }
0xc9: {  	(tm) =	ssettm $0x7FFFFFFF  }
tec
execute0_lowered:
.L_overlay_start_1:
0x0: {  	(tag) =	ssettag $0x1  }
0x1: {  	s7 =	rddreg [dreg:$0x0]  }
0x2: {  	s6 =	rddreg [dreg:$0x1]  }
0x3: {  	s1 =	rddreg [dreg:$0x2]  }
0x4: {  	s2 =	srdreg.scid;
	s0 =	rddreg [dreg:$0x3];
	s3 =	simm.s32 $0x0  }
0x5: {  	s12 =	simm.s32 $0x2800;
	s13 =	simm.s32 $0x80;
	s14 =	simm.s32 $0x100  }
0x6: {  	s15 =	simm.s32 $0x180;
	s16 =	simm.s32 $0x1;
	s17 =	simm.s32 $0x2  }
0x7: {  	s18 =	simm.s32 $0x3;
	s19 =	simm.s32 $0x4;
	s8 =	sand.u32 $0x1, s2  }
0x8: {  	s20 =	simm.s32 $0x0;
	s2 =	stileid.u32;
	s9 =	smul.u32 $0x140000, s8  }
0x9: {  	[smem:$0x7FF] =	sst s3;
	s4 =	sadd.s32 $0x3400, s6;
	s10 =	smul.u32 $0x14000, s2  }
0xa: {  	s5 =	sadd.s32 $0x3C00, s6;
	_ =	strace $0x80000047;
	s26 =	smul.u32 $0x50000, s2  }
0xb: {  	s11 =	sshll.u32 s8, $0x4;
	s28 =	ssub.s32 $0x2, s8;
	s31 =	sshll.u32 s2, $0x6  }
0xc: {  	s29 =	sor.u32 s2, s11;
	s30 =	sshrl.u32 s28, $0x1;
	s9 =	sadd.s32 s10, s9  }
0xd: {  	s10 =	sshrl.u32 s26, $0x2;
	s8 =	smul.u32 $0x500, s29;
	s9 =	sshrl.u32 s9, $0x3  }
0xe: {  	s11 =	ssub.s32 s28, s30;
	s10 =	sadd.s32 s10, s1;
	s9 =	sadd.s32 s9, s6  }
0xf: {  	s6 =	sor.u32 $0x1C05, s31;
	s7 =	sadd.s32 s7, s8;
	s10 =	sshrl.u32 s10, $0x3  }
0x10: {  	s8 =	sadd.s32 $0x6400, s9;
	s9 =	smax.u32 s11, $0x1;
	s11 =	simm.s32 $0x5  }
.LBB2_1:
0x11: {  	[spmem:s10], [sflag:s6] =	dma.local [hbm:s5], $0x2800  }
0x12: {  	_ =	swait.ge [sflag:s11], $0x2800  }
0x13: {  	[sflag:s11] =	ssyncset.done $0x0  }
0x14: {  	[sflag:s11] =	ssyncadd.s32 $0xFFFFD800  }
0x15: {  	[tilespmem:s3], [sflag:$0x5] =	stream.linear.gather [hbm4b:s7+s3], $0x2800, $0x38;
	[tilespmem:$0x1A800] =	vst v63  }
0x16: {  	_ =	swait.ge [sflag:s11], $0x2800  }
0x17: {  	[sflag:s11] =	ssyncset.done $0x0  }
0x18: {  	[sflag:s11] =	ssyncadd.s32 $0xFFFFD800  }
0x19: {  	[tilespmem:s12], [sflag:$0x5] =	stream.linear.gather [hbm4b:s4+s3], $0x4000, $0x38;
	[tilespmem:$0x1A800] =	vst v63  }
0x1a: {  	_ =	swait.ge [sflag:s11], $0x4000  }
0x1b: {  	[sflag:s11] =	ssyncset.done $0x0  }
0x1c: {  	[sflag:s11] =	ssyncadd.s32 $0xFFFFC000  }
0x1d: {  	[bflag:$0x0] =	sbarrier.arrive $0xFFFF  }
0x1e: {  	[spmem:s1] =	stream.indirect.scatter.add.f32 [tilespmem:s12], [sflag:$0x1], $0x80, s3, s13, $0xb8;
	[tilespmem:$0x1A800] =	vst v63  }
0x1f: {  	_ = 	snop  }
0x20: {  	[spmem:s1] =	stream.indirect.scatter.add.f32 [tilespmem:s12], [sflag:$0x2], $0x80, s13, s13, $0xb8;
	[tilespmem:$0x1A800] =	vst v63  }
0x21: {  	_ = 	snop  }
0x22: {  	[spmem:s1] =	stream.indirect.scatter.add.f32 [tilespmem:s12], [sflag:$0x3], $0x80, s14, s13, $0xb8;
	[tilespmem:$0x1A800] =	vst v63  }
0x23: {  	_ = 	snop  }
0x24: {  	[spmem:s1] =	stream.indirect.scatter.add.f32 [tilespmem:s12], [sflag:$0x4], $0x80, s15, s13, $0xb8;
	[tilespmem:$0x1A800] =	vst v63  }
0x25: {  	_ =	swait.ge [sflag:s16], $0x4000  }
0x26: {  	[sflag:s16] =	ssyncset.done $0x0  }
0x27: {  	s21 =	simm.s32 $0x200;
	[sflag:s16] =	ssyncadd.s32 $0xFFFFC000  }
0x28: {  	[spmem:s1] =	stream.indirect.scatter.add.f32 [tilespmem:s12], [sflag:$0x1], $0x80, s21, s13, $0xb8;
	[tilespmem:$0x1A800] =	vst v63  }
0x29: {  	_ =	swait.ge [sflag:s17], $0x4000  }
0x2a: {  	[sflag:s17] =	ssyncset.done $0x0  }
0x2b: {  	s30 =	simm.s32 $0x280;
	[sflag:s17] =	ssyncadd.s32 $0xFFFFC000  }
0x2c: {  	[spmem:s1] =	stream.indirect.scatter.add.f32 [tilespmem:s12], [sflag:$0x2], $0x80, s30, s13, $0xb8;
	[tilespmem:$0x1A800] =	vst v63  }
0x2d: {  	_ =	swait.ge [sflag:s18], $0x4000  }
0x2e: {  	[sflag:s18] =	ssyncset.done $0x0  }
0x2f: {  	s31 =	simm.s32 $0x300;
	[sflag:s18] =	ssyncadd.s32 $0xFFFFC000  }
0x30: {  	[spmem:s1] =	stream.indirect.scatter.add.f32 [tilespmem:s12], [sflag:$0x3], $0x80, s31, s13, $0xb8;
	[tilespmem:$0x1A800] =	vst v63  }
0x31: {  	_ =	swait.ge [sflag:s19], $0x4000  }
0x32: {  	[sflag:s19] =	ssyncset.done $0x0  }
0x33: {  	s22 =	simm.s32 $0x380;
	s21 =	simm.s32 $0xFFFF7000;
	[sflag:s19] =	ssyncadd.s32 $0xFFFFC000  }
.LBB2_2:
0x34: {  	[spmem:s1] =	stream.indirect.scatter.add.f32 [tilespmem:s12], [sflag:$0x4], $0x80, s22, s13, $0xb8;
	[tilespmem:$0x1A800] =	vst v63  }
0x35: {  	s22 =	smov.u32 s21  }
0x36: {  	p0 =	sne.s32 s21, $0xFFFFF800;
	s21 =	sadd.s32 $0x800, s21;
	_ =	swait.ge [sflag:s16], $0x4000  }
0x37: {  	s22 =	sshra.s32 s22, $0x2;
	[sflag:s16] =	ssyncset.done $0x0  }
0x38: {  	s23 =	sadd.s32 $0x2800, s22;
	[sflag:s16] =	ssyncadd.s32 $0xFFFFC000  }
0x39: {  	[spmem:s1] =	stream.indirect.scatter.add.f32 [tilespmem:s12], [sflag:$0x1], $0x80, s23, s13, $0xb8;
	[tilespmem:$0x1A800] =	vst v63  }
0x3a: {  	_ =	swait.ge [sflag:s17], $0x4000  }
0x3b: {  	[sflag:s17] =	ssyncset.done $0x0  }
0x3c: {  	s23 =	sadd.s32 $0x2880, s22;
	[sflag:s17] =	ssyncadd.s32 $0xFFFFC000  }
0x3d: {  	[spmem:s1] =	stream.indirect.scatter.add.f32 [tilespmem:s12], [sflag:$0x2], $0x80, s23, s13, $0xb8;
	[tilespmem:$0x1A800] =	vst v63  }
0x3e: {  	_ =	swait.ge [sflag:s18], $0x4000  }
0x3f: {  	[sflag:s18] =	ssyncset.done $0x0  }
.Ltmp0:
0x40: {  	s23 =	sadd.s32 $0x2900, s22;
	[sflag:s18] =	ssyncadd.s32 $0xFFFFC000;
	(pc) =	sbr.rel @p0 .LBB2_2-.Ltmp0, $4  }
0x41: {  	[spmem:s1] =	stream.indirect.scatter.add.f32 [tilespmem:s12], [sflag:$0x3], $0x80, s23, s13, $0xb8;
	[tilespmem:$0x1A800] =	vst v63  }
0x42: {  	_ =	swait.ge [sflag:s19], $0x4000  }
0x43: {  	[sflag:s19] =	ssyncset.done $0x0  }
0x44: {  	s22 =	sadd.s32 $0x2980, s22;
	[sflag:s19] =	ssyncadd.s32 $0xFFFFC000  }
0x45: {  	[spmem:s1] =	stream.indirect.scatter.add.f32 [tilespmem:s12], [sflag:$0x4], $0x80, s22, s13, $0xb8;
	[tilespmem:$0x1A800] =	vst v63  }
0x46: {  	_ =	swait.ge [sflag:s16], $0x4000  }
0x47: {  	[sflag:s16] =	ssyncset.done $0x0  }
0x48: {  	[sflag:s16] =	ssyncadd.s32 $0xFFFFC000  }
0x49: {  	_ =	swait.ge [sflag:s17], $0x4000  }
0x4a: {  	[sflag:s17] =	ssyncset.done $0x0  }
0x4b: {  	[sflag:s17] =	ssyncadd.s32 $0xFFFFC000  }
0x4c: {  	_ =	swait.ge [sflag:s18], $0x4000  }
0x4d: {  	[sflag:s18] =	ssyncset.done $0x0  }
0x4e: {  	[sflag:s18] =	ssyncadd.s32 $0xFFFFC000  }
0x4f: {  	_ =	swait.ge [sflag:s19], $0x4000  }
0x50: {  	s20 =	sadd.s32 $0x1, s20;
	[sflag:s19] =	ssyncset.done $0x0  }
0x51: {  	p0 =	sne.s32 s20, s9;
	[sflag:s19] =	ssyncadd.s32 $0xFFFFC000  }
.Ltmp1:
0x52: {  	[bflag:$0x0] =	sbarrier.arrive $0xFFFF;
	(pc) =	sbr.rel @p0 .LBB2_1-.Ltmp1, $4  }
0x53: {  	[hbm:s8], [sflag:s6] =	dma.local [spmem:s10], $0x2800  }
0x54: {  	_ =	swait.ge [sflag:s11], $0x2800  }
0x55: {  	[sflag:s11] =	ssyncset.done $0x0  }
0x56: {  	[sflag:s11] =	ssyncadd.s32 $0xFFFFD800  }
0x57: {  	_ =	sfence.sel $0x180000  }
0x58: {  	[bflag:$0x0] =	sbarrier.arrive $0xFFFF  }
0x59: {  	p0 =	sne.s32 s2, $0x0;
	_ =	strace $0x90000047  }
0x5a: {  	s0 =	sadd.s32 @!p0 $0x100000, s0;
	[bflag:$0x2] =	sbarrier.arrive $0xFFFF  }
0x5b: {  	[sflag:s0] =	ssyncadd.tile.s32 @!p0 $0x1;
	_ =	shalt  }
.Lfunc_end2:
_tile_overlayer_lowered:
.L_overlay_start_2:
0x5c: {  	(tag) =	ssettag $0x2  }
0x5d: {  	s0 =	rddreg [dreg:$0x0];
	s2 =	stileid.u32  }
0x5e: {  	s1 =	rddreg [dreg:$0x1];
	p0 =	sne.s32 s2, $0x0  }
0x5f: {  	s3 =	rddreg [dreg:$0x2];
	[bflag:$0x3] =	sbarrier.arrive $0xFFFF;
	s2 =	simm.s32 @!p0 $0x1C05  }
0x60: {  	[timem:s3], [sflag:s2] =	dma.local @!p0 [hbm:s0], s1  }
0x61: {  	s0 =	simm.s32 @!p0 $0x5  }
0x62: {  	_ =	swait.ge @!p0 [sflag:s0], s1  }
0x63: {  	s1 =	ssub.s32 @!p0 $0x0, s1;
	[sflag:s0] =	ssyncset.done @!p0 $0x0  }
0x64: {  	[sflag:s0] =	ssyncadd.s32 @!p0 s1  }
0x65: {  	[bflag:$0x3] =	sbarrier.arrive $0xFFFF  }
0x66: {  	_ =	shalt  }

</sc_bundles>
